<compile_context>
chip_gen: v7x
topology: tpu7x:2x2x1
jax: 0.10.2.dev20260603
libtpu: 0.0.44.dev20260713+nightly
codegen_flags: <defaults>
</compile_context>

<pallas_src>
import jax
import jax.numpy as jnp
from jax import lax
from jax.experimental import pallas as pl
from jax.experimental.pallas import tpu as pltpu
from jax.experimental.pallas import tpu_sc as plsc

NUM_CLASSES = 1000
ROWS = 16384

try:
    _info = plsc.get_sparse_core_info()
    NC, NS, L = _info.num_cores, _info.num_subcores, _info.num_lanes
except Exception:
    NC, NS, L = 2, 16, 16
NW = NC * NS
IPW = ROWS // NW
CC = 40
NCHUNK = NUM_CLASSES // CC
NBUF = 3
NGRP = IPW // L


def _zero_buf(buf):
    zv = jnp.zeros((L,), jnp.float32)

    def body(i, carry):
        off = i * L
        for r in range(CC):
            buf[r, pl.ds(off, L)] = zv
        return carry

    lax.fori_loop(0, IPW // L, body, 0)


def _onehot_sc(x_hbm, out_hbm, idx_v, buf0, buf1, buf2, sem0, sem1, sem2, isem):
    wid = lax.axis_index("s") * NC + lax.axis_index("c")
    ibase = wid * IPW
    idx_dma = pltpu.async_copy(x_hbm.at[pl.ds(ibase, IPW)], idx_v, isem)

    iota = lax.iota(jnp.int32, L)
    ones = jnp.full((L,), 1.0, jnp.float32)
    zeros = jnp.zeros((L,), jnp.float32)
    bufs = (buf0, buf1, buf2)
    sems = (sem0, sem1, sem2)
    handles = [None] * NBUF

    for k in range(NCHUNK):
        b = k % NBUF
        buf = bufs[b]
        if k < NBUF:
            _zero_buf(buf)
            if k == 0:
                idx_dma.wait()
        else:
            handles[b].wait()
        c_new = k * CC
        c_old = (k - NBUF) * CC

        def scan_body(g, carry, buf=buf, c_new=c_new, c_old=c_old, first=(k < NBUF)):
            v = idx_v[pl.ds(g * L, L)]
            cols = iota + g * L
            if not first:
                m_old = (v >= c_old) & (v < c_old + CC)
                plsc.store_scatter(buf, [v - c_old, cols], zeros, mask=m_old)
            m_new = (v >= c_new) & (v < c_new + CC)
            plsc.store_scatter(buf, [v - c_new, cols], ones, mask=m_new)
            return carry

        lax.fori_loop(0, NGRP, scan_body, 0)
        handles[b] = pltpu.async_copy(
            buf,
            out_hbm.at[pl.ds(c_new, CC), pl.ds(ibase, IPW)],
            sems[b],
        )
    for b in range(NBUF):
        handles[b].wait()


def kernel(x):
    xf = jnp.reshape(x, (ROWS,))
    mesh = plsc.VectorSubcoreMesh(core_axis_name="c", subcore_axis_name="s")
    out_t = pl.kernel(
        _onehot_sc,
        mesh=mesh,
        compiler_params=pltpu.CompilerParams(
            use_tc_tiling_on_sc=True, needs_layout_passes=False
        ),
        out_type=jax.ShapeDtypeStruct((NUM_CLASSES, ROWS), jnp.float32),
        scratch_types=[
            pltpu.VMEM((IPW,), jnp.int32),
            pltpu.VMEM((CC, IPW), jnp.float32),
            pltpu.VMEM((CC, IPW), jnp.float32),
            pltpu.VMEM((CC, IPW), jnp.float32),
            pltpu.SemaphoreType.DMA,
            pltpu.SemaphoreType.DMA,
            pltpu.SemaphoreType.DMA,
            pltpu.SemaphoreType.DMA,
        ],
    )(xf)
    return out_t.T

# --- scband reference (transcript-rebuilt; emitter-appended) ---
"""Pipeline reference for scband-one-hot-34608846471267 (READ-ONLY COPY).

The authoritative reference and input builder live on the scoring server;
editing this copy changes nothing except your own understanding.
"""

import jax, jax.numpy as jnp
import numpy as np

NUM_CLASSES = 1000

def setup_inputs(seed: int = 0) -> dict:
    key = jax.random.key(seed)
    x = jax.random.randint(key, (16384, 1), 0, NUM_CLASSES, dtype=jnp.int64 if jax.config.jax_enable_x64 else jnp.int32)
    return {"x": x}

def reference(x) -> jnp.ndarray:
    # Faithful translation of K.one_hot(x, num_classes) followed by reshape to (-1, num_classes).
    one_h_enc = jax.nn.one_hot(x, NUM_CLASSES, dtype=jnp.float32)
    return jnp.reshape(one_h_enc, (-1, NUM_CLASSES))

if __name__ == "__main__":
    import jax
    _d = setup_inputs()
    print(jax.jit(kernel)(*tuple(_d.values())))

</pallas_src>

<mosaic_0001>
#map = affine_map<(d0, d1) -> (0)>
#map1 = affine_map<(d0, d1) -> (0, 0)>
module attributes {stable_mosaic.version = 14 : i64} {
  func.func @_onehot_sc(%arg0: i32, %arg1: i32, %arg2: memref<16384xi32, #tpu.memory_space<hbm>>, %arg3: memref<1000x16384xf32, #tpu.memory_space<hbm>>, %arg4: memref<512xi32, #tpu.memory_space<vmem>>, %arg5: memref<40x512xf32, #tpu.memory_space<vmem>>, %arg6: memref<40x512xf32, #tpu.memory_space<vmem>>, %arg7: memref<40x512xf32, #tpu.memory_space<vmem>>, %arg8: memref<!tpu.dma_semaphore, #tpu.memory_space<semaphore_mem>>, %arg9: memref<!tpu.dma_semaphore, #tpu.memory_space<semaphore_mem>>, %arg10: memref<!tpu.dma_semaphore, #tpu.memory_space<semaphore_mem>>, %arg11: memref<!tpu.dma_semaphore, #tpu.memory_space<semaphore_mem>>) attributes {dimension_semantics = [#tpu.dimension_semantics<core_parallel>, #tpu.dimension_semantics<subcore_parallel>], iteration_bounds = array<i64: 2, 16>, scalar_prefetch = 0 : i64, scratch_operands = 8 : i64, tpu.core_type = #tpu.core_type<sc_vector_subcore>, window_params = [{transform_indices = #map}, {transform_indices = #map1}]} {
    %mul3A = arith.constant 2 : i32
    %mul3A_0 = arith.muli %arg1, %mul3A : i32
    %add3A = arith.addi %mul3A_0, %arg0 : i32
    %mul3A_1 = arith.constant 512 : i32
    %mul3A_2 = arith.muli %add3A, %mul3A_1 : i32
    %dma_start3A = tpu.memref_slice %arg2[%mul3A_2] : memref<16384xi32, #tpu.memory_space<hbm>> -> memref<512xi32, #tpu.memory_space<hbm>>
    %dma_start3A_3 = tpu.memref_slice %arg2[%mul3A_2] : memref<16384xi32, #tpu.memory_space<hbm>> -> memref<512xi32, #tpu.memory_space<hbm>>
    tpu.enqueue_dma source(%dma_start3A_3 : memref<512xi32, #tpu.memory_space<hbm>>) target(%arg4 : memref<512xi32, #tpu.memory_space<vmem>>) target_semaphore(%arg11 : memref<!tpu.dma_semaphore, #tpu.memory_space<semaphore_mem>>)
    %iota3A = tpu.iota {dimensions = array<i32: 0>} : vector<16xi32>
    %broadcast_in_dim3A = arith.constant 1.000000e+00 : f32
    %broadcast_in_dim3A_4 = vector.broadcast %broadcast_in_dim3A : f32 to vector<16xf32>
    %broadcast_in_dim3A_5 = arith.constant 0.000000e+00 : f32
    %broadcast_in_dim3A_6 = vector.broadcast %broadcast_in_dim3A_5 : f32 to vector<16xf32>
    %broadcast_in_dim3A_7 = arith.constant 0.000000e+00 : f32
    %broadcast_in_dim3A_8 = vector.broadcast %broadcast_in_dim3A_7 : f32 to vector<16xf32>
    %scan3A = arith.constant 0 : i32
    %scan3A_9 = arith.constant 0 : i32
    %scan3A_10 = arith.constant 32 : i32
    %scan3A_11 = arith.addi %scan3A_9, %scan3A_10 : i32
    %scan3A_12 = arith.constant 1 : i32
    scf.for %scan3A_381 = %scan3A_9 to %scan3A_11 step %scan3A_12  : i32 {
      %mul3A_382 = arith.constant 16 : i32
      %mul3A_383 = arith.muli %scan3A_381, %mul3A_382 : i32
      %swap3A = arith.constant 0 : i32
      %swap3A_384 = arith.index_cast %swap3A : i32 to index
      %swap3A_385 = arith.index_cast %mul3A_383 : i32 to index
      %swap3A_386 = tpu.vector_load %arg5[%swap3A_384, %swap3A_385] {strides = array<i32>} : memref<40x512xf32, #tpu.memory_space<vmem>>, vector<16xf32>,
      tpu.vector_store %arg5[%swap3A_384, %swap3A_385], %broadcast_in_dim3A_8 {strides = array<i32>} : memref<40x512xf32, #tpu.memory_space<vmem>>, vector<16xf32>,
      %swap3A_387 = arith.constant 1 : i32
      %swap3A_388 = arith.index_cast %swap3A_387 : i32 to index
      %swap3A_389 = arith.index_cast %mul3A_383 : i32 to index
      %swap3A_390 = tpu.vector_load %arg5[%swap3A_388, %swap3A_389] {strides = array<i32>} : memref<40x512xf32, #tpu.memory_space<vmem>>, vector<16xf32>,
      tpu.vector_store %arg5[%swap3A_388, %swap3A_389], %broadcast_in_dim3A_8 {strides = array<i32>} : memref<40x512xf32, #tpu.memory_space<vmem>>, vector<16xf32>,
      %swap3A_391 = arith.constant 2 : i32
      %swap3A_392 = arith.index_cast %swap3A_391 : i32 to index
      %swap3A_393 = arith.index_cast %mul3A_383 : i32 to index
      %swap3A_394 = tpu.vector_load %arg5[%swap3A_392, %swap3A_393] {strides = array<i32>} : memref<40x512xf32, #tpu.memory_space<vmem>>, vector<16xf32>,
      tpu.vector_store %arg5[%swap3A_392, %swap3A_393], %broadcast_in_dim3A_8 {strides = array<i32>} : memref<40x512xf32, #tpu.memory_space<vmem>>, vector<16xf32>,
      %swap3A_395 = arith.constant 3 : i32
      %swap3A_396 = arith.index_cast %swap3A_395 : i32 to index
      %swap3A_397 = arith.index_cast %mul3A_383 : i32 to index
      %swap3A_398 = tpu.vector_load %arg5[%swap3A_396, %swap3A_397] {strides = array<i32>} : memref<40x512xf32, #tpu.memory_space<vmem>>, vector<16xf32>,
      tpu.vector_store %arg5[%swap3A_396, %swap3A_397], %broadcast_in_dim3A_8 {strides = array<i32>} : memref<40x512xf32, #tpu.memory_space<vmem>>, vector<16xf32>,
      %swap3A_399 = arith.constant 4 : i32
      %swap3A_400 = arith.index_cast %swap3A_399 : i32 to index
      %swap3A_401 = arith.index_cast %mul3A_383 : i32 to index
      %swap3A_402 = tpu.vector_load %arg5[%swap3A_400, %swap3A_401] {strides = array<i32>} : memref<40x512xf32, #tpu.memory_space<vmem>>, vector<16xf32>,
      tpu.vector_store %arg5[%swap3A_400, %swap3A_401], %broadcast_in_dim3A_8 {strides = array<i32>} : memref<40x512xf32, #tpu.memory_space<vmem>>, vector<16xf32>,
      %swap3A_403 = arith.constant 5 : i32
      %swap3A_404 = arith.index_cast %swap3A_403 : i32 to index
      %swap3A_405 = arith.index_cast %mul3A_383 : i32 to index
      %swap3A_406 = tpu.vector_load %arg5[%swap3A_404, %swap3A_405] {strides = array<i32>} : memref<40x512xf32, #tpu.memory_space<vmem>>, vector<16xf32>,
      tpu.vector_store %arg5[%swap3A_404, %swap3A_405], %broadcast_in_dim3A_8 {strides = array<i32>} : memref<40x512xf32, #tpu.memory_space<vmem>>, vector<16xf32>,
      %swap3A_407 = arith.constant 6 : i32
      %swap3A_408 = arith.index_cast %swap3A_407 : i32 to index
      %swap3A_409 = arith.index_cast %mul3A_383 : i32 to index
      %swap3A_410 = tpu.vector_load %arg5[%swap3A_408, %swap3A_409] {strides = array<i32>} : memref<40x512xf32, #tpu.memory_space<vmem>>, vector<16xf32>,
      tpu.vector_store %arg5[%swap3A_408, %swap3A_409], %broadcast_in_dim3A_8 {strides = array<i32>} : memref<40x512xf32, #tpu.memory_space<vmem>>, vector<16xf32>,
      %swap3A_411 = arith.constant 7 : i32
      %swap3A_412 = arith.index_cast %swap3A_411 : i32 to index
      %swap3A_413 = arith.index_cast %mul3A_383 : i32 to index
      %swap3A_414 = tpu.vector_load %arg5[%swap3A_412, %swap3A_413] {strides = array<i32>} : memref<40x512xf32, #tpu.memory_space<vmem>>, vector<16xf32>,
      tpu.vector_store %arg5[%swap3A_412, %swap3A_413], %broadcast_in_dim3A_8 {strides = array<i32>} : memref<40x512xf32, #tpu.memory_space<vmem>>, vector<16xf32>,
      %swap3A_415 = arith.constant 8 : i32
      %swap3A_416 = arith.index_cast %swap3A_415 : i32 to index
      %swap3A_417 = arith.index_cast %mul3A_383 : i32 to index
      %swap3A_418 = tpu.vector_load %arg5[%swap3A_416, %swap3A_417] {strides = array<i32>} : memref<40x512xf32, #tpu.memory_space<vmem>>, vector<16xf32>,
      tpu.vector_store %arg5[%swap3A_416, %swap3A_417], %broadcast_in_dim3A_8 {strides = array<i32>} : memref<40x512xf32, #tpu.memory_space<vmem>>, vector<16xf32>,
      %swap3A_419 = arith.constant 9 : i32
      %swap3A_420 = arith.index_cast %swap3A_419 : i32 to index
      %swap3A_421 = arith.index_cast %mul3A_383 : i32 to index
      %swap3A_422 = tpu.vector_load %arg5[%swap3A_420, %swap3A_421] {strides = array<i32>} : memref<40x512xf32, #tpu.memory_space<vmem>>, vector<16xf32>,
      tpu.vector_store %arg5[%swap3A_420, %swap3A_421], %broadcast_in_dim3A_8 {strides = array<i32>} : memref<40x512xf32, #tpu.memory_space<vmem>>, vector<16xf32>,
      %swap3A_423 = arith.constant 10 : i32
      %swap3A_424 = arith.index_cast %swap3A_423 : i32 to index
      %swap3A_425 = arith.index_cast %mul3A_383 : i32 to index
      %swap3A_426 = tpu.vector_load %arg5[%swap3A_424, %swap3A_425] {strides = array<i32>} : memref<40x512xf32, #tpu.memory_space<vmem>>, vector<16xf32>,
      tpu.vector_store %arg5[%swap3A_424, %swap3A_425], %broadcast_in_dim3A_8 {strides = array<i32>} : memref<40x512xf32, #tpu.memory_space<vmem>>, vector<16xf32>,
      %swap3A_427 = arith.constant 11 : i32
      %swap3A_428 = arith.index_cast %swap3A_427 : i32 to index
      %swap3A_429 = arith.index_cast %mul3A_383 : i32 to index
      %swap3A_430 = tpu.vector_load %arg5[%swap3A_428, %swap3A_429] {strides = array<i32>} : memref<40x512xf32, #tpu.memory_space<vmem>>, vector<16xf32>,
      tpu.vector_store %arg5[%swap3A_428, %swap3A_429], %broadcast_in_dim3A_8 {strides = array<i32>} : memref<40x512xf32, #tpu.memory_space<vmem>>, vector<16xf32>,
      %swap3A_431 = arith.constant 12 : i32
      %swap3A_432 = arith.index_cast %swap3A_431 : i32 to index
      %swap3A_433 = arith.index_cast %mul3A_383 : i32 to index
      %swap3A_434 = tpu.vector_load %arg5[%swap3A_432, %swap3A_433] {strides = array<i32>} : memref<40x512xf32, #tpu.memory_space<vmem>>, vector<16xf32>,
      tpu.vector_store %arg5[%swap3A_432, %swap3A_433], %broadcast_in_dim3A_8 {strides = array<i32>} : memref<40x512xf32, #tpu.memory_space<vmem>>, vector<16xf32>,
      %swap3A_435 = arith.constant 13 : i32
      %swap3A_436 = arith.index_cast %swap3A_435 : i32 to index
      %swap3A_437 = arith.index_cast %mul3A_383 : i32 to index
      %swap3A_438 = tpu.vector_load %arg5[%swap3A_436, %swap3A_437] {strides = array<i32>} : memref<40x512xf32, #tpu.memory_space<vmem>>, vector<16xf32>,
      tpu.vector_store %arg5[%swap3A_436, %swap3A_437], %broadcast_in_dim3A_8 {strides = array<i32>} : memref<40x512xf32, #tpu.memory_space<vmem>>, vector<16xf32>,
      %swap3A_439 = arith.constant 14 : i32
      %swap3A_440 = arith.index_cast %swap3A_439 : i32 to index
      %swap3A_441 = arith.index_cast %mul3A_383 : i32 to index
      %swap3A_442 = tpu.vector_load %arg5[%swap3A_440, %swap3A_441] {strides = array<i32>} : memref<40x512xf32, #tpu.memory_space<vmem>>, vector<16xf32>,
      tpu.vector_store %arg5[%swap3A_440, %swap3A_441], %broadcast_in_dim3A_8 {strides = array<i32>} : memref<40x512xf32, #tpu.memory_space<vmem>>, vector<16xf32>,
      %swap3A_443 = arith.constant 15 : i32
      %swap3A_444 = arith.index_cast %swap3A_443 : i32 to index
      %swap3A_445 = arith.index_cast %mul3A_383 : i32 to index
      %swap3A_446 = tpu.vector_load %arg5[%swap3A_444, %swap3A_445] {strides = array<i32>} : memref<40x512xf32, #tpu.memory_space<vmem>>, vector<16xf32>,
      tpu.vector_store %arg5[%swap3A_444, %swap3A_445], %broadcast_in_dim3A_8 {strides = array<i32>} : memref<40x512xf32, #tpu.memory_space<vmem>>, vector<16xf32>,
      %swap3A_447 = arith.constant 16 : i32
      %swap3A_448 = arith.index_cast %swap3A_447 : i32 to index
      %swap3A_449 = arith.index_cast %mul3A_383 : i32 to index
      %swap3A_450 = tpu.vector_load %arg5[%swap3A_448, %swap3A_449] {strides = array<i32>} : memref<40x512xf32, #tpu.memory_space<vmem>>, vector<16xf32>,
      tpu.vector_store %arg5[%swap3A_448, %swap3A_449], %broadcast_in_dim3A_8 {strides = array<i32>} : memref<40x512xf32, #tpu.memory_space<vmem>>, vector<16xf32>,
      %swap3A_451 = arith.constant 17 : i32
      %swap3A_452 = arith.index_cast %swap3A_451 : i32 to index
      %swap3A_453 = arith.index_cast %mul3A_383 : i32 to index
      %swap3A_454 = tpu.vector_load %arg5[%swap3A_452, %swap3A_453] {strides = array<i32>} : memref<40x512xf32, #tpu.memory_space<vmem>>, vector<16xf32>,
      tpu.vector_store %arg5[%swap3A_452, %swap3A_453], %broadcast_in_dim3A_8 {strides = array<i32>} : memref<40x512xf32, #tpu.memory_space<vmem>>, vector<16xf32>,
      %swap3A_455 = arith.constant 18 : i32
      %swap3A_456 = arith.index_cast %swap3A_455 : i32 to index
      %swap3A_457 = arith.index_cast %mul3A_383 : i32 to index
      %swap3A_458 = tpu.vector_load %arg5[%swap3A_456, %swap3A_457] {strides = array<i32>} : memref<40x512xf32, #tpu.memory_space<vmem>>, vector<16xf32>,
      tpu.vector_store %arg5[%swap3A_456, %swap3A_457], %broadcast_in_dim3A_8 {strides = array<i32>} : memref<40x512xf32, #tpu.memory_space<vmem>>, vector<16xf32>,
      %swap3A_459 = arith.constant 19 : i32
      %swap3A_460 = arith.index_cast %swap3A_459 : i32 to index
      %swap3A_461 = arith.index_cast %mul3A_383 : i32 to index
      %swap3A_462 = tpu.vector_load %arg5[%swap3A_460, %swap3A_461] {strides = array<i32>} : memref<40x512xf32, #tpu.memory_space<vmem>>, vector<16xf32>,
      tpu.vector_store %arg5[%swap3A_460, %swap3A_461], %broadcast_in_dim3A_8 {strides = array<i32>} : memref<40x512xf32, #tpu.memory_space<vmem>>, vector<16xf32>,
      %swap3A_463 = arith.constant 20 : i32
      %swap3A_464 = arith.index_cast %swap3A_463 : i32 to index
      %swap3A_465 = arith.index_cast %mul3A_383 : i32 to index
      %swap3A_466 = tpu.vector_load %arg5[%swap3A_464, %swap3A_465] {strides = array<i32>} : memref<40x512xf32, #tpu.memory_space<vmem>>, vector<16xf32>,
      tpu.vector_store %arg5[%swap3A_464, %swap3A_465], %broadcast_in_dim3A_8 {strides = array<i32>} : memref<40x512xf32, #tpu.memory_space<vmem>>, vector<16xf32>,
      %swap3A_467 = arith.constant 21 : i32
      %swap3A_468 = arith.index_cast %swap3A_467 : i32 to index
      %swap3A_469 = arith.index_cast %mul3A_383 : i32 to index
      %swap3A_470 = tpu.vector_load %arg5[%swap3A_468, %swap3A_469] {strides = array<i32>} : memref<40x512xf32, #tpu.memory_space<vmem>>, vector<16xf32>,
      tpu.vector_store %arg5[%swap3A_468, %swap3A_469], %broadcast_in_dim3A_8 {strides = array<i32>} : memref<40x512xf32, #tpu.memory_space<vmem>>, vector<16xf32>,
      %swap3A_471 = arith.constant 22 : i32
      %swap3A_472 = arith.index_cast %swap3A_471 : i32 to index
      %swap3A_473 = arith.index_cast %mul3A_383 : i32 to index
      %swap3A_474 = tpu.vector_load %arg5[%swap3A_472, %swap3A_473] {strides = array<i32>} : memref<40x512xf32, #tpu.memory_space<vmem>>, vector<16xf32>,
      tpu.vector_store %arg5[%swap3A_472, %swap3A_473], %broadcast_in_dim3A_8 {strides = array<i32>} : memref<40x512xf32, #tpu.memory_space<vmem>>, vector<16xf32>,
      %swap3A_475 = arith.constant 23 : i32
      %swap3A_476 = arith.index_cast %swap3A_475 : i32 to index
      %swap3A_477 = arith.index_cast %mul3A_383 : i32 to index
      %swap3A_478 = tpu.vector_load %arg5[%swap3A_476, %swap3A_477] {strides = array<i32>} : memref<40x512xf32, #tpu.memory_space<vmem>>, vector<16xf32>,
      tpu.vector_store %arg5[%swap3A_476, %swap3A_477], %broadcast_in_dim3A_8 {strides = array<i32>} : memref<40x512xf32, #tpu.memory_space<vmem>>, vector<16xf32>,
      %swap3A_479 = arith.constant 24 : i32
      %swap3A_480 = arith.index_cast %swap3A_479 : i32 to index
      %swap3A_481 = arith.index_cast %mul3A_383 : i32 to index
      %swap3A_482 = tpu.vector_load %arg5[%swap3A_480, %swap3A_481] {strides = array<i32>} : memref<40x512xf32, #tpu.memory_space<vmem>>, vector<16xf32>,
      tpu.vector_store %arg5[%swap3A_480, %swap3A_481], %broadcast_in_dim3A_8 {strides = array<i32>} : memref<40x512xf32, #tpu.memory_space<vmem>>, vector<16xf32>,
      %swap3A_483 = arith.constant 25 : i32
      %swap3A_484 = arith.index_cast %swap3A_483 : i32 to index
      %swap3A_485 = arith.index_cast %mul3A_383 : i32 to index
      %swap3A_486 = tpu.vector_load %arg5[%swap3A_484, %swap3A_485] {strides = array<i32>} : memref<40x512xf32, #tpu.memory_space<vmem>>, vector<16xf32>,
      tpu.vector_store %arg5[%swap3A_484, %swap3A_485], %broadcast_in_dim3A_8 {strides = array<i32>} : memref<40x512xf32, #tpu.memory_space<vmem>>, vector<16xf32>,
      %swap3A_487 = arith.constant 26 : i32
      %swap3A_488 = arith.index_cast %swap3A_487 : i32 to index
      %swap3A_489 = arith.index_cast %mul3A_383 : i32 to index
      %swap3A_490 = tpu.vector_load %arg5[%swap3A_488, %swap3A_489] {strides = array<i32>} : memref<40x512xf32, #tpu.memory_space<vmem>>, vector<16xf32>,
      tpu.vector_store %arg5[%swap3A_488, %swap3A_489], %broadcast_in_dim3A_8 {strides = array<i32>} : memref<40x512xf32, #tpu.memory_space<vmem>>, vector<16xf32>,
      %swap3A_491 = arith.constant 27 : i32
      %swap3A_492 = arith.index_cast %swap3A_491 : i32 to index
      %swap3A_493 = arith.index_cast %mul3A_383 : i32 to index
      %swap3A_494 = tpu.vector_load %arg5[%swap3A_492, %swap3A_493] {strides = array<i32>} : memref<40x512xf32, #tpu.memory_space<vmem>>, vector<16xf32>,
      tpu.vector_store %arg5[%swap3A_492, %swap3A_493], %broadcast_in_dim3A_8 {strides = array<i32>} : memref<40x512xf32, #tpu.memory_space<vmem>>, vector<16xf32>,
      %swap3A_495 = arith.constant 28 : i32
      %swap3A_496 = arith.index_cast %swap3A_495 : i32 to index
      %swap3A_497 = arith.index_cast %mul3A_383 : i32 to index
      %swap3A_498 = tpu.vector_load %arg5[%swap3A_496, %swap3A_497] {strides = array<i32>} : memref<40x512xf32, #tpu.memory_space<vmem>>, vector<16xf32>,
      tpu.vector_store %arg5[%swap3A_496, %swap3A_497], %broadcast_in_dim3A_8 {strides = array<i32>} : memref<40x512xf32, #tpu.memory_space<vmem>>, vector<16xf32>,
      %swap3A_499 = arith.constant 29 : i32
      %swap3A_500 = arith.index_cast %swap3A_499 : i32 to index
      %swap3A_501 = arith.index_cast %mul3A_383 : i32 to index
      %swap3A_502 = tpu.vector_load %arg5[%swap3A_500, %swap3A_501] {strides = array<i32>} : memref<40x512xf32, #tpu.memory_space<vmem>>, vector<16xf32>,
      tpu.vector_store %arg5[%swap3A_500, %swap3A_501], %broadcast_in_dim3A_8 {strides = array<i32>} : memref<40x512xf32, #tpu.memory_space<vmem>>, vector<16xf32>,
      %swap3A_503 = arith.constant 30 : i32
      %swap3A_504 = arith.index_cast %swap3A_503 : i32 to index
      %swap3A_505 = arith.index_cast %mul3A_383 : i32 to index
      %swap3A_506 = tpu.vector_load %arg5[%swap3A_504, %swap3A_505] {strides = array<i32>} : memref<40x512xf32, #tpu.memory_space<vmem>>, vector<16xf32>,
      tpu.vector_store %arg5[%swap3A_504, %swap3A_505], %broadcast_in_dim3A_8 {strides = array<i32>} : memref<40x512xf32, #tpu.memory_space<vmem>>, vector<16xf32>,
      %swap3A_507 = arith.constant 31 : i32
      %swap3A_508 = arith.index_cast %swap3A_507 : i32 to index
      %swap3A_509 = arith.index_cast %mul3A_383 : i32 to index
      %swap3A_510 = tpu.vector_load %arg5[%swap3A_508, %swap3A_509] {strides = array<i32>} : memref<40x512xf32, #tpu.memory_space<vmem>>, vector<16xf32>,
      tpu.vector_store %arg5[%swap3A_508, %swap3A_509], %broadcast_in_dim3A_8 {strides = array<i32>} : memref<40x512xf32, #tpu.memory_space<vmem>>, vector<16xf32>,
      %swap3A_511 = arith.constant 32 : i32
      %swap3A_512 = arith.index_cast %swap3A_511 : i32 to index
      %swap3A_513 = arith.index_cast %mul3A_383 : i32 to index
      %swap3A_514 = tpu.vector_load %arg5[%swap3A_512, %swap3A_513] {strides = array<i32>} : memref<40x512xf32, #tpu.memory_space<vmem>>, vector<16xf32>,
      tpu.vector_store %arg5[%swap3A_512, %swap3A_513], %broadcast_in_dim3A_8 {strides = array<i32>} : memref<40x512xf32, #tpu.memory_space<vmem>>, vector<16xf32>,
      %swap3A_515 = arith.constant 33 : i32
      %swap3A_516 = arith.index_cast %swap3A_515 : i32 to index
      %swap3A_517 = arith.index_cast %mul3A_383 : i32 to index
      %swap3A_518 = tpu.vector_load %arg5[%swap3A_516, %swap3A_517] {strides = array<i32>} : memref<40x512xf32, #tpu.memory_space<vmem>>, vector<16xf32>,
      tpu.vector_store %arg5[%swap3A_516, %swap3A_517], %broadcast_in_dim3A_8 {strides = array<i32>} : memref<40x512xf32, #tpu.memory_space<vmem>>, vector<16xf32>,
      %swap3A_519 = arith.constant 34 : i32
      %swap3A_520 = arith.index_cast %swap3A_519 : i32 to index
      %swap3A_521 = arith.index_cast %mul3A_383 : i32 to index
      %swap3A_522 = tpu.vector_load %arg5[%swap3A_520, %swap3A_521] {strides = array<i32>} : memref<40x512xf32, #tpu.memory_space<vmem>>, vector<16xf32>,
      tpu.vector_store %arg5[%swap3A_520, %swap3A_521], %broadcast_in_dim3A_8 {strides = array<i32>} : memref<40x512xf32, #tpu.memory_space<vmem>>, vector<16xf32>,
      %swap3A_523 = arith.constant 35 : i32
      %swap3A_524 = arith.index_cast %swap3A_523 : i32 to index
      %swap3A_525 = arith.index_cast %mul3A_383 : i32 to index
      %swap3A_526 = tpu.vector_load %arg5[%swap3A_524, %swap3A_525] {strides = array<i32>} : memref<40x512xf32, #tpu.memory_space<vmem>>, vector<16xf32>,
      tpu.vector_store %arg5[%swap3A_524, %swap3A_525], %broadcast_in_dim3A_8 {strides = array<i32>} : memref<40x512xf32, #tpu.memory_space<vmem>>, vector<16xf32>,
      %swap3A_527 = arith.constant 36 : i32
      %swap3A_528 = arith.index_cast %swap3A_527 : i32 to index
      %swap3A_529 = arith.index_cast %mul3A_383 : i32 to index
      %swap3A_530 = tpu.vector_load %arg5[%swap3A_528, %swap3A_529] {strides = array<i32>} : memref<40x512xf32, #tpu.memory_space<vmem>>, vector<16xf32>,
      tpu.vector_store %arg5[%swap3A_528, %swap3A_529], %broadcast_in_dim3A_8 {strides = array<i32>} : memref<40x512xf32, #tpu.memory_space<vmem>>, vector<16xf32>,
      %swap3A_531 = arith.constant 37 : i32
      %swap3A_532 = arith.index_cast %swap3A_531 : i32 to index
      %swap3A_533 = arith.index_cast %mul3A_383 : i32 to index
      %swap3A_534 = tpu.vector_load %arg5[%swap3A_532, %swap3A_533] {strides = array<i32>} : memref<40x512xf32, #tpu.memory_space<vmem>>, vector<16xf32>,
      tpu.vector_store %arg5[%swap3A_532, %swap3A_533], %broadcast_in_dim3A_8 {strides = array<i32>} : memref<40x512xf32, #tpu.memory_space<vmem>>, vector<16xf32>,
      %swap3A_535 = arith.constant 38 : i32
      %swap3A_536 = arith.index_cast %swap3A_535 : i32 to index
      %swap3A_537 = arith.index_cast %mul3A_383 : i32 to index
      %swap3A_538 = tpu.vector_load %arg5[%swap3A_536, %swap3A_537] {strides = array<i32>} : memref<40x512xf32, #tpu.memory_space<vmem>>, vector<16xf32>,
      tpu.vector_store %arg5[%swap3A_536, %swap3A_537], %broadcast_in_dim3A_8 {strides = array<i32>} : memref<40x512xf32, #tpu.memory_space<vmem>>, vector<16xf32>,
      %swap3A_539 = arith.constant 39 : i32
      %swap3A_540 = arith.index_cast %swap3A_539 : i32 to index
      %swap3A_541 = arith.index_cast %mul3A_383 : i32 to index
      %swap3A_542 = tpu.vector_load %arg5[%swap3A_540, %swap3A_541] {strides = array<i32>} : memref<40x512xf32, #tpu.memory_space<vmem>>, vector<16xf32>,
      tpu.vector_store %arg5[%swap3A_540, %swap3A_541], %broadcast_in_dim3A_8 {strides = array<i32>} : memref<40x512xf32, #tpu.memory_space<vmem>>, vector<16xf32>,
    }
    %scan3A_13 = arith.constant 32 : i32
    %dma_wait3A = tpu.memref_slice %arg2[%mul3A_2] : memref<16384xi32, #tpu.memory_space<hbm>> -> memref<512xi32, #tpu.memory_space<hbm>>
    %dma_wait3A_14 = tpu.memref_slice %arg2[%mul3A_2] : memref<16384xi32, #tpu.memory_space<hbm>> -> memref<512xi32, #tpu.memory_space<hbm>>
    tpu.wait_dma2 semaphore(%arg11 : memref<!tpu.dma_semaphore, #tpu.memory_space<semaphore_mem>>) src(%dma_wait3A_14 : memref<512xi32, #tpu.memory_space<hbm>>) dst(%arg4 : memref<512xi32, #tpu.memory_space<vmem>>)
    %scan3A_15 = arith.constant 0 : i32
    %scan3A_16 = arith.constant 0 : i32
    %scan3A_17 = arith.constant 32 : i32
    %scan3A_18 = arith.addi %scan3A_16, %scan3A_17 : i32
    %scan3A_19 = arith.constant 1 : i32
    scf.for %scan3A_381 = %scan3A_16 to %scan3A_18 step %scan3A_19  : i32 {
      %mul3A_382 = arith.constant 16 : i32
      %mul3A_383 = arith.muli %scan3A_381, %mul3A_382 : i32
      %get3A = arith.index_cast %mul3A_383 : i32 to index
      %get3A_384 = tpu.vector_load %arg4[%get3A] {strides = array<i32>} : memref<512xi32, #tpu.memory_space<vmem>>, vector<16xi32>,
      %mul3A_385 = arith.constant 16 : i32
      %mul3A_386 = arith.muli %scan3A_381, %mul3A_385 : i32
      %add3A_387 = vector.broadcast %mul3A_386 : i32 to vector<16xi32>
      %add3A_388 = arith.addi %iota3A, %add3A_387 : vector<16xi32>
      %ge3A = arith.constant 0 : i32
      %ge3A_389 = vector.broadcast %ge3A : i32 to vector<16xi32>
      %ge3A_390 = arith.cmpi sge, %get3A_384, %ge3A_389 : vector<16xi32>
      %lt3A = arith.constant 40 : i32
      %lt3A_391 = vector.broadcast %lt3A : i32 to vector<16xi32>
      %lt3A_392 = arith.cmpi slt, %get3A_384, %lt3A_391 : vector<16xi32>
      %and3A = arith.andi %ge3A_390, %lt3A_392 : vector<16xi1>
      %sub3A = arith.constant 0 : i32
      %sub3A_393 = vector.broadcast %sub3A : i32 to vector<16xi32>
      %sub3A_394 = arith.subi %get3A_384, %sub3A_393 : vector<16xi32>
      tpu.vector_store_idx %arg5[%sub3A_394, %add3A_388], %broadcast_in_dim3A_4 masked %and3A : memref<40x512xf32, #tpu.memory_space<vmem>>[vector<16xi32>, vector<16xi32>], vector<16xf32>, vector<16xi1>
    }
    %scan3A_20 = arith.constant 32 : i32
    %dma_start3A_21 = arith.constant 0 : i32
    %dma_start3A_22 = tpu.memref_slice %arg3[%dma_start3A_21, %mul3A_2] : memref<1000x16384xf32, #tpu.memory_space<hbm>> -> memref<40x512xf32, #tpu.memory_space<hbm>>
    %dma_start3A_23 = arith.constant 0 : i32
    %dma_start3A_24 = tpu.memref_slice %arg3[%dma_start3A_23, %mul3A_2] : memref<1000x16384xf32, #tpu.memory_space<hbm>> -> memref<40x512xf32, #tpu.memory_space<hbm>>
    tpu.enqueue_dma source(%arg5 : memref<40x512xf32, #tpu.memory_space<vmem>>) target(%dma_start3A_24 : memref<40x512xf32, #tpu.memory_space<hbm>>) target_semaphore(%arg8 : memref<!tpu.dma_semaphore, #tpu.memory_space<semaphore_mem>>)
    %broadcast_in_dim3A_25 = arith.constant 0.000000e+00 : f32
    %broadcast_in_dim3A_26 = vector.broadcast %broadcast_in_dim3A_25 : f32 to vector<16xf32>
    %scan3A_27 = arith.constant 0 : i32
    %scan3A_28 = arith.constant 0 : i32
    %scan3A_29 = arith.constant 32 : i32
    %scan3A_30 = arith.addi %scan3A_28, %scan3A_29 : i32
    %scan3A_31 = arith.constant 1 : i32
    scf.for %scan3A_381 = %scan3A_28 to %scan3A_30 step %scan3A_31  : i32 {
      %mul3A_382 = arith.constant 16 : i32
      %mul3A_383 = arith.muli %scan3A_381, %mul3A_382 : i32
      %swap3A = arith.constant 0 : i32
      %swap3A_384 = arith.index_cast %swap3A : i32 to index
      %swap3A_385 = arith.index_cast %mul3A_383 : i32 to index
      %swap3A_386 = tpu.vector_load %arg6[%swap3A_384, %swap3A_385] {strides = array<i32>} : memref<40x512xf32, #tpu.memory_space<vmem>>, vector<16xf32>,
      tpu.vector_store %arg6[%swap3A_384, %swap3A_385], %broadcast_in_dim3A_26 {strides = array<i32>} : memref<40x512xf32, #tpu.memory_space<vmem>>, vector<16xf32>,
      %swap3A_387 = arith.constant 1 : i32
      %swap3A_388 = arith.index_cast %swap3A_387 : i32 to index
      %swap3A_389 = arith.index_cast %mul3A_383 : i32 to index
      %swap3A_390 = tpu.vector_load %arg6[%swap3A_388, %swap3A_389] {strides = array<i32>} : memref<40x512xf32, #tpu.memory_space<vmem>>, vector<16xf32>,
      tpu.vector_store %arg6[%swap3A_388, %swap3A_389], %broadcast_in_dim3A_26 {strides = array<i32>} : memref<40x512xf32, #tpu.memory_space<vmem>>, vector<16xf32>,
      %swap3A_391 = arith.constant 2 : i32
      %swap3A_392 = arith.index_cast %swap3A_391 : i32 to index
      %swap3A_393 = arith.index_cast %mul3A_383 : i32 to index
      %swap3A_394 = tpu.vector_load %arg6[%swap3A_392, %swap3A_393] {strides = array<i32>} : memref<40x512xf32, #tpu.memory_space<vmem>>, vector<16xf32>,
      tpu.vector_store %arg6[%swap3A_392, %swap3A_393], %broadcast_in_dim3A_26 {strides = array<i32>} : memref<40x512xf32, #tpu.memory_space<vmem>>, vector<16xf32>,
      %swap3A_395 = arith.constant 3 : i32
      %swap3A_396 = arith.index_cast %swap3A_395 : i32 to index
      %swap3A_397 = arith.index_cast %mul3A_383 : i32 to index
      %swap3A_398 = tpu.vector_load %arg6[%swap3A_396, %swap3A_397] {strides = array<i32>} : memref<40x512xf32, #tpu.memory_space<vmem>>, vector<16xf32>,
      tpu.vector_store %arg6[%swap3A_396, %swap3A_397], %broadcast_in_dim3A_26 {strides = array<i32>} : memref<40x512xf32, #tpu.memory_space<vmem>>, vector<16xf32>,
      %swap3A_399 = arith.constant 4 : i32
      %swap3A_400 = arith.index_cast %swap3A_399 : i32 to index
      %swap3A_401 = arith.index_cast %mul3A_383 : i32 to index
      %swap3A_402 = tpu.vector_load %arg6[%swap3A_400, %swap3A_401] {strides = array<i32>} : memref<40x512xf32, #tpu.memory_space<vmem>>, vector<16xf32>,
      tpu.vector_store %arg6[%swap3A_400, %swap3A_401], %broadcast_in_dim3A_26 {strides = array<i32>} : memref<40x512xf32, #tpu.memory_space<vmem>>, vector<16xf32>,
      %swap3A_403 = arith.constant 5 : i32
      %swap3A_404 = arith.index_cast %swap3A_403 : i32 to index
      %swap3A_405 = arith.index_cast %mul3A_383 : i32 to index
      %swap3A_406 = tpu.vector_load %arg6[%swap3A_404, %swap3A_405] {strides = array<i32>} : memref<40x512xf32, #tpu.memory_space<vmem>>, vector<16xf32>,
      tpu.vector_store %arg6[%swap3A_404, %swap3A_405], %broadcast_in_dim3A_26 {strides = array<i32>} : memref<40x512xf32, #tpu.memory_space<vmem>>, vector<16xf32>,
      %swap3A_407 = arith.constant 6 : i32
      %swap3A_408 = arith.index_cast %swap3A_407 : i32 to index
      %swap3A_409 = arith.index_cast %mul3A_383 : i32 to index
      %swap3A_410 = tpu.vector_load %arg6[%swap3A_408, %swap3A_409] {strides = array<i32>} : memref<40x512xf32, #tpu.memory_space<vmem>>, vector<16xf32>,
      tpu.vector_store %arg6[%swap3A_408, %swap3A_409], %broadcast_in_dim3A_26 {strides = array<i32>} : memref<40x512xf32, #tpu.memory_space<vmem>>, vector<16xf32>,
      %swap3A_411 = arith.constant 7 : i32
      %swap3A_412 = arith.index_cast %swap3A_411 : i32 to index
      %swap3A_413 = arith.index_cast %mul3A_383 : i32 to index
      %swap3A_414 = tpu.vector_load %arg6[%swap3A_412, %swap3A_413] {strides = array<i32>} : memref<40x512xf32, #tpu.memory_space<vmem>>, vector<16xf32>,
      tpu.vector_store %arg6[%swap3A_412, %swap3A_413], %broadcast_in_dim3A_26 {strides = array<i32>} : memref<40x512xf32, #tpu.memory_space<vmem>>, vector<16xf32>,
      %swap3A_415 = arith.constant 8 : i32
      %swap3A_416 = arith.index_cast %swap3A_415 : i32 to index
      %swap3A_417 = arith.index_cast %mul3A_383 : i32 to index
      %swap3A_418 = tpu.vector_load %arg6[%swap3A_416, %swap3A_417] {strides = array<i32>} : memref<40x512xf32, #tpu.memory_space<vmem>>, vector<16xf32>,
      tpu.vector_store %arg6[%swap3A_416, %swap3A_417], %broadcast_in_dim3A_26 {strides = array<i32>} : memref<40x512xf32, #tpu.memory_space<vmem>>, vector<16xf32>,
      %swap3A_419 = arith.constant 9 : i32
      %swap3A_420 = arith.index_cast %swap3A_419 : i32 to index
      %swap3A_421 = arith.index_cast %mul3A_383 : i32 to index
      %swap3A_422 = tpu.vector_load %arg6[%swap3A_420, %swap3A_421] {strides = array<i32>} : memref<40x512xf32, #tpu.memory_space<vmem>>, vector<16xf32>,
      tpu.vector_store %arg6[%swap3A_420, %swap3A_421], %broadcast_in_dim3A_26 {strides = array<i32>} : memref<40x512xf32, #tpu.memory_space<vmem>>, vector<16xf32>,
      %swap3A_423 = arith.constant 10 : i32
      %swap3A_424 = arith.index_cast %swap3A_423 : i32 to index
      %swap3A_425 = arith.index_cast %mul3A_383 : i32 to index
      %swap3A_426 = tpu.vector_load %arg6[%swap3A_424, %swap3A_425] {strides = array<i32>} : memref<40x512xf32, #tpu.memory_space<vmem>>, vector<16xf32>,
      tpu.vector_store %arg6[%swap3A_424, %swap3A_425], %broadcast_in_dim3A_26 {strides = array<i32>} : memref<40x512xf32, #tpu.memory_space<vmem>>, vector<16xf32>,
      %swap3A_427 = arith.constant 11 : i32
      %swap3A_428 = arith.index_cast %swap3A_427 : i32 to index
      %swap3A_429 = arith.index_cast %mul3A_383 : i32 to index
      %swap3A_430 = tpu.vector_load %arg6[%swap3A_428, %swap3A_429] {strides = array<i32>} : memref<40x512xf32, #tpu.memory_space<vmem>>, vector<16xf32>,
      tpu.vector_store %arg6[%swap3A_428, %swap3A_429], %broadcast_in_dim3A_26 {strides = array<i32>} : memref<40x512xf32, #tpu.memory_space<vmem>>, vector<16xf32>,
      %swap3A_431 = arith.constant 12 : i32
      %swap3A_432 = arith.index_cast %swap3A_431 : i32 to index
      %swap3A_433 = arith.index_cast %mul3A_383 : i32 to index
      %swap3A_434 = tpu.vector_load %arg6[%swap3A_432, %swap3A_433] {strides = array<i32>} : memref<40x512xf32, #tpu.memory_space<vmem>>, vector<16xf32>,
      tpu.vector_store %arg6[%swap3A_432, %swap3A_433], %broadcast_in_dim3A_26 {strides = array<i32>} : memref<40x512xf32, #tpu.memory_space<vmem>>, vector<16xf32>,
      %swap3A_435 = arith.constant 13 : i32
      %swap3A_436 = arith.index_cast %swap3A_435 : i32 to index
      %swap3A_437 = arith.index_cast %mul3A_383 : i32 to index
      %swap3A_438 = tpu.vector_load %arg6[%swap3A_436, %swap3A_437] {strides = array<i32>} : memref<40x512xf32, #tpu.memory_space<vmem>>, vector<16xf32>,
      tpu.vector_store %arg6[%swap3A_436, %swap3A_437], %broadcast_in_dim3A_26 {strides = array<i32>} : memref<40x512xf32, #tpu.memory_space<vmem>>, vector<16xf32>,
      %swap3A_439 = arith.constant 14 : i32
      %swap3A_440 = arith.index_cast %swap3A_439 : i32 to index
      %swap3A_441 = arith.index_cast %mul3A_383 : i32 to index
      %swap3A_442 = tpu.vector_load %arg6[%swap3A_440, %swap3A_441] {strides = array<i32>} : memref<40x512xf32, #tpu.memory_space<vmem>>, vector<16xf32>,
      tpu.vector_store %arg6[%swap3A_440, %swap3A_441], %broadcast_in_dim3A_26 {strides = array<i32>} : memref<40x512xf32, #tpu.memory_space<vmem>>, vector<16xf32>,
      %swap3A_443 = arith.constant 15 : i32
      %swap3A_444 = arith.index_cast %swap3A_443 : i32 to index
      %swap3A_445 = arith.index_cast %mul3A_383 : i32 to index
      %swap3A_446 = tpu.vector_load %arg6[%swap3A_444, %swap3A_445] {strides = array<i32>} : memref<40x512xf32, #tpu.memory_space<vmem>>, vector<16xf32>,
      tpu.vector_store %arg6[%swap3A_444, %swap3A_445], %broadcast_in_dim3A_26 {strides = array<i32>} : memref<40x512xf32, #tpu.memory_space<vmem>>, vector<16xf32>,
      %swap3A_447 = arith.constant 16 : i32
      %swap3A_448 = arith.index_cast %swap3A_447 : i32 to index
      %swap3A_449 = arith.index_cast %mul3A_383 : i32 to index
      %swap3A_450 = tpu.vector_load %arg6[%swap3A_448, %swap3A_449] {strides = array<i32>} : memref<40x512xf32, #tpu.memory_space<vmem>>, vector<16xf32>,
      tpu.vector_store %arg6[%swap3A_448, %swap3A_449], %broadcast_in_dim3A_26 {strides = array<i32>} : memref<40x512xf32, #tpu.memory_space<vmem>>, vector<16xf32>,
      %swap3A_451 = arith.constant 17 : i32
      %swap3A_452 = arith.index_cast %swap3A_451 : i32 to index
      %swap3A_453 = arith.index_cast %mul3A_383 : i32 to index
      %swap3A_454 = tpu.vector_load %arg6[%swap3A_452, %swap3A_453] {strides = array<i32>} : memref<40x512xf32, #tpu.memory_space<vmem>>, vector<16xf32>,
      tpu.vector_store %arg6[%swap3A_452, %swap3A_453], %broadcast_in_dim3A_26 {strides = array<i32>} : memref<40x512xf32, #tpu.memory_space<vmem>>, vector<16xf32>,
      %swap3A_455 = arith.constant 18 : i32
      %swap3A_456 = arith.index_cast %swap3A_455 : i32 to index
      %swap3A_457 = arith.index_cast %mul3A_383 : i32 to index
      %swap3A_458 = tpu.vector_load %arg6[%swap3A_456, %swap3A_457] {strides = array<i32>} : memref<40x512xf32, #tpu.memory_space<vmem>>, vector<16xf32>,
      tpu.vector_store %arg6[%swap3A_456, %swap3A_457], %broadcast_in_dim3A_26 {strides = array<i32>} : memref<40x512xf32, #tpu.memory_space<vmem>>, vector<16xf32>,
      %swap3A_459 = arith.constant 19 : i32
      %swap3A_460 = arith.index_cast %swap3A_459 : i32 to index
      %swap3A_461 = arith.index_cast %mul3A_383 : i32 to index
      %swap3A_462 = tpu.vector_load %arg6[%swap3A_460, %swap3A_461] {strides = array<i32>} : memref<40x512xf32, #tpu.memory_space<vmem>>, vector<16xf32>,
      tpu.vector_store %arg6[%swap3A_460, %swap3A_461], %broadcast_in_dim3A_26 {strides = array<i32>} : memref<40x512xf32, #tpu.memory_space<vmem>>, vector<16xf32>,
      %swap3A_463 = arith.constant 20 : i32
      %swap3A_464 = arith.index_cast %swap3A_463 : i32 to index
      %swap3A_465 = arith.index_cast %mul3A_383 : i32 to index
      %swap3A_466 = tpu.vector_load %arg6[%swap3A_464, %swap3A_465] {strides = array<i32>} : memref<40x512xf32, #tpu.memory_space<vmem>>, vector<16xf32>,
      tpu.vector_store %arg6[%swap3A_464, %swap3A_465], %broadcast_in_dim3A_26 {strides = array<i32>} : memref<40x512xf32, #tpu.memory_space<vmem>>, vector<16xf32>,
      %swap3A_467 = arith.constant 21 : i32
      %swap3A_468 = arith.index_cast %swap3A_467 : i32 to index
      %swap3A_469 = arith.index_cast %mul3A_383 : i32 to index
      %swap3A_470 = tpu.vector_load %arg6[%swap3A_468, %swap3A_469] {strides = array<i32>} : memref<40x512xf32, #tpu.memory_space<vmem>>, vector<16xf32>,
      tpu.vector_store %arg6[%swap3A_468, %swap3A_469], %broadcast_in_dim3A_26 {strides = array<i32>} : memref<40x512xf32, #tpu.memory_space<vmem>>, vector<16xf32>,
      %swap3A_471 = arith.constant 22 : i32
      %swap3A_472 = arith.index_cast %swap3A_471 : i32 to index
      %swap3A_473 = arith.index_cast %mul3A_383 : i32 to index
      %swap3A_474 = tpu.vector_load %arg6[%swap3A_472, %swap3A_473] {strides = array<i32>} : memref<40x512xf32, #tpu.memory_space<vmem>>, vector<16xf32>,
      tpu.vector_store %arg6[%swap3A_472, %swap3A_473], %broadcast_in_dim3A_26 {strides = array<i32>} : memref<40x512xf32, #tpu.memory_space<vmem>>, vector<16xf32>,
      %swap3A_475 = arith.constant 23 : i32
      %swap3A_476 = arith.index_cast %swap3A_475 : i32 to index
      %swap3A_477 = arith.index_cast %mul3A_383 : i32 to index
      %swap3A_478 = tpu.vector_load %arg6[%swap3A_476, %swap3A_477] {strides = array<i32>} : memref<40x512xf32, #tpu.memory_space<vmem>>, vector<16xf32>,
      tpu.vector_store %arg6[%swap3A_476, %swap3A_477], %broadcast_in_dim3A_26 {strides = array<i32>} : memref<40x512xf32, #tpu.memory_space<vmem>>, vector<16xf32>,
      %swap3A_479 = arith.constant 24 : i32
      %swap3A_480 = arith.index_cast %swap3A_479 : i32 to index
      %swap3A_481 = arith.index_cast %mul3A_383 : i32 to index
      %swap3A_482 = tpu.vector_load %arg6[%swap3A_480, %swap3A_481] {strides = array<i32>} : memref<40x512xf32, #tpu.memory_space<vmem>>, vector<16xf32>,
      tpu.vector_store %arg6[%swap3A_480, %swap3A_481], %broadcast_in_dim3A_26 {strides = array<i32>} : memref<40x512xf32, #tpu.memory_space<vmem>>, vector<16xf32>,
      %swap3A_483 = arith.constant 25 : i32
      %swap3A_484 = arith.index_cast %swap3A_483 : i32 to index
      %swap3A_485 = arith.index_cast %mul3A_383 : i32 to index
      %swap3A_486 = tpu.vector_load %arg6[%swap3A_484, %swap3A_485] {strides = array<i32>} : memref<40x512xf32, #tpu.memory_space<vmem>>, vector<16xf32>,
      tpu.vector_store %arg6[%swap3A_484, %swap3A_485], %broadcast_in_dim3A_26 {strides = array<i32>} : memref<40x512xf32, #tpu.memory_space<vmem>>, vector<16xf32>,
      %swap3A_487 = arith.constant 26 : i32
      %swap3A_488 = arith.index_cast %swap3A_487 : i32 to index
      %swap3A_489 = arith.index_cast %mul3A_383 : i32 to index
      %swap3A_490 = tpu.vector_load %arg6[%swap3A_488, %swap3A_489] {strides = array<i32>} : memref<40x512xf32, #tpu.memory_space<vmem>>, vector<16xf32>,
      tpu.vector_store %arg6[%swap3A_488, %swap3A_489], %broadcast_in_dim3A_26 {strides = array<i32>} : memref<40x512xf32, #tpu.memory_space<vmem>>, vector<16xf32>,
      %swap3A_491 = arith.constant 27 : i32
      %swap3A_492 = arith.index_cast %swap3A_491 : i32 to index
      %swap3A_493 = arith.index_cast %mul3A_383 : i32 to index
      %swap3A_494 = tpu.vector_load %arg6[%swap3A_492, %swap3A_493] {strides = array<i32>} : memref<40x512xf32, #tpu.memory_space<vmem>>, vector<16xf32>,
      tpu.vector_store %arg6[%swap3A_492, %swap3A_493], %broadcast_in_dim3A_26 {strides = array<i32>} : memref<40x512xf32, #tpu.memory_space<vmem>>, vector<16xf32>,
      %swap3A_495 = arith.constant 28 : i32
      %swap3A_496 = arith.index_cast %swap3A_495 : i32 to index
      %swap3A_497 = arith.index_cast %mul3A_383 : i32 to index
      %swap3A_498 = tpu.vector_load %arg6[%swap3A_496, %swap3A_497] {strides = array<i32>} : memref<40x512xf32, #tpu.memory_space<vmem>>, vector<16xf32>,
      tpu.vector_store %arg6[%swap3A_496, %swap3A_497], %broadcast_in_dim3A_26 {strides = array<i32>} : memref<40x512xf32, #tpu.memory_space<vmem>>, vector<16xf32>,
      %swap3A_499 = arith.constant 29 : i32
      %swap3A_500 = arith.index_cast %swap3A_499 : i32 to index
      %swap3A_501 = arith.index_cast %mul3A_383 : i32 to index
      %swap3A_502 = tpu.vector_load %arg6[%swap3A_500, %swap3A_501] {strides = array<i32>} : memref<40x512xf32, #tpu.memory_space<vmem>>, vector<16xf32>,
      tpu.vector_store %arg6[%swap3A_500, %swap3A_501], %broadcast_in_dim3A_26 {strides = array<i32>} : memref<40x512xf32, #tpu.memory_space<vmem>>, vector<16xf32>,
      %swap3A_503 = arith.constant 30 : i32
      %swap3A_504 = arith.index_cast %swap3A_503 : i32 to index
      %swap3A_505 = arith.index_cast %mul3A_383 : i32 to index
      %swap3A_506 = tpu.vector_load %arg6[%swap3A_504, %swap3A_505] {strides = array<i32>} : memref<40x512xf32, #tpu.memory_space<vmem>>, vector<16xf32>,
      tpu.vector_store %arg6[%swap3A_504, %swap3A_505], %broadcast_in_dim3A_26 {strides = array<i32>} : memref<40x512xf32, #tpu.memory_space<vmem>>, vector<16xf32>,
      %swap3A_507 = arith.constant 31 : i32
      %swap3A_508 = arith.index_cast %swap3A_507 : i32 to index
      %swap3A_509 = arith.index_cast %mul3A_383 : i32 to index
      %swap3A_510 = tpu.vector_load %arg6[%swap3A_508, %swap3A_509] {strides = array<i32>} : memref<40x512xf32, #tpu.memory_space<vmem>>, vector<16xf32>,
      tpu.vector_store %arg6[%swap3A_508, %swap3A_509], %broadcast_in_dim3A_26 {strides = array<i32>} : memref<40x512xf32, #tpu.memory_space<vmem>>, vector<16xf32>,
      %swap3A_511 = arith.constant 32 : i32
      %swap3A_512 = arith.index_cast %swap3A_511 : i32 to index
      %swap3A_513 = arith.index_cast %mul3A_383 : i32 to index
      %swap3A_514 = tpu.vector_load %arg6[%swap3A_512, %swap3A_513] {strides = array<i32>} : memref<40x512xf32, #tpu.memory_space<vmem>>, vector<16xf32>,
      tpu.vector_store %arg6[%swap3A_512, %swap3A_513], %broadcast_in_dim3A_26 {strides = array<i32>} : memref<40x512xf32, #tpu.memory_space<vmem>>, vector<16xf32>,
      %swap3A_515 = arith.constant 33 : i32
      %swap3A_516 = arith.index_cast %swap3A_515 : i32 to index
      %swap3A_517 = arith.index_cast %mul3A_383 : i32 to index
      %swap3A_518 = tpu.vector_load %arg6[%swap3A_516, %swap3A_517] {strides = array<i32>} : memref<40x512xf32, #tpu.memory_space<vmem>>, vector<16xf32>,
      tpu.vector_store %arg6[%swap3A_516, %swap3A_517], %broadcast_in_dim3A_26 {strides = array<i32>} : memref<40x512xf32, #tpu.memory_space<vmem>>, vector<16xf32>,
      %swap3A_519 = arith.constant 34 : i32
      %swap3A_520 = arith.index_cast %swap3A_519 : i32 to index
      %swap3A_521 = arith.index_cast %mul3A_383 : i32 to index
      %swap3A_522 = tpu.vector_load %arg6[%swap3A_520, %swap3A_521] {strides = array<i32>} : memref<40x512xf32, #tpu.memory_space<vmem>>, vector<16xf32>,
      tpu.vector_store %arg6[%swap3A_520, %swap3A_521], %broadcast_in_dim3A_26 {strides = array<i32>} : memref<40x512xf32, #tpu.memory_space<vmem>>, vector<16xf32>,
      %swap3A_523 = arith.constant 35 : i32
      %swap3A_524 = arith.index_cast %swap3A_523 : i32 to index
      %swap3A_525 = arith.index_cast %mul3A_383 : i32 to index
      %swap3A_526 = tpu.vector_load %arg6[%swap3A_524, %swap3A_525] {strides = array<i32>} : memref<40x512xf32, #tpu.memory_space<vmem>>, vector<16xf32>,
      tpu.vector_store %arg6[%swap3A_524, %swap3A_525], %broadcast_in_dim3A_26 {strides = array<i32>} : memref<40x512xf32, #tpu.memory_space<vmem>>, vector<16xf32>,
      %swap3A_527 = arith.constant 36 : i32
      %swap3A_528 = arith.index_cast %swap3A_527 : i32 to index
      %swap3A_529 = arith.index_cast %mul3A_383 : i32 to index
      %swap3A_530 = tpu.vector_load %arg6[%swap3A_528, %swap3A_529] {strides = array<i32>} : memref<40x512xf32, #tpu.memory_space<vmem>>, vector<16xf32>,
      tpu.vector_store %arg6[%swap3A_528, %swap3A_529], %broadcast_in_dim3A_26 {strides = array<i32>} : memref<40x512xf32, #tpu.memory_space<vmem>>, vector<16xf32>,
      %swap3A_531 = arith.constant 37 : i32
      %swap3A_532 = arith.index_cast %swap3A_531 : i32 to index
      %swap3A_533 = arith.index_cast %mul3A_383 : i32 to index
      %swap3A_534 = tpu.vector_load %arg6[%swap3A_532, %swap3A_533] {strides = array<i32>} : memref<40x512xf32, #tpu.memory_space<vmem>>, vector<16xf32>,
      tpu.vector_store %arg6[%swap3A_532, %swap3A_533], %broadcast_in_dim3A_26 {strides = array<i32>} : memref<40x512xf32, #tpu.memory_space<vmem>>, vector<16xf32>,
      %swap3A_535 = arith.constant 38 : i32
      %swap3A_536 = arith.index_cast %swap3A_535 : i32 to index
      %swap3A_537 = arith.index_cast %mul3A_383 : i32 to index
      %swap3A_538 = tpu.vector_load %arg6[%swap3A_536, %swap3A_537] {strides = array<i32>} : memref<40x512xf32, #tpu.memory_space<vmem>>, vector<16xf32>,
      tpu.vector_store %arg6[%swap3A_536, %swap3A_537], %broadcast_in_dim3A_26 {strides = array<i32>} : memref<40x512xf32, #tpu.memory_space<vmem>>, vector<16xf32>,
      %swap3A_539 = arith.constant 39 : i32
      %swap3A_540 = arith.index_cast %swap3A_539 : i32 to index
      %swap3A_541 = arith.index_cast %mul3A_383 : i32 to index
      %swap3A_542 = tpu.vector_load %arg6[%swap3A_540, %swap3A_541] {strides = array<i32>} : memref<40x512xf32, #tpu.memory_space<vmem>>, vector<16xf32>,
      tpu.vector_store %arg6[%swap3A_540, %swap3A_541], %broadcast_in_dim3A_26 {strides = array<i32>} : memref<40x512xf32, #tpu.memory_space<vmem>>, vector<16xf32>,
    }
    %scan3A_32 = arith.constant 32 : i32
    %scan3A_33 = arith.constant 0 : i32
    %scan3A_34 = arith.constant 0 : i32
    %scan3A_35 = arith.constant 32 : i32
    %scan3A_36 = arith.addi %scan3A_34, %scan3A_35 : i32
    %scan3A_37 = arith.constant 1 : i32
    scf.for %scan3A_381 = %scan3A_34 to %scan3A_36 step %scan3A_37  : i32 {
      %mul3A_382 = arith.constant 16 : i32
      %mul3A_383 = arith.muli %scan3A_381, %mul3A_382 : i32
      %get3A = arith.index_cast %mul3A_383 : i32 to index
      %get3A_384 = tpu.vector_load %arg4[%get3A] {strides = array<i32>} : memref<512xi32, #tpu.memory_space<vmem>>, vector<16xi32>,
      %mul3A_385 = arith.constant 16 : i32
      %mul3A_386 = arith.muli %scan3A_381, %mul3A_385 : i32
      %add3A_387 = vector.broadcast %mul3A_386 : i32 to vector<16xi32>
      %add3A_388 = arith.addi %iota3A, %add3A_387 : vector<16xi32>
      %ge3A = arith.constant 40 : i32
      %ge3A_389 = vector.broadcast %ge3A : i32 to vector<16xi32>
      %ge3A_390 = arith.cmpi sge, %get3A_384, %ge3A_389 : vector<16xi32>
      %lt3A = arith.constant 80 : i32
      %lt3A_391 = vector.broadcast %lt3A : i32 to vector<16xi32>
      %lt3A_392 = arith.cmpi slt, %get3A_384, %lt3A_391 : vector<16xi32>
      %and3A = arith.andi %ge3A_390, %lt3A_392 : vector<16xi1>
      %sub3A = arith.constant 40 : i32
      %sub3A_393 = vector.broadcast %sub3A : i32 to vector<16xi32>
      %sub3A_394 = arith.subi %get3A_384, %sub3A_393 : vector<16xi32>
      tpu.vector_store_idx %arg6[%sub3A_394, %add3A_388], %broadcast_in_dim3A_4 masked %and3A : memref<40x512xf32, #tpu.memory_space<vmem>>[vector<16xi32>, vector<16xi32>], vector<16xf32>, vector<16xi1>
    }
    %scan3A_38 = arith.constant 32 : i32
    %dma_start3A_39 = arith.constant 40 : i32
    %dma_start3A_40 = tpu.memref_slice %arg3[%dma_start3A_39, %mul3A_2] : memref<1000x16384xf32, #tpu.memory_space<hbm>> -> memref<40x512xf32, #tpu.memory_space<hbm>>
    %dma_start3A_41 = arith.constant 40 : i32
    %dma_start3A_42 = tpu.memref_slice %arg3[%dma_start3A_41, %mul3A_2] : memref<1000x16384xf32, #tpu.memory_space<hbm>> -> memref<40x512xf32, #tpu.memory_space<hbm>>
    tpu.enqueue_dma source(%arg6 : memref<40x512xf32, #tpu.memory_space<vmem>>) target(%dma_start3A_42 : memref<40x512xf32, #tpu.memory_space<hbm>>) target_semaphore(%arg9 : memref<!tpu.dma_semaphore, #tpu.memory_space<semaphore_mem>>)
    %broadcast_in_dim3A_43 = arith.constant 0.000000e+00 : f32
    %broadcast_in_dim3A_44 = vector.broadcast %broadcast_in_dim3A_43 : f32 to vector<16xf32>
    %scan3A_45 = arith.constant 0 : i32
    %scan3A_46 = arith.constant 0 : i32
    %scan3A_47 = arith.constant 32 : i32
    %scan3A_48 = arith.addi %scan3A_46, %scan3A_47 : i32
    %scan3A_49 = arith.constant 1 : i32
    scf.for %scan3A_381 = %scan3A_46 to %scan3A_48 step %scan3A_49  : i32 {
      %mul3A_382 = arith.constant 16 : i32
      %mul3A_383 = arith.muli %scan3A_381, %mul3A_382 : i32
      %swap3A = arith.constant 0 : i32
      %swap3A_384 = arith.index_cast %swap3A : i32 to index
      %swap3A_385 = arith.index_cast %mul3A_383 : i32 to index
      %swap3A_386 = tpu.vector_load %arg7[%swap3A_384, %swap3A_385] {strides = array<i32>} : memref<40x512xf32, #tpu.memory_space<vmem>>, vector<16xf32>,
      tpu.vector_store %arg7[%swap3A_384, %swap3A_385], %broadcast_in_dim3A_44 {strides = array<i32>} : memref<40x512xf32, #tpu.memory_space<vmem>>, vector<16xf32>,
      %swap3A_387 = arith.constant 1 : i32
      %swap3A_388 = arith.index_cast %swap3A_387 : i32 to index
      %swap3A_389 = arith.index_cast %mul3A_383 : i32 to index
      %swap3A_390 = tpu.vector_load %arg7[%swap3A_388, %swap3A_389] {strides = array<i32>} : memref<40x512xf32, #tpu.memory_space<vmem>>, vector<16xf32>,
      tpu.vector_store %arg7[%swap3A_388, %swap3A_389], %broadcast_in_dim3A_44 {strides = array<i32>} : memref<40x512xf32, #tpu.memory_space<vmem>>, vector<16xf32>,
      %swap3A_391 = arith.constant 2 : i32
      %swap3A_392 = arith.index_cast %swap3A_391 : i32 to index
      %swap3A_393 = arith.index_cast %mul3A_383 : i32 to index
      %swap3A_394 = tpu.vector_load %arg7[%swap3A_392, %swap3A_393] {strides = array<i32>} : memref<40x512xf32, #tpu.memory_space<vmem>>, vector<16xf32>,
      tpu.vector_store %arg7[%swap3A_392, %swap3A_393], %broadcast_in_dim3A_44 {strides = array<i32>} : memref<40x512xf32, #tpu.memory_space<vmem>>, vector<16xf32>,
      %swap3A_395 = arith.constant 3 : i32
      %swap3A_396 = arith.index_cast %swap3A_395 : i32 to index
      %swap3A_397 = arith.index_cast %mul3A_383 : i32 to index
      %swap3A_398 = tpu.vector_load %arg7[%swap3A_396, %swap3A_397] {strides = array<i32>} : memref<40x512xf32, #tpu.memory_space<vmem>>, vector<16xf32>,
      tpu.vector_store %arg7[%swap3A_396, %swap3A_397], %broadcast_in_dim3A_44 {strides = array<i32>} : memref<40x512xf32, #tpu.memory_space<vmem>>, vector<16xf32>,
      %swap3A_399 = arith.constant 4 : i32
      %swap3A_400 = arith.index_cast %swap3A_399 : i32 to index
      %swap3A_401 = arith.index_cast %mul3A_383 : i32 to index
      %swap3A_402 = tpu.vector_load %arg7[%swap3A_400, %swap3A_401] {strides = array<i32>} : memref<40x512xf32, #tpu.memory_space<vmem>>, vector<16xf32>,
      tpu.vector_store %arg7[%swap3A_400, %swap3A_401], %broadcast_in_dim3A_44 {strides = array<i32>} : memref<40x512xf32, #tpu.memory_space<vmem>>, vector<16xf32>,
      %swap3A_403 = arith.constant 5 : i32
      %swap3A_404 = arith.index_cast %swap3A_403 : i32 to index
      %swap3A_405 = arith.index_cast %mul3A_383 : i32 to index
      %swap3A_406 = tpu.vector_load %arg7[%swap3A_404, %swap3A_405] {strides = array<i32>} : memref<40x512xf32, #tpu.memory_space<vmem>>, vector<16xf32>,
      tpu.vector_store %arg7[%swap3A_404, %swap3A_405], %broadcast_in_dim3A_44 {strides = array<i32>} : memref<40x512xf32, #tpu.memory_space<vmem>>, vector<16xf32>,
      %swap3A_407 = arith.constant 6 : i32
      %swap3A_408 = arith.index_cast %swap3A_407 : i32 to index
      %swap3A_409 = arith.index_cast %mul3A_383 : i32 to index
      %swap3A_410 = tpu.vector_load %arg7[%swap3A_408, %swap3A_409] {strides = array<i32>} : memref<40x512xf32, #tpu.memory_space<vmem>>, vector<16xf32>,
      tpu.vector_store %arg7[%swap3A_408, %swap3A_409], %broadcast_in_dim3A_44 {strides = array<i32>} : memref<40x512xf32, #tpu.memory_space<vmem>>, vector<16xf32>,
      %swap3A_411 = arith.constant 7 : i32
      %swap3A_412 = arith.index_cast %swap3A_411 : i32 to index
      %swap3A_413 = arith.index_cast %mul3A_383 : i32 to index
      %swap3A_414 = tpu.vector_load %arg7[%swap3A_412, %swap3A_413] {strides = array<i32>} : memref<40x512xf32, #tpu.memory_space<vmem>>, vector<16xf32>,
      tpu.vector_store %arg7[%swap3A_412, %swap3A_413], %broadcast_in_dim3A_44 {strides = array<i32>} : memref<40x512xf32, #tpu.memory_space<vmem>>, vector<16xf32>,
      %swap3A_415 = arith.constant 8 : i32
      %swap3A_416 = arith.index_cast %swap3A_415 : i32 to index
      %swap3A_417 = arith.index_cast %mul3A_383 : i32 to index
      %swap3A_418 = tpu.vector_load %arg7[%swap3A_416, %swap3A_417] {strides = array<i32>} : memref<40x512xf32, #tpu.memory_space<vmem>>, vector<16xf32>,
      tpu.vector_store %arg7[%swap3A_416, %swap3A_417], %broadcast_in_dim3A_44 {strides = array<i32>} : memref<40x512xf32, #tpu.memory_space<vmem>>, vector<16xf32>,
      %swap3A_419 = arith.constant 9 : i32
      %swap3A_420 = arith.index_cast %swap3A_419 : i32 to index
      %swap3A_421 = arith.index_cast %mul3A_383 : i32 to index
      %swap3A_422 = tpu.vector_load %arg7[%swap3A_420, %swap3A_421] {strides = array<i32>} : memref<40x512xf32, #tpu.memory_space<vmem>>, vector<16xf32>,
      tpu.vector_store %arg7[%swap3A_420, %swap3A_421], %broadcast_in_dim3A_44 {strides = array<i32>} : memref<40x512xf32, #tpu.memory_space<vmem>>, vector<16xf32>,
      %swap3A_423 = arith.constant 10 : i32
      %swap3A_424 = arith.index_cast %swap3A_423 : i32 to index
      %swap3A_425 = arith.index_cast %mul3A_383 : i32 to index
      %swap3A_426 = tpu.vector_load %arg7[%swap3A_424, %swap3A_425] {strides = array<i32>} : memref<40x512xf32, #tpu.memory_space<vmem>>, vector<16xf32>,
      tpu.vector_store %arg7[%swap3A_424, %swap3A_425], %broadcast_in_dim3A_44 {strides = array<i32>} : memref<40x512xf32, #tpu.memory_space<vmem>>, vector<16xf32>,
      %swap3A_427 = arith.constant 11 : i32
      %swap3A_428 = arith.index_cast %swap3A_427 : i32 to index
      %swap3A_429 = arith.index_cast %mul3A_383 : i32 to index
      %swap3A_430 = tpu.vector_load %arg7[%swap3A_428, %swap3A_429] {strides = array<i32>} : memref<40x512xf32, #tpu.memory_space<vmem>>, vector<16xf32>,
      tpu.vector_store %arg7[%swap3A_428, %swap3A_429], %broadcast_in_dim3A_44 {strides = array<i32>} : memref<40x512xf32, #tpu.memory_space<vmem>>, vector<16xf32>,
      %swap3A_431 = arith.constant 12 : i32
      %swap3A_432 = arith.index_cast %swap3A_431 : i32 to index
      %swap3A_433 = arith.index_cast %mul3A_383 : i32 to index
      %swap3A_434 = tpu.vector_load %arg7[%swap3A_432, %swap3A_433] {strides = array<i32>} : memref<40x512xf32, #tpu.memory_space<vmem>>, vector<16xf32>,
      tpu.vector_store %arg7[%swap3A_432, %swap3A_433], %broadcast_in_dim3A_44 {strides = array<i32>} : memref<40x512xf32, #tpu.memory_space<vmem>>, vector<16xf32>,
      %swap3A_435 = arith.constant 13 : i32
      %swap3A_436 = arith.index_cast %swap3A_435 : i32 to index
      %swap3A_437 = arith.index_cast %mul3A_383 : i32 to index
      %swap3A_438 = tpu.vector_load %arg7[%swap3A_436, %swap3A_437] {strides = array<i32>} : memref<40x512xf32, #tpu.memory_space<vmem>>, vector<16xf32>,
      tpu.vector_store %arg7[%swap3A_436, %swap3A_437], %broadcast_in_dim3A_44 {strides = array<i32>} : memref<40x512xf32, #tpu.memory_space<vmem>>, vector<16xf32>,
      %swap3A_439 = arith.constant 14 : i32
      %swap3A_440 = arith.index_cast %swap3A_439 : i32 to index
      %swap3A_441 = arith.index_cast %mul3A_383 : i32 to index
      %swap3A_442 = tpu.vector_load %arg7[%swap3A_440, %swap3A_441] {strides = array<i32>} : memref<40x512xf32, #tpu.memory_space<vmem>>, vector<16xf32>,
      tpu.vector_store %arg7[%swap3A_440, %swap3A_441], %broadcast_in_dim3A_44 {strides = array<i32>} : memref<40x512xf32, #tpu.memory_space<vmem>>, vector<16xf32>,
      %swap3A_443 = arith.constant 15 : i32
      %swap3A_444 = arith.index_cast %swap3A_443 : i32 to index
      %swap3A_445 = arith.index_cast %mul3A_383 : i32 to index
      %swap3A_446 = tpu.vector_load %arg7[%swap3A_444, %swap3A_445] {strides = array<i32>} : memref<40x512xf32, #tpu.memory_space<vmem>>, vector<16xf32>,
      tpu.vector_store %arg7[%swap3A_444, %swap3A_445], %broadcast_in_dim3A_44 {strides = array<i32>} : memref<40x512xf32, #tpu.memory_space<vmem>>, vector<16xf32>,
      %swap3A_447 = arith.constant 16 : i32
      %swap3A_448 = arith.index_cast %swap3A_447 : i32 to index
      %swap3A_449 = arith.index_cast %mul3A_383 : i32 to index
      %swap3A_450 = tpu.vector_load %arg7[%swap3A_448, %swap3A_449] {strides = array<i32>} : memref<40x512xf32, #tpu.memory_space<vmem>>, vector<16xf32>,
      tpu.vector_store %arg7[%swap3A_448, %swap3A_449], %broadcast_in_dim3A_44 {strides = array<i32>} : memref<40x512xf32, #tpu.memory_space<vmem>>, vector<16xf32>,
      %swap3A_451 = arith.constant 17 : i32
      %swap3A_452 = arith.index_cast %swap3A_451 : i32 to index
      %swap3A_453 = arith.index_cast %mul3A_383 : i32 to index
      %swap3A_454 = tpu.vector_load %arg7[%swap3A_452, %swap3A_453] {strides = array<i32>} : memref<40x512xf32, #tpu.memory_space<vmem>>, vector<16xf32>,
      tpu.vector_store %arg7[%swap3A_452, %swap3A_453], %broadcast_in_dim3A_44 {strides = array<i32>} : memref<40x512xf32, #tpu.memory_space<vmem>>, vector<16xf32>,
      %swap3A_455 = arith.constant 18 : i32
      %swap3A_456 = arith.index_cast %swap3A_455 : i32 to index
      %swap3A_457 = arith.index_cast %mul3A_383 : i32 to index
      %swap3A_458 = tpu.vector_load %arg7[%swap3A_456, %swap3A_457] {strides = array<i32>} : memref<40x512xf32, #tpu.memory_space<vmem>>, vector<16xf32>,
      tpu.vector_store %arg7[%swap3A_456, %swap3A_457], %broadcast_in_dim3A_44 {strides = array<i32>} : memref<40x512xf32, #tpu.memory_space<vmem>>, vector<16xf32>,
      %swap3A_459 = arith.constant 19 : i32
      %swap3A_460 = arith.index_cast %swap3A_459 : i32 to index
      %swap3A_461 = arith.index_cast %mul3A_383 : i32 to index
      %swap3A_462 = tpu.vector_load %arg7[%swap3A_460, %swap3A_461] {strides = array<i32>} : memref<40x512xf32, #tpu.memory_space<vmem>>, vector<16xf32>,
      tpu.vector_store %arg7[%swap3A_460, %swap3A_461], %broadcast_in_dim3A_44 {strides = array<i32>} : memref<40x512xf32, #tpu.memory_space<vmem>>, vector<16xf32>,
      %swap3A_463 = arith.constant 20 : i32
      %swap3A_464 = arith.index_cast %swap3A_463 : i32 to index
      %swap3A_465 = arith.index_cast %mul3A_383 : i32 to index
      %swap3A_466 = tpu.vector_load %arg7[%swap3A_464, %swap3A_465] {strides = array<i32>} : memref<40x512xf32, #tpu.memory_space<vmem>>, vector<16xf32>,
      tpu.vector_store %arg7[%swap3A_464, %swap3A_465], %broadcast_in_dim3A_44 {strides = array<i32>} : memref<40x512xf32, #tpu.memory_space<vmem>>, vector<16xf32>,
      %swap3A_467 = arith.constant 21 : i32
      %swap3A_468 = arith.index_cast %swap3A_467 : i32 to index
      %swap3A_469 = arith.index_cast %mul3A_383 : i32 to index
      %swap3A_470 = tpu.vector_load %arg7[%swap3A_468, %swap3A_469] {strides = array<i32>} : memref<40x512xf32, #tpu.memory_space<vmem>>, vector<16xf32>,
      tpu.vector_store %arg7[%swap3A_468, %swap3A_469], %broadcast_in_dim3A_44 {strides = array<i32>} : memref<40x512xf32, #tpu.memory_space<vmem>>, vector<16xf32>,
      %swap3A_471 = arith.constant 22 : i32
      %swap3A_472 = arith.index_cast %swap3A_471 : i32 to index
      %swap3A_473 = arith.index_cast %mul3A_383 : i32 to index
      %swap3A_474 = tpu.vector_load %arg7[%swap3A_472, %swap3A_473] {strides = array<i32>} : memref<40x512xf32, #tpu.memory_space<vmem>>, vector<16xf32>,
      tpu.vector_store %arg7[%swap3A_472, %swap3A_473], %broadcast_in_dim3A_44 {strides = array<i32>} : memref<40x512xf32, #tpu.memory_space<vmem>>, vector<16xf32>,
      %swap3A_475 = arith.constant 23 : i32
      %swap3A_476 = arith.index_cast %swap3A_475 : i32 to index
      %swap3A_477 = arith.index_cast %mul3A_383 : i32 to index
      %swap3A_478 = tpu.vector_load %arg7[%swap3A_476, %swap3A_477] {strides = array<i32>} : memref<40x512xf32, #tpu.memory_space<vmem>>, vector<16xf32>,
      tpu.vector_store %arg7[%swap3A_476, %swap3A_477], %broadcast_in_dim3A_44 {strides = array<i32>} : memref<40x512xf32, #tpu.memory_space<vmem>>, vector<16xf32>,
      %swap3A_479 = arith.constant 24 : i32
      %swap3A_480 = arith.index_cast %swap3A_479 : i32 to index
      %swap3A_481 = arith.index_cast %mul3A_383 : i32 to index
      %swap3A_482 = tpu.vector_load %arg7[%swap3A_480, %swap3A_481] {strides = array<i32>} : memref<40x512xf32, #tpu.memory_space<vmem>>, vector<16xf32>,
      tpu.vector_store %arg7[%swap3A_480, %swap3A_481], %broadcast_in_dim3A_44 {strides = array<i32>} : memref<40x512xf32, #tpu.memory_space<vmem>>, vector<16xf32>,
      %swap3A_483 = arith.constant 25 : i32
      %swap3A_484 = arith.index_cast %swap3A_483 : i32 to index
      %swap3A_485 = arith.index_cast %mul3A_383 : i32 to index
      %swap3A_486 = tpu.vector_load %arg7[%swap3A_484, %swap3A_485] {strides = array<i32>} : memref<40x512xf32, #tpu.memory_space<vmem>>, vector<16xf32>,
      tpu.vector_store %arg7[%swap3A_484, %swap3A_485], %broadcast_in_dim3A_44 {strides = array<i32>} : memref<40x512xf32, #tpu.memory_space<vmem>>, vector<16xf32>,
      %swap3A_487 = arith.constant 26 : i32
      %swap3A_488 = arith.index_cast %swap3A_487 : i32 to index
      %swap3A_489 = arith.index_cast %mul3A_383 : i32 to index
      %swap3A_490 = tpu.vector_load %arg7[%swap3A_488, %swap3A_489] {strides = array<i32>} : memref<40x512xf32, #tpu.memory_space<vmem>>, vector<16xf32>,
      tpu.vector_store %arg7[%swap3A_488, %swap3A_489], %broadcast_in_dim3A_44 {strides = array<i32>} : memref<40x512xf32, #tpu.memory_space<vmem>>, vector<16xf32>,
      %swap3A_491 = arith.constant 27 : i32
      %swap3A_492 = arith.index_cast %swap3A_491 : i32 to index
      %swap3A_493 = arith.index_cast %mul3A_383 : i32 to index
      %swap3A_494 = tpu.vector_load %arg7[%swap3A_492, %swap3A_493] {strides = array<i32>} : memref<40x512xf32, #tpu.memory_space<vmem>>, vector<16xf32>,
      tpu.vector_store %arg7[%swap3A_492, %swap3A_493], %broadcast_in_dim3A_44 {strides = array<i32>} : memref<40x512xf32, #tpu.memory_space<vmem>>, vector<16xf32>,
      %swap3A_495 = arith.constant 28 : i32
      %swap3A_496 = arith.index_cast %swap3A_495 : i32 to index
      %swap3A_497 = arith.index_cast %mul3A_383 : i32 to index
      %swap3A_498 = tpu.vector_load %arg7[%swap3A_496, %swap3A_497] {strides = array<i32>} : memref<40x512xf32, #tpu.memory_space<vmem>>, vector<16xf32>,
      tpu.vector_store %arg7[%swap3A_496, %swap3A_497], %broadcast_in_dim3A_44 {strides = array<i32>} : memref<40x512xf32, #tpu.memory_space<vmem>>, vector<16xf32>,
      %swap3A_499 = arith.constant 29 : i32
      %swap3A_500 = arith.index_cast %swap3A_499 : i32 to index
      %swap3A_501 = arith.index_cast %mul3A_383 : i32 to index
      %swap3A_502 = tpu.vector_load %arg7[%swap3A_500, %swap3A_501] {strides = array<i32>} : memref<40x512xf32, #tpu.memory_space<vmem>>, vector<16xf32>,
      tpu.vector_store %arg7[%swap3A_500, %swap3A_501], %broadcast_in_dim3A_44 {strides = array<i32>} : memref<40x512xf32, #tpu.memory_space<vmem>>, vector<16xf32>,
      %swap3A_503 = arith.constant 30 : i32
      %swap3A_504 = arith.index_cast %swap3A_503 : i32 to index
      %swap3A_505 = arith.index_cast %mul3A_383 : i32 to index
      %swap3A_506 = tpu.vector_load %arg7[%swap3A_504, %swap3A_505] {strides = array<i32>} : memref<40x512xf32, #tpu.memory_space<vmem>>, vector<16xf32>,
      tpu.vector_store %arg7[%swap3A_504, %swap3A_505], %broadcast_in_dim3A_44 {strides = array<i32>} : memref<40x512xf32, #tpu.memory_space<vmem>>, vector<16xf32>,
      %swap3A_507 = arith.constant 31 : i32
      %swap3A_508 = arith.index_cast %swap3A_507 : i32 to index
      %swap3A_509 = arith.index_cast %mul3A_383 : i32 to index
      %swap3A_510 = tpu.vector_load %arg7[%swap3A_508, %swap3A_509] {strides = array<i32>} : memref<40x512xf32, #tpu.memory_space<vmem>>, vector<16xf32>,
      tpu.vector_store %arg7[%swap3A_508, %swap3A_509], %broadcast_in_dim3A_44 {strides = array<i32>} : memref<40x512xf32, #tpu.memory_space<vmem>>, vector<16xf32>,
      %swap3A_511 = arith.constant 32 : i32
      %swap3A_512 = arith.index_cast %swap3A_511 : i32 to index
      %swap3A_513 = arith.index_cast %mul3A_383 : i32 to index
      %swap3A_514 = tpu.vector_load %arg7[%swap3A_512, %swap3A_513] {strides = array<i32>} : memref<40x512xf32, #tpu.memory_space<vmem>>, vector<16xf32>,
      tpu.vector_store %arg7[%swap3A_512, %swap3A_513], %broadcast_in_dim3A_44 {strides = array<i32>} : memref<40x512xf32, #tpu.memory_space<vmem>>, vector<16xf32>,
      %swap3A_515 = arith.constant 33 : i32
      %swap3A_516 = arith.index_cast %swap3A_515 : i32 to index
      %swap3A_517 = arith.index_cast %mul3A_383 : i32 to index
      %swap3A_518 = tpu.vector_load %arg7[%swap3A_516, %swap3A_517] {strides = array<i32>} : memref<40x512xf32, #tpu.memory_space<vmem>>, vector<16xf32>,
      tpu.vector_store %arg7[%swap3A_516, %swap3A_517], %broadcast_in_dim3A_44 {strides = array<i32>} : memref<40x512xf32, #tpu.memory_space<vmem>>, vector<16xf32>,
      %swap3A_519 = arith.constant 34 : i32
      %swap3A_520 = arith.index_cast %swap3A_519 : i32 to index
      %swap3A_521 = arith.index_cast %mul3A_383 : i32 to index
      %swap3A_522 = tpu.vector_load %arg7[%swap3A_520, %swap3A_521] {strides = array<i32>} : memref<40x512xf32, #tpu.memory_space<vmem>>, vector<16xf32>,
      tpu.vector_store %arg7[%swap3A_520, %swap3A_521], %broadcast_in_dim3A_44 {strides = array<i32>} : memref<40x512xf32, #tpu.memory_space<vmem>>, vector<16xf32>,
      %swap3A_523 = arith.constant 35 : i32
      %swap3A_524 = arith.index_cast %swap3A_523 : i32 to index
      %swap3A_525 = arith.index_cast %mul3A_383 : i32 to index
      %swap3A_526 = tpu.vector_load %arg7[%swap3A_524, %swap3A_525] {strides = array<i32>} : memref<40x512xf32, #tpu.memory_space<vmem>>, vector<16xf32>,
      tpu.vector_store %arg7[%swap3A_524, %swap3A_525], %broadcast_in_dim3A_44 {strides = array<i32>} : memref<40x512xf32, #tpu.memory_space<vmem>>, vector<16xf32>,
      %swap3A_527 = arith.constant 36 : i32
      %swap3A_528 = arith.index_cast %swap3A_527 : i32 to index
      %swap3A_529 = arith.index_cast %mul3A_383 : i32 to index
      %swap3A_530 = tpu.vector_load %arg7[%swap3A_528, %swap3A_529] {strides = array<i32>} : memref<40x512xf32, #tpu.memory_space<vmem>>, vector<16xf32>,
      tpu.vector_store %arg7[%swap3A_528, %swap3A_529], %broadcast_in_dim3A_44 {strides = array<i32>} : memref<40x512xf32, #tpu.memory_space<vmem>>, vector<16xf32>,
      %swap3A_531 = arith.constant 37 : i32
      %swap3A_532 = arith.index_cast %swap3A_531 : i32 to index
      %swap3A_533 = arith.index_cast %mul3A_383 : i32 to index
      %swap3A_534 = tpu.vector_load %arg7[%swap3A_532, %swap3A_533] {strides = array<i32>} : memref<40x512xf32, #tpu.memory_space<vmem>>, vector<16xf32>,
      tpu.vector_store %arg7[%swap3A_532, %swap3A_533], %broadcast_in_dim3A_44 {strides = array<i32>} : memref<40x512xf32, #tpu.memory_space<vmem>>, vector<16xf32>,
      %swap3A_535 = arith.constant 38 : i32
      %swap3A_536 = arith.index_cast %swap3A_535 : i32 to index
      %swap3A_537 = arith.index_cast %mul3A_383 : i32 to index
      %swap3A_538 = tpu.vector_load %arg7[%swap3A_536, %swap3A_537] {strides = array<i32>} : memref<40x512xf32, #tpu.memory_space<vmem>>, vector<16xf32>,
      tpu.vector_store %arg7[%swap3A_536, %swap3A_537], %broadcast_in_dim3A_44 {strides = array<i32>} : memref<40x512xf32, #tpu.memory_space<vmem>>, vector<16xf32>,
      %swap3A_539 = arith.constant 39 : i32
      %swap3A_540 = arith.index_cast %swap3A_539 : i32 to index
      %swap3A_541 = arith.index_cast %mul3A_383 : i32 to index
      %swap3A_542 = tpu.vector_load %arg7[%swap3A_540, %swap3A_541] {strides = array<i32>} : memref<40x512xf32, #tpu.memory_space<vmem>>, vector<16xf32>,
      tpu.vector_store %arg7[%swap3A_540, %swap3A_541], %broadcast_in_dim3A_44 {strides = array<i32>} : memref<40x512xf32, #tpu.memory_space<vmem>>, vector<16xf32>,
    }
    %scan3A_50 = arith.constant 32 : i32
    %scan3A_51 = arith.constant 0 : i32
    %scan3A_52 = arith.constant 0 : i32
    %scan3A_53 = arith.constant 32 : i32
    %scan3A_54 = arith.addi %scan3A_52, %scan3A_53 : i32
    %scan3A_55 = arith.constant 1 : i32
    scf.for %scan3A_381 = %scan3A_52 to %scan3A_54 step %scan3A_55  : i32 {
      %mul3A_382 = arith.constant 16 : i32
      %mul3A_383 = arith.muli %scan3A_381, %mul3A_382 : i32
      %get3A = arith.index_cast %mul3A_383 : i32 to index
      %get3A_384 = tpu.vector_load %arg4[%get3A] {strides = array<i32>} : memref<512xi32, #tpu.memory_space<vmem>>, vector<16xi32>,
      %mul3A_385 = arith.constant 16 : i32
      %mul3A_386 = arith.muli %scan3A_381, %mul3A_385 : i32
      %add3A_387 = vector.broadcast %mul3A_386 : i32 to vector<16xi32>
      %add3A_388 = arith.addi %iota3A, %add3A_387 : vector<16xi32>
      %ge3A = arith.constant 80 : i32
      %ge3A_389 = vector.broadcast %ge3A : i32 to vector<16xi32>
      %ge3A_390 = arith.cmpi sge, %get3A_384, %ge3A_389 : vector<16xi32>
      %lt3A = arith.constant 120 : i32
      %lt3A_391 = vector.broadcast %lt3A : i32 to vector<16xi32>
      %lt3A_392 = arith.cmpi slt, %get3A_384, %lt3A_391 : vector<16xi32>
      %and3A = arith.andi %ge3A_390, %lt3A_392 : vector<16xi1>
      %sub3A = arith.constant 80 : i32
      %sub3A_393 = vector.broadcast %sub3A : i32 to vector<16xi32>
      %sub3A_394 = arith.subi %get3A_384, %sub3A_393 : vector<16xi32>
      tpu.vector_store_idx %arg7[%sub3A_394, %add3A_388], %broadcast_in_dim3A_4 masked %and3A : memref<40x512xf32, #tpu.memory_space<vmem>>[vector<16xi32>, vector<16xi32>], vector<16xf32>, vector<16xi1>
    }
    %scan3A_56 = arith.constant 32 : i32
    %dma_start3A_57 = arith.constant 80 : i32
    %dma_start3A_58 = tpu.memref_slice %arg3[%dma_start3A_57, %mul3A_2] : memref<1000x16384xf32, #tpu.memory_space<hbm>> -> memref<40x512xf32, #tpu.memory_space<hbm>>
    %dma_start3A_59 = arith.constant 80 : i32
    %dma_start3A_60 = tpu.memref_slice %arg3[%dma_start3A_59, %mul3A_2] : memref<1000x16384xf32, #tpu.memory_space<hbm>> -> memref<40x512xf32, #tpu.memory_space<hbm>>
    tpu.enqueue_dma source(%arg7 : memref<40x512xf32, #tpu.memory_space<vmem>>) target(%dma_start3A_60 : memref<40x512xf32, #tpu.memory_space<hbm>>) target_semaphore(%arg10 : memref<!tpu.dma_semaphore, #tpu.memory_space<semaphore_mem>>)
    %dma_wait3A_61 = arith.constant 0 : i32
    %dma_wait3A_62 = tpu.memref_slice %arg3[%dma_wait3A_61, %mul3A_2] : memref<1000x16384xf32, #tpu.memory_space<hbm>> -> memref<40x512xf32, #tpu.memory_space<hbm>>
    %dma_wait3A_63 = arith.constant 0 : i32
    %dma_wait3A_64 = tpu.memref_slice %arg3[%dma_wait3A_63, %mul3A_2] : memref<1000x16384xf32, #tpu.memory_space<hbm>> -> memref<40x512xf32, #tpu.memory_space<hbm>>
    tpu.wait_dma2 semaphore(%arg8 : memref<!tpu.dma_semaphore, #tpu.memory_space<semaphore_mem>>) src(%arg5 : memref<40x512xf32, #tpu.memory_space<vmem>>) dst(%dma_wait3A_64 : memref<40x512xf32, #tpu.memory_space<hbm>>)
    %scan3A_65 = arith.constant 0 : i32
    %scan3A_66 = arith.constant 0 : i32
    %scan3A_67 = arith.constant 32 : i32
    %scan3A_68 = arith.addi %scan3A_66, %scan3A_67 : i32
    %scan3A_69 = arith.constant 1 : i32
    scf.for %scan3A_381 = %scan3A_66 to %scan3A_68 step %scan3A_69  : i32 {
      %mul3A_382 = arith.constant 16 : i32
      %mul3A_383 = arith.muli %scan3A_381, %mul3A_382 : i32
      %get3A = arith.index_cast %mul3A_383 : i32 to index
      %get3A_384 = tpu.vector_load %arg4[%get3A] {strides = array<i32>} : memref<512xi32, #tpu.memory_space<vmem>>, vector<16xi32>,
      %mul3A_385 = arith.constant 16 : i32
      %mul3A_386 = arith.muli %scan3A_381, %mul3A_385 : i32
      %add3A_387 = vector.broadcast %mul3A_386 : i32 to vector<16xi32>
      %add3A_388 = arith.addi %iota3A, %add3A_387 : vector<16xi32>
      %ge3A = arith.constant 0 : i32
      %ge3A_389 = vector.broadcast %ge3A : i32 to vector<16xi32>
      %ge3A_390 = arith.cmpi sge, %get3A_384, %ge3A_389 : vector<16xi32>
      %lt3A = arith.constant 40 : i32
      %lt3A_391 = vector.broadcast %lt3A : i32 to vector<16xi32>
      %lt3A_392 = arith.cmpi slt, %get3A_384, %lt3A_391 : vector<16xi32>
      %and3A = arith.andi %ge3A_390, %lt3A_392 : vector<16xi1>
      %sub3A = arith.constant 0 : i32
      %sub3A_393 = vector.broadcast %sub3A : i32 to vector<16xi32>
      %sub3A_394 = arith.subi %get3A_384, %sub3A_393 : vector<16xi32>
      tpu.vector_store_idx %arg5[%sub3A_394, %add3A_388], %broadcast_in_dim3A_6 masked %and3A : memref<40x512xf32, #tpu.memory_space<vmem>>[vector<16xi32>, vector<16xi32>], vector<16xf32>, vector<16xi1>
      %ge3A_395 = arith.constant 120 : i32
      %ge3A_396 = vector.broadcast %ge3A_395 : i32 to vector<16xi32>
      %ge3A_397 = arith.cmpi sge, %get3A_384, %ge3A_396 : vector<16xi32>
      %lt3A_398 = arith.constant 160 : i32
      %lt3A_399 = vector.broadcast %lt3A_398 : i32 to vector<16xi32>
      %lt3A_400 = arith.cmpi slt, %get3A_384, %lt3A_399 : vector<16xi32>
      %and3A_401 = arith.andi %ge3A_397, %lt3A_400 : vector<16xi1>
      %sub3A_402 = arith.constant 120 : i32
      %sub3A_403 = vector.broadcast %sub3A_402 : i32 to vector<16xi32>
      %sub3A_404 = arith.subi %get3A_384, %sub3A_403 : vector<16xi32>
      tpu.vector_store_idx %arg5[%sub3A_404, %add3A_388], %broadcast_in_dim3A_4 masked %and3A_401 : memref<40x512xf32, #tpu.memory_space<vmem>>[vector<16xi32>, vector<16xi32>], vector<16xf32>, vector<16xi1>
    }
    %scan3A_70 = arith.constant 32 : i32
    %dma_start3A_71 = arith.constant 120 : i32
    %dma_start3A_72 = tpu.memref_slice %arg3[%dma_start3A_71, %mul3A_2] : memref<1000x16384xf32, #tpu.memory_space<hbm>> -> memref<40x512xf32, #tpu.memory_space<hbm>>
    %dma_start3A_73 = arith.constant 120 : i32
    %dma_start3A_74 = tpu.memref_slice %arg3[%dma_start3A_73, %mul3A_2] : memref<1000x16384xf32, #tpu.memory_space<hbm>> -> memref<40x512xf32, #tpu.memory_space<hbm>>
    tpu.enqueue_dma source(%arg5 : memref<40x512xf32, #tpu.memory_space<vmem>>) target(%dma_start3A_74 : memref<40x512xf32, #tpu.memory_space<hbm>>) target_semaphore(%arg8 : memref<!tpu.dma_semaphore, #tpu.memory_space<semaphore_mem>>)
    %dma_wait3A_75 = arith.constant 40 : i32
    %dma_wait3A_76 = tpu.memref_slice %arg3[%dma_wait3A_75, %mul3A_2] : memref<1000x16384xf32, #tpu.memory_space<hbm>> -> memref<40x512xf32, #tpu.memory_space<hbm>>
    %dma_wait3A_77 = arith.constant 40 : i32
    %dma_wait3A_78 = tpu.memref_slice %arg3[%dma_wait3A_77, %mul3A_2] : memref<1000x16384xf32, #tpu.memory_space<hbm>> -> memref<40x512xf32, #tpu.memory_space<hbm>>
    tpu.wait_dma2 semaphore(%arg9 : memref<!tpu.dma_semaphore, #tpu.memory_space<semaphore_mem>>) src(%arg6 : memref<40x512xf32, #tpu.memory_space<vmem>>) dst(%dma_wait3A_78 : memref<40x512xf32, #tpu.memory_space<hbm>>)
    %scan3A_79 = arith.constant 0 : i32
    %scan3A_80 = arith.constant 0 : i32
    %scan3A_81 = arith.constant 32 : i32
    %scan3A_82 = arith.addi %scan3A_80, %scan3A_81 : i32
    %scan3A_83 = arith.constant 1 : i32
    scf.for %scan3A_381 = %scan3A_80 to %scan3A_82 step %scan3A_83  : i32 {
      %mul3A_382 = arith.constant 16 : i32
      %mul3A_383 = arith.muli %scan3A_381, %mul3A_382 : i32
      %get3A = arith.index_cast %mul3A_383 : i32 to index
      %get3A_384 = tpu.vector_load %arg4[%get3A] {strides = array<i32>} : memref<512xi32, #tpu.memory_space<vmem>>, vector<16xi32>,
      %mul3A_385 = arith.constant 16 : i32
      %mul3A_386 = arith.muli %scan3A_381, %mul3A_385 : i32
      %add3A_387 = vector.broadcast %mul3A_386 : i32 to vector<16xi32>
      %add3A_388 = arith.addi %iota3A, %add3A_387 : vector<16xi32>
      %ge3A = arith.constant 40 : i32
      %ge3A_389 = vector.broadcast %ge3A : i32 to vector<16xi32>
      %ge3A_390 = arith.cmpi sge, %get3A_384, %ge3A_389 : vector<16xi32>
      %lt3A = arith.constant 80 : i32
      %lt3A_391 = vector.broadcast %lt3A : i32 to vector<16xi32>
      %lt3A_392 = arith.cmpi slt, %get3A_384, %lt3A_391 : vector<16xi32>
      %and3A = arith.andi %ge3A_390, %lt3A_392 : vector<16xi1>
      %sub3A = arith.constant 40 : i32
      %sub3A_393 = vector.broadcast %sub3A : i32 to vector<16xi32>
      %sub3A_394 = arith.subi %get3A_384, %sub3A_393 : vector<16xi32>
      tpu.vector_store_idx %arg6[%sub3A_394, %add3A_388], %broadcast_in_dim3A_6 masked %and3A : memref<40x512xf32, #tpu.memory_space<vmem>>[vector<16xi32>, vector<16xi32>], vector<16xf32>, vector<16xi1>
      %ge3A_395 = arith.constant 160 : i32
      %ge3A_396 = vector.broadcast %ge3A_395 : i32 to vector<16xi32>
      %ge3A_397 = arith.cmpi sge, %get3A_384, %ge3A_396 : vector<16xi32>
      %lt3A_398 = arith.constant 200 : i32
      %lt3A_399 = vector.broadcast %lt3A_398 : i32 to vector<16xi32>
      %lt3A_400 = arith.cmpi slt, %get3A_384, %lt3A_399 : vector<16xi32>
      %and3A_401 = arith.andi %ge3A_397, %lt3A_400 : vector<16xi1>
      %sub3A_402 = arith.constant 160 : i32
      %sub3A_403 = vector.broadcast %sub3A_402 : i32 to vector<16xi32>
      %sub3A_404 = arith.subi %get3A_384, %sub3A_403 : vector<16xi32>
      tpu.vector_store_idx %arg6[%sub3A_404, %add3A_388], %broadcast_in_dim3A_4 masked %and3A_401 : memref<40x512xf32, #tpu.memory_space<vmem>>[vector<16xi32>, vector<16xi32>], vector<16xf32>, vector<16xi1>
    }
    %scan3A_84 = arith.constant 32 : i32
    %dma_start3A_85 = arith.constant 160 : i32
    %dma_start3A_86 = tpu.memref_slice %arg3[%dma_start3A_85, %mul3A_2] : memref<1000x16384xf32, #tpu.memory_space<hbm>> -> memref<40x512xf32, #tpu.memory_space<hbm>>
    %dma_start3A_87 = arith.constant 160 : i32
    %dma_start3A_88 = tpu.memref_slice %arg3[%dma_start3A_87, %mul3A_2] : memref<1000x16384xf32, #tpu.memory_space<hbm>> -> memref<40x512xf32, #tpu.memory_space<hbm>>
    tpu.enqueue_dma source(%arg6 : memref<40x512xf32, #tpu.memory_space<vmem>>) target(%dma_start3A_88 : memref<40x512xf32, #tpu.memory_space<hbm>>) target_semaphore(%arg9 : memref<!tpu.dma_semaphore, #tpu.memory_space<semaphore_mem>>)
    %dma_wait3A_89 = arith.constant 80 : i32
    %dma_wait3A_90 = tpu.memref_slice %arg3[%dma_wait3A_89, %mul3A_2] : memref<1000x16384xf32, #tpu.memory_space<hbm>> -> memref<40x512xf32, #tpu.memory_space<hbm>>
    %dma_wait3A_91 = arith.constant 80 : i32
    %dma_wait3A_92 = tpu.memref_slice %arg3[%dma_wait3A_91, %mul3A_2] : memref<1000x16384xf32, #tpu.memory_space<hbm>> -> memref<40x512xf32, #tpu.memory_space<hbm>>
    tpu.wait_dma2 semaphore(%arg10 : memref<!tpu.dma_semaphore, #tpu.memory_space<semaphore_mem>>) src(%arg7 : memref<40x512xf32, #tpu.memory_space<vmem>>) dst(%dma_wait3A_92 : memref<40x512xf32, #tpu.memory_space<hbm>>)
    %scan3A_93 = arith.constant 0 : i32
    %scan3A_94 = arith.constant 0 : i32
    %scan3A_95 = arith.constant 32 : i32
    %scan3A_96 = arith.addi %scan3A_94, %scan3A_95 : i32
    %scan3A_97 = arith.constant 1 : i32
    scf.for %scan3A_381 = %scan3A_94 to %scan3A_96 step %scan3A_97  : i32 {
      %mul3A_382 = arith.constant 16 : i32
      %mul3A_383 = arith.muli %scan3A_381, %mul3A_382 : i32
      %get3A = arith.index_cast %mul3A_383 : i32 to index
      %get3A_384 = tpu.vector_load %arg4[%get3A] {strides = array<i32>} : memref<512xi32, #tpu.memory_space<vmem>>, vector<16xi32>,
      %mul3A_385 = arith.constant 16 : i32
      %mul3A_386 = arith.muli %scan3A_381, %mul3A_385 : i32
      %add3A_387 = vector.broadcast %mul3A_386 : i32 to vector<16xi32>
      %add3A_388 = arith.addi %iota3A, %add3A_387 : vector<16xi32>
      %ge3A = arith.constant 80 : i32
      %ge3A_389 = vector.broadcast %ge3A : i32 to vector<16xi32>
      %ge3A_390 = arith.cmpi sge, %get3A_384, %ge3A_389 : vector<16xi32>
      %lt3A = arith.constant 120 : i32
      %lt3A_391 = vector.broadcast %lt3A : i32 to vector<16xi32>
      %lt3A_392 = arith.cmpi slt, %get3A_384, %lt3A_391 : vector<16xi32>
      %and3A = arith.andi %ge3A_390, %lt3A_392 : vector<16xi1>
      %sub3A = arith.constant 80 : i32
      %sub3A_393 = vector.broadcast %sub3A : i32 to vector<16xi32>
      %sub3A_394 = arith.subi %get3A_384, %sub3A_393 : vector<16xi32>
      tpu.vector_store_idx %arg7[%sub3A_394, %add3A_388], %broadcast_in_dim3A_6 masked %and3A : memref<40x512xf32, #tpu.memory_space<vmem>>[vector<16xi32>, vector<16xi32>], vector<16xf32>, vector<16xi1>
      %ge3A_395 = arith.constant 200 : i32
      %ge3A_396 = vector.broadcast %ge3A_395 : i32 to vector<16xi32>
      %ge3A_397 = arith.cmpi sge, %get3A_384, %ge3A_396 : vector<16xi32>
      %lt3A_398 = arith.constant 240 : i32
      %lt3A_399 = vector.broadcast %lt3A_398 : i32 to vector<16xi32>
      %lt3A_400 = arith.cmpi slt, %get3A_384, %lt3A_399 : vector<16xi32>
      %and3A_401 = arith.andi %ge3A_397, %lt3A_400 : vector<16xi1>
      %sub3A_402 = arith.constant 200 : i32
      %sub3A_403 = vector.broadcast %sub3A_402 : i32 to vector<16xi32>
      %sub3A_404 = arith.subi %get3A_384, %sub3A_403 : vector<16xi32>
      tpu.vector_store_idx %arg7[%sub3A_404, %add3A_388], %broadcast_in_dim3A_4 masked %and3A_401 : memref<40x512xf32, #tpu.memory_space<vmem>>[vector<16xi32>, vector<16xi32>], vector<16xf32>, vector<16xi1>
    }
    %scan3A_98 = arith.constant 32 : i32
    %dma_start3A_99 = arith.constant 200 : i32
    %dma_start3A_100 = tpu.memref_slice %arg3[%dma_start3A_99, %mul3A_2] : memref<1000x16384xf32, #tpu.memory_space<hbm>> -> memref<40x512xf32, #tpu.memory_space<hbm>>
    %dma_start3A_101 = arith.constant 200 : i32
    %dma_start3A_102 = tpu.memref_slice %arg3[%dma_start3A_101, %mul3A_2] : memref<1000x16384xf32, #tpu.memory_space<hbm>> -> memref<40x512xf32, #tpu.memory_space<hbm>>
    tpu.enqueue_dma source(%arg7 : memref<40x512xf32, #tpu.memory_space<vmem>>) target(%dma_start3A_102 : memref<40x512xf32, #tpu.memory_space<hbm>>) target_semaphore(%arg10 : memref<!tpu.dma_semaphore, #tpu.memory_space<semaphore_mem>>)
    %dma_wait3A_103 = arith.constant 120 : i32
    %dma_wait3A_104 = tpu.memref_slice %arg3[%dma_wait3A_103, %mul3A_2] : memref<1000x16384xf32, #tpu.memory_space<hbm>> -> memref<40x512xf32, #tpu.memory_space<hbm>>
    %dma_wait3A_105 = arith.constant 120 : i32
    %dma_wait3A_106 = tpu.memref_slice %arg3[%dma_wait3A_105, %mul3A_2] : memref<1000x16384xf32, #tpu.memory_space<hbm>> -> memref<40x512xf32, #tpu.memory_space<hbm>>
    tpu.wait_dma2 semaphore(%arg8 : memref<!tpu.dma_semaphore, #tpu.memory_space<semaphore_mem>>) src(%arg5 : memref<40x512xf32, #tpu.memory_space<vmem>>) dst(%dma_wait3A_106 : memref<40x512xf32, #tpu.memory_space<hbm>>)
    %scan3A_107 = arith.constant 0 : i32
    %scan3A_108 = arith.constant 0 : i32
    %scan3A_109 = arith.constant 32 : i32
    %scan3A_110 = arith.addi %scan3A_108, %scan3A_109 : i32
    %scan3A_111 = arith.constant 1 : i32
    scf.for %scan3A_381 = %scan3A_108 to %scan3A_110 step %scan3A_111  : i32 {
      %mul3A_382 = arith.constant 16 : i32
      %mul3A_383 = arith.muli %scan3A_381, %mul3A_382 : i32
      %get3A = arith.index_cast %mul3A_383 : i32 to index
      %get3A_384 = tpu.vector_load %arg4[%get3A] {strides = array<i32>} : memref<512xi32, #tpu.memory_space<vmem>>, vector<16xi32>,
      %mul3A_385 = arith.constant 16 : i32
      %mul3A_386 = arith.muli %scan3A_381, %mul3A_385 : i32
      %add3A_387 = vector.broadcast %mul3A_386 : i32 to vector<16xi32>
      %add3A_388 = arith.addi %iota3A, %add3A_387 : vector<16xi32>
      %ge3A = arith.constant 120 : i32
      %ge3A_389 = vector.broadcast %ge3A : i32 to vector<16xi32>
      %ge3A_390 = arith.cmpi sge, %get3A_384, %ge3A_389 : vector<16xi32>
      %lt3A = arith.constant 160 : i32
      %lt3A_391 = vector.broadcast %lt3A : i32 to vector<16xi32>
      %lt3A_392 = arith.cmpi slt, %get3A_384, %lt3A_391 : vector<16xi32>
      %and3A = arith.andi %ge3A_390, %lt3A_392 : vector<16xi1>
      %sub3A = arith.constant 120 : i32
      %sub3A_393 = vector.broadcast %sub3A : i32 to vector<16xi32>
      %sub3A_394 = arith.subi %get3A_384, %sub3A_393 : vector<16xi32>
      tpu.vector_store_idx %arg5[%sub3A_394, %add3A_388], %broadcast_in_dim3A_6 masked %and3A : memref<40x512xf32, #tpu.memory_space<vmem>>[vector<16xi32>, vector<16xi32>], vector<16xf32>, vector<16xi1>
      %ge3A_395 = arith.constant 240 : i32
      %ge3A_396 = vector.broadcast %ge3A_395 : i32 to vector<16xi32>
      %ge3A_397 = arith.cmpi sge, %get3A_384, %ge3A_396 : vector<16xi32>
      %lt3A_398 = arith.constant 280 : i32
      %lt3A_399 = vector.broadcast %lt3A_398 : i32 to vector<16xi32>
      %lt3A_400 = arith.cmpi slt, %get3A_384, %lt3A_399 : vector<16xi32>
      %and3A_401 = arith.andi %ge3A_397, %lt3A_400 : vector<16xi1>
      %sub3A_402 = arith.constant 240 : i32
      %sub3A_403 = vector.broadcast %sub3A_402 : i32 to vector<16xi32>
      %sub3A_404 = arith.subi %get3A_384, %sub3A_403 : vector<16xi32>
      tpu.vector_store_idx %arg5[%sub3A_404, %add3A_388], %broadcast_in_dim3A_4 masked %and3A_401 : memref<40x512xf32, #tpu.memory_space<vmem>>[vector<16xi32>, vector<16xi32>], vector<16xf32>, vector<16xi1>
    }
    %scan3A_112 = arith.constant 32 : i32
    %dma_start3A_113 = arith.constant 240 : i32
    %dma_start3A_114 = tpu.memref_slice %arg3[%dma_start3A_113, %mul3A_2] : memref<1000x16384xf32, #tpu.memory_space<hbm>> -> memref<40x512xf32, #tpu.memory_space<hbm>>
    %dma_start3A_115 = arith.constant 240 : i32
    %dma_start3A_116 = tpu.memref_slice %arg3[%dma_start3A_115, %mul3A_2] : memref<1000x16384xf32, #tpu.memory_space<hbm>> -> memref<40x512xf32, #tpu.memory_space<hbm>>
    tpu.enqueue_dma source(%arg5 : memref<40x512xf32, #tpu.memory_space<vmem>>) target(%dma_start3A_116 : memref<40x512xf32, #tpu.memory_space<hbm>>) target_semaphore(%arg8 : memref<!tpu.dma_semaphore, #tpu.memory_space<semaphore_mem>>)
    %dma_wait3A_117 = arith.constant 160 : i32
    %dma_wait3A_118 = tpu.memref_slice %arg3[%dma_wait3A_117, %mul3A_2] : memref<1000x16384xf32, #tpu.memory_space<hbm>> -> memref<40x512xf32, #tpu.memory_space<hbm>>
    %dma_wait3A_119 = arith.constant 160 : i32
    %dma_wait3A_120 = tpu.memref_slice %arg3[%dma_wait3A_119, %mul3A_2] : memref<1000x16384xf32, #tpu.memory_space<hbm>> -> memref<40x512xf32, #tpu.memory_space<hbm>>
    tpu.wait_dma2 semaphore(%arg9 : memref<!tpu.dma_semaphore, #tpu.memory_space<semaphore_mem>>) src(%arg6 : memref<40x512xf32, #tpu.memory_space<vmem>>) dst(%dma_wait3A_120 : memref<40x512xf32, #tpu.memory_space<hbm>>)
    %scan3A_121 = arith.constant 0 : i32
    %scan3A_122 = arith.constant 0 : i32
    %scan3A_123 = arith.constant 32 : i32
    %scan3A_124 = arith.addi %scan3A_122, %scan3A_123 : i32
    %scan3A_125 = arith.constant 1 : i32
    scf.for %scan3A_381 = %scan3A_122 to %scan3A_124 step %scan3A_125  : i32 {
      %mul3A_382 = arith.constant 16 : i32
      %mul3A_383 = arith.muli %scan3A_381, %mul3A_382 : i32
      %get3A = arith.index_cast %mul3A_383 : i32 to index
      %get3A_384 = tpu.vector_load %arg4[%get3A] {strides = array<i32>} : memref<512xi32, #tpu.memory_space<vmem>>, vector<16xi32>,
      %mul3A_385 = arith.constant 16 : i32
      %mul3A_386 = arith.muli %scan3A_381, %mul3A_385 : i32
      %add3A_387 = vector.broadcast %mul3A_386 : i32 to vector<16xi32>
      %add3A_388 = arith.addi %iota3A, %add3A_387 : vector<16xi32>
      %ge3A = arith.constant 160 : i32
      %ge3A_389 = vector.broadcast %ge3A : i32 to vector<16xi32>
      %ge3A_390 = arith.cmpi sge, %get3A_384, %ge3A_389 : vector<16xi32>
      %lt3A = arith.constant 200 : i32
      %lt3A_391 = vector.broadcast %lt3A : i32 to vector<16xi32>
      %lt3A_392 = arith.cmpi slt, %get3A_384, %lt3A_391 : vector<16xi32>
      %and3A = arith.andi %ge3A_390, %lt3A_392 : vector<16xi1>
      %sub3A = arith.constant 160 : i32
      %sub3A_393 = vector.broadcast %sub3A : i32 to vector<16xi32>
      %sub3A_394 = arith.subi %get3A_384, %sub3A_393 : vector<16xi32>
      tpu.vector_store_idx %arg6[%sub3A_394, %add3A_388], %broadcast_in_dim3A_6 masked %and3A : memref<40x512xf32, #tpu.memory_space<vmem>>[vector<16xi32>, vector<16xi32>], vector<16xf32>, vector<16xi1>
      %ge3A_395 = arith.constant 280 : i32
      %ge3A_396 = vector.broadcast %ge3A_395 : i32 to vector<16xi32>
      %ge3A_397 = arith.cmpi sge, %get3A_384, %ge3A_396 : vector<16xi32>
      %lt3A_398 = arith.constant 320 : i32
      %lt3A_399 = vector.broadcast %lt3A_398 : i32 to vector<16xi32>
      %lt3A_400 = arith.cmpi slt, %get3A_384, %lt3A_399 : vector<16xi32>
      %and3A_401 = arith.andi %ge3A_397, %lt3A_400 : vector<16xi1>
      %sub3A_402 = arith.constant 280 : i32
      %sub3A_403 = vector.broadcast %sub3A_402 : i32 to vector<16xi32>
      %sub3A_404 = arith.subi %get3A_384, %sub3A_403 : vector<16xi32>
      tpu.vector_store_idx %arg6[%sub3A_404, %add3A_388], %broadcast_in_dim3A_4 masked %and3A_401 : memref<40x512xf32, #tpu.memory_space<vmem>>[vector<16xi32>, vector<16xi32>], vector<16xf32>, vector<16xi1>
    }
    %scan3A_126 = arith.constant 32 : i32
    %dma_start3A_127 = arith.constant 280 : i32
    %dma_start3A_128 = tpu.memref_slice %arg3[%dma_start3A_127, %mul3A_2] : memref<1000x16384xf32, #tpu.memory_space<hbm>> -> memref<40x512xf32, #tpu.memory_space<hbm>>
    %dma_start3A_129 = arith.constant 280 : i32
    %dma_start3A_130 = tpu.memref_slice %arg3[%dma_start3A_129, %mul3A_2] : memref<1000x16384xf32, #tpu.memory_space<hbm>> -> memref<40x512xf32, #tpu.memory_space<hbm>>
    tpu.enqueue_dma source(%arg6 : memref<40x512xf32, #tpu.memory_space<vmem>>) target(%dma_start3A_130 : memref<40x512xf32, #tpu.memory_space<hbm>>) target_semaphore(%arg9 : memref<!tpu.dma_semaphore, #tpu.memory_space<semaphore_mem>>)
    %dma_wait3A_131 = arith.constant 200 : i32
    %dma_wait3A_132 = tpu.memref_slice %arg3[%dma_wait3A_131, %mul3A_2] : memref<1000x16384xf32, #tpu.memory_space<hbm>> -> memref<40x512xf32, #tpu.memory_space<hbm>>
    %dma_wait3A_133 = arith.constant 200 : i32
    %dma_wait3A_134 = tpu.memref_slice %arg3[%dma_wait3A_133, %mul3A_2] : memref<1000x16384xf32, #tpu.memory_space<hbm>> -> memref<40x512xf32, #tpu.memory_space<hbm>>
    tpu.wait_dma2 semaphore(%arg10 : memref<!tpu.dma_semaphore, #tpu.memory_space<semaphore_mem>>) src(%arg7 : memref<40x512xf32, #tpu.memory_space<vmem>>) dst(%dma_wait3A_134 : memref<40x512xf32, #tpu.memory_space<hbm>>)
    %scan3A_135 = arith.constant 0 : i32
    %scan3A_136 = arith.constant 0 : i32
    %scan3A_137 = arith.constant 32 : i32
    %scan3A_138 = arith.addi %scan3A_136, %scan3A_137 : i32
    %scan3A_139 = arith.constant 1 : i32
    scf.for %scan3A_381 = %scan3A_136 to %scan3A_138 step %scan3A_139  : i32 {
      %mul3A_382 = arith.constant 16 : i32
      %mul3A_383 = arith.muli %scan3A_381, %mul3A_382 : i32
      %get3A = arith.index_cast %mul3A_383 : i32 to index
      %get3A_384 = tpu.vector_load %arg4[%get3A] {strides = array<i32>} : memref<512xi32, #tpu.memory_space<vmem>>, vector<16xi32>,
      %mul3A_385 = arith.constant 16 : i32
      %mul3A_386 = arith.muli %scan3A_381, %mul3A_385 : i32
      %add3A_387 = vector.broadcast %mul3A_386 : i32 to vector<16xi32>
      %add3A_388 = arith.addi %iota3A, %add3A_387 : vector<16xi32>
      %ge3A = arith.constant 200 : i32
      %ge3A_389 = vector.broadcast %ge3A : i32 to vector<16xi32>
      %ge3A_390 = arith.cmpi sge, %get3A_384, %ge3A_389 : vector<16xi32>
      %lt3A = arith.constant 240 : i32
      %lt3A_391 = vector.broadcast %lt3A : i32 to vector<16xi32>
      %lt3A_392 = arith.cmpi slt, %get3A_384, %lt3A_391 : vector<16xi32>
      %and3A = arith.andi %ge3A_390, %lt3A_392 : vector<16xi1>
      %sub3A = arith.constant 200 : i32
      %sub3A_393 = vector.broadcast %sub3A : i32 to vector<16xi32>
      %sub3A_394 = arith.subi %get3A_384, %sub3A_393 : vector<16xi32>
      tpu.vector_store_idx %arg7[%sub3A_394, %add3A_388], %broadcast_in_dim3A_6 masked %and3A : memref<40x512xf32, #tpu.memory_space<vmem>>[vector<16xi32>, vector<16xi32>], vector<16xf32>, vector<16xi1>
      %ge3A_395 = arith.constant 320 : i32
      %ge3A_396 = vector.broadcast %ge3A_395 : i32 to vector<16xi32>
      %ge3A_397 = arith.cmpi sge, %get3A_384, %ge3A_396 : vector<16xi32>
      %lt3A_398 = arith.constant 360 : i32
      %lt3A_399 = vector.broadcast %lt3A_398 : i32 to vector<16xi32>
      %lt3A_400 = arith.cmpi slt, %get3A_384, %lt3A_399 : vector<16xi32>
      %and3A_401 = arith.andi %ge3A_397, %lt3A_400 : vector<16xi1>
      %sub3A_402 = arith.constant 320 : i32
      %sub3A_403 = vector.broadcast %sub3A_402 : i32 to vector<16xi32>
      %sub3A_404 = arith.subi %get3A_384, %sub3A_403 : vector<16xi32>
      tpu.vector_store_idx %arg7[%sub3A_404, %add3A_388], %broadcast_in_dim3A_4 masked %and3A_401 : memref<40x512xf32, #tpu.memory_space<vmem>>[vector<16xi32>, vector<16xi32>], vector<16xf32>, vector<16xi1>
    }
    %scan3A_140 = arith.constant 32 : i32
    %dma_start3A_141 = arith.constant 320 : i32
    %dma_start3A_142 = tpu.memref_slice %arg3[%dma_start3A_141, %mul3A_2] : memref<1000x16384xf32, #tpu.memory_space<hbm>> -> memref<40x512xf32, #tpu.memory_space<hbm>>
    %dma_start3A_143 = arith.constant 320 : i32
    %dma_start3A_144 = tpu.memref_slice %arg3[%dma_start3A_143, %mul3A_2] : memref<1000x16384xf32, #tpu.memory_space<hbm>> -> memref<40x512xf32, #tpu.memory_space<hbm>>
    tpu.enqueue_dma source(%arg7 : memref<40x512xf32, #tpu.memory_space<vmem>>) target(%dma_start3A_144 : memref<40x512xf32, #tpu.memory_space<hbm>>) target_semaphore(%arg10 : memref<!tpu.dma_semaphore, #tpu.memory_space<semaphore_mem>>)
    %dma_wait3A_145 = arith.constant 240 : i32
    %dma_wait3A_146 = tpu.memref_slice %arg3[%dma_wait3A_145, %mul3A_2] : memref<1000x16384xf32, #tpu.memory_space<hbm>> -> memref<40x512xf32, #tpu.memory_space<hbm>>
    %dma_wait3A_147 = arith.constant 240 : i32
    %dma_wait3A_148 = tpu.memref_slice %arg3[%dma_wait3A_147, %mul3A_2] : memref<1000x16384xf32, #tpu.memory_space<hbm>> -> memref<40x512xf32, #tpu.memory_space<hbm>>
    tpu.wait_dma2 semaphore(%arg8 : memref<!tpu.dma_semaphore, #tpu.memory_space<semaphore_mem>>) src(%arg5 : memref<40x512xf32, #tpu.memory_space<vmem>>) dst(%dma_wait3A_148 : memref<40x512xf32, #tpu.memory_space<hbm>>)
    %scan3A_149 = arith.constant 0 : i32
    %scan3A_150 = arith.constant 0 : i32
    %scan3A_151 = arith.constant 32 : i32
    %scan3A_152 = arith.addi %scan3A_150, %scan3A_151 : i32
    %scan3A_153 = arith.constant 1 : i32
    scf.for %scan3A_381 = %scan3A_150 to %scan3A_152 step %scan3A_153  : i32 {
      %mul3A_382 = arith.constant 16 : i32
      %mul3A_383 = arith.muli %scan3A_381, %mul3A_382 : i32
      %get3A = arith.index_cast %mul3A_383 : i32 to index
      %get3A_384 = tpu.vector_load %arg4[%get3A] {strides = array<i32>} : memref<512xi32, #tpu.memory_space<vmem>>, vector<16xi32>,
      %mul3A_385 = arith.constant 16 : i32
      %mul3A_386 = arith.muli %scan3A_381, %mul3A_385 : i32
      %add3A_387 = vector.broadcast %mul3A_386 : i32 to vector<16xi32>
      %add3A_388 = arith.addi %iota3A, %add3A_387 : vector<16xi32>
      %ge3A = arith.constant 240 : i32
      %ge3A_389 = vector.broadcast %ge3A : i32 to vector<16xi32>
      %ge3A_390 = arith.cmpi sge, %get3A_384, %ge3A_389 : vector<16xi32>
      %lt3A = arith.constant 280 : i32
      %lt3A_391 = vector.broadcast %lt3A : i32 to vector<16xi32>
      %lt3A_392 = arith.cmpi slt, %get3A_384, %lt3A_391 : vector<16xi32>
      %and3A = arith.andi %ge3A_390, %lt3A_392 : vector<16xi1>
      %sub3A = arith.constant 240 : i32
      %sub3A_393 = vector.broadcast %sub3A : i32 to vector<16xi32>
      %sub3A_394 = arith.subi %get3A_384, %sub3A_393 : vector<16xi32>
      tpu.vector_store_idx %arg5[%sub3A_394, %add3A_388], %broadcast_in_dim3A_6 masked %and3A : memref<40x512xf32, #tpu.memory_space<vmem>>[vector<16xi32>, vector<16xi32>], vector<16xf32>, vector<16xi1>
      %ge3A_395 = arith.constant 360 : i32
      %ge3A_396 = vector.broadcast %ge3A_395 : i32 to vector<16xi32>
      %ge3A_397 = arith.cmpi sge, %get3A_384, %ge3A_396 : vector<16xi32>
      %lt3A_398 = arith.constant 400 : i32
      %lt3A_399 = vector.broadcast %lt3A_398 : i32 to vector<16xi32>
      %lt3A_400 = arith.cmpi slt, %get3A_384, %lt3A_399 : vector<16xi32>
      %and3A_401 = arith.andi %ge3A_397, %lt3A_400 : vector<16xi1>
      %sub3A_402 = arith.constant 360 : i32
      %sub3A_403 = vector.broadcast %sub3A_402 : i32 to vector<16xi32>
      %sub3A_404 = arith.subi %get3A_384, %sub3A_403 : vector<16xi32>
      tpu.vector_store_idx %arg5[%sub3A_404, %add3A_388], %broadcast_in_dim3A_4 masked %and3A_401 : memref<40x512xf32, #tpu.memory_space<vmem>>[vector<16xi32>, vector<16xi32>], vector<16xf32>, vector<16xi1>
    }
    %scan3A_154 = arith.constant 32 : i32
    %dma_start3A_155 = arith.constant 360 : i32
    %dma_start3A_156 = tpu.memref_slice %arg3[%dma_start3A_155, %mul3A_2] : memref<1000x16384xf32, #tpu.memory_space<hbm>> -> memref<40x512xf32, #tpu.memory_space<hbm>>
    %dma_start3A_157 = arith.constant 360 : i32
    %dma_start3A_158 = tpu.memref_slice %arg3[%dma_start3A_157, %mul3A_2] : memref<1000x16384xf32, #tpu.memory_space<hbm>> -> memref<40x512xf32, #tpu.memory_space<hbm>>
    tpu.enqueue_dma source(%arg5 : memref<40x512xf32, #tpu.memory_space<vmem>>) target(%dma_start3A_158 : memref<40x512xf32, #tpu.memory_space<hbm>>) target_semaphore(%arg8 : memref<!tpu.dma_semaphore, #tpu.memory_space<semaphore_mem>>)
    %dma_wait3A_159 = arith.constant 280 : i32
    %dma_wait3A_160 = tpu.memref_slice %arg3[%dma_wait3A_159, %mul3A_2] : memref<1000x16384xf32, #tpu.memory_space<hbm>> -> memref<40x512xf32, #tpu.memory_space<hbm>>
    %dma_wait3A_161 = arith.constant 280 : i32
    %dma_wait3A_162 = tpu.memref_slice %arg3[%dma_wait3A_161, %mul3A_2] : memref<1000x16384xf32, #tpu.memory_space<hbm>> -> memref<40x512xf32, #tpu.memory_space<hbm>>
    tpu.wait_dma2 semaphore(%arg9 : memref<!tpu.dma_semaphore, #tpu.memory_space<semaphore_mem>>) src(%arg6 : memref<40x512xf32, #tpu.memory_space<vmem>>) dst(%dma_wait3A_162 : memref<40x512xf32, #tpu.memory_space<hbm>>)
    %scan3A_163 = arith.constant 0 : i32
    %scan3A_164 = arith.constant 0 : i32
    %scan3A_165 = arith.constant 32 : i32
    %scan3A_166 = arith.addi %scan3A_164, %scan3A_165 : i32
    %scan3A_167 = arith.constant 1 : i32
    scf.for %scan3A_381 = %scan3A_164 to %scan3A_166 step %scan3A_167  : i32 {
      %mul3A_382 = arith.constant 16 : i32
      %mul3A_383 = arith.muli %scan3A_381, %mul3A_382 : i32
      %get3A = arith.index_cast %mul3A_383 : i32 to index
      %get3A_384 = tpu.vector_load %arg4[%get3A] {strides = array<i32>} : memref<512xi32, #tpu.memory_space<vmem>>, vector<16xi32>,
      %mul3A_385 = arith.constant 16 : i32
      %mul3A_386 = arith.muli %scan3A_381, %mul3A_385 : i32
      %add3A_387 = vector.broadcast %mul3A_386 : i32 to vector<16xi32>
      %add3A_388 = arith.addi %iota3A, %add3A_387 : vector<16xi32>
      %ge3A = arith.constant 280 : i32
      %ge3A_389 = vector.broadcast %ge3A : i32 to vector<16xi32>
      %ge3A_390 = arith.cmpi sge, %get3A_384, %ge3A_389 : vector<16xi32>
      %lt3A = arith.constant 320 : i32
      %lt3A_391 = vector.broadcast %lt3A : i32 to vector<16xi32>
      %lt3A_392 = arith.cmpi slt, %get3A_384, %lt3A_391 : vector<16xi32>
      %and3A = arith.andi %ge3A_390, %lt3A_392 : vector<16xi1>
      %sub3A = arith.constant 280 : i32
      %sub3A_393 = vector.broadcast %sub3A : i32 to vector<16xi32>
      %sub3A_394 = arith.subi %get3A_384, %sub3A_393 : vector<16xi32>
      tpu.vector_store_idx %arg6[%sub3A_394, %add3A_388], %broadcast_in_dim3A_6 masked %and3A : memref<40x512xf32, #tpu.memory_space<vmem>>[vector<16xi32>, vector<16xi32>], vector<16xf32>, vector<16xi1>
      %ge3A_395 = arith.constant 400 : i32
      %ge3A_396 = vector.broadcast %ge3A_395 : i32 to vector<16xi32>
      %ge3A_397 = arith.cmpi sge, %get3A_384, %ge3A_396 : vector<16xi32>
      %lt3A_398 = arith.constant 440 : i32
      %lt3A_399 = vector.broadcast %lt3A_398 : i32 to vector<16xi32>
      %lt3A_400 = arith.cmpi slt, %get3A_384, %lt3A_399 : vector<16xi32>
      %and3A_401 = arith.andi %ge3A_397, %lt3A_400 : vector<16xi1>
      %sub3A_402 = arith.constant 400 : i32
      %sub3A_403 = vector.broadcast %sub3A_402 : i32 to vector<16xi32>
      %sub3A_404 = arith.subi %get3A_384, %sub3A_403 : vector<16xi32>
      tpu.vector_store_idx %arg6[%sub3A_404, %add3A_388], %broadcast_in_dim3A_4 masked %and3A_401 : memref<40x512xf32, #tpu.memory_space<vmem>>[vector<16xi32>, vector<16xi32>], vector<16xf32>, vector<16xi1>
    }
    %scan3A_168 = arith.constant 32 : i32
    %dma_start3A_169 = arith.constant 400 : i32
    %dma_start3A_170 = tpu.memref_slice %arg3[%dma_start3A_169, %mul3A_2] : memref<1000x16384xf32, #tpu.memory_space<hbm>> -> memref<40x512xf32, #tpu.memory_space<hbm>>
    %dma_start3A_171 = arith.constant 400 : i32
    %dma_start3A_172 = tpu.memref_slice %arg3[%dma_start3A_171, %mul3A_2] : memref<1000x16384xf32, #tpu.memory_space<hbm>> -> memref<40x512xf32, #tpu.memory_space<hbm>>
    tpu.enqueue_dma source(%arg6 : memref<40x512xf32, #tpu.memory_space<vmem>>) target(%dma_start3A_172 : memref<40x512xf32, #tpu.memory_space<hbm>>) target_semaphore(%arg9 : memref<!tpu.dma_semaphore, #tpu.memory_space<semaphore_mem>>)
    %dma_wait3A_173 = arith.constant 320 : i32
    %dma_wait3A_174 = tpu.memref_slice %arg3[%dma_wait3A_173, %mul3A_2] : memref<1000x16384xf32, #tpu.memory_space<hbm>> -> memref<40x512xf32, #tpu.memory_space<hbm>>
    %dma_wait3A_175 = arith.constant 320 : i32
    %dma_wait3A_176 = tpu.memref_slice %arg3[%dma_wait3A_175, %mul3A_2] : memref<1000x16384xf32, #tpu.memory_space<hbm>> -> memref<40x512xf32, #tpu.memory_space<hbm>>
    tpu.wait_dma2 semaphore(%arg10 : memref<!tpu.dma_semaphore, #tpu.memory_space<semaphore_mem>>) src(%arg7 : memref<40x512xf32, #tpu.memory_space<vmem>>) dst(%dma_wait3A_176 : memref<40x512xf32, #tpu.memory_space<hbm>>)
    %scan3A_177 = arith.constant 0 : i32
    %scan3A_178 = arith.constant 0 : i32
    %scan3A_179 = arith.constant 32 : i32
    %scan3A_180 = arith.addi %scan3A_178, %scan3A_179 : i32
    %scan3A_181 = arith.constant 1 : i32
    scf.for %scan3A_381 = %scan3A_178 to %scan3A_180 step %scan3A_181  : i32 {
      %mul3A_382 = arith.constant 16 : i32
      %mul3A_383 = arith.muli %scan3A_381, %mul3A_382 : i32
      %get3A = arith.index_cast %mul3A_383 : i32 to index
      %get3A_384 = tpu.vector_load %arg4[%get3A] {strides = array<i32>} : memref<512xi32, #tpu.memory_space<vmem>>, vector<16xi32>,
      %mul3A_385 = arith.constant 16 : i32
      %mul3A_386 = arith.muli %scan3A_381, %mul3A_385 : i32
      %add3A_387 = vector.broadcast %mul3A_386 : i32 to vector<16xi32>
      %add3A_388 = arith.addi %iota3A, %add3A_387 : vector<16xi32>
      %ge3A = arith.constant 320 : i32
      %ge3A_389 = vector.broadcast %ge3A : i32 to vector<16xi32>
      %ge3A_390 = arith.cmpi sge, %get3A_384, %ge3A_389 : vector<16xi32>
      %lt3A = arith.constant 360 : i32
      %lt3A_391 = vector.broadcast %lt3A : i32 to vector<16xi32>
      %lt3A_392 = arith.cmpi slt, %get3A_384, %lt3A_391 : vector<16xi32>
      %and3A = arith.andi %ge3A_390, %lt3A_392 : vector<16xi1>
      %sub3A = arith.constant 320 : i32
      %sub3A_393 = vector.broadcast %sub3A : i32 to vector<16xi32>
      %sub3A_394 = arith.subi %get3A_384, %sub3A_393 : vector<16xi32>
      tpu.vector_store_idx %arg7[%sub3A_394, %add3A_388], %broadcast_in_dim3A_6 masked %and3A : memref<40x512xf32, #tpu.memory_space<vmem>>[vector<16xi32>, vector<16xi32>], vector<16xf32>, vector<16xi1>
      %ge3A_395 = arith.constant 440 : i32
      %ge3A_396 = vector.broadcast %ge3A_395 : i32 to vector<16xi32>
      %ge3A_397 = arith.cmpi sge, %get3A_384, %ge3A_396 : vector<16xi32>
      %lt3A_398 = arith.constant 480 : i32
      %lt3A_399 = vector.broadcast %lt3A_398 : i32 to vector<16xi32>
      %lt3A_400 = arith.cmpi slt, %get3A_384, %lt3A_399 : vector<16xi32>
      %and3A_401 = arith.andi %ge3A_397, %lt3A_400 : vector<16xi1>
      %sub3A_402 = arith.constant 440 : i32
      %sub3A_403 = vector.broadcast %sub3A_402 : i32 to vector<16xi32>
      %sub3A_404 = arith.subi %get3A_384, %sub3A_403 : vector<16xi32>
      tpu.vector_store_idx %arg7[%sub3A_404, %add3A_388], %broadcast_in_dim3A_4 masked %and3A_401 : memref<40x512xf32, #tpu.memory_space<vmem>>[vector<16xi32>, vector<16xi32>], vector<16xf32>, vector<16xi1>
    }
    %scan3A_182 = arith.constant 32 : i32
    %dma_start3A_183 = arith.constant 440 : i32
    %dma_start3A_184 = tpu.memref_slice %arg3[%dma_start3A_183, %mul3A_2] : memref<1000x16384xf32, #tpu.memory_space<hbm>> -> memref<40x512xf32, #tpu.memory_space<hbm>>
    %dma_start3A_185 = arith.constant 440 : i32
    %dma_start3A_186 = tpu.memref_slice %arg3[%dma_start3A_185, %mul3A_2] : memref<1000x16384xf32, #tpu.memory_space<hbm>> -> memref<40x512xf32, #tpu.memory_space<hbm>>
    tpu.enqueue_dma source(%arg7 : memref<40x512xf32, #tpu.memory_space<vmem>>) target(%dma_start3A_186 : memref<40x512xf32, #tpu.memory_space<hbm>>) target_semaphore(%arg10 : memref<!tpu.dma_semaphore, #tpu.memory_space<semaphore_mem>>)
    %dma_wait3A_187 = arith.constant 360 : i32
    %dma_wait3A_188 = tpu.memref_slice %arg3[%dma_wait3A_187, %mul3A_2] : memref<1000x16384xf32, #tpu.memory_space<hbm>> -> memref<40x512xf32, #tpu.memory_space<hbm>>
    %dma_wait3A_189 = arith.constant 360 : i32
    %dma_wait3A_190 = tpu.memref_slice %arg3[%dma_wait3A_189, %mul3A_2] : memref<1000x16384xf32, #tpu.memory_space<hbm>> -> memref<40x512xf32, #tpu.memory_space<hbm>>
    tpu.wait_dma2 semaphore(%arg8 : memref<!tpu.dma_semaphore, #tpu.memory_space<semaphore_mem>>) src(%arg5 : memref<40x512xf32, #tpu.memory_space<vmem>>) dst(%dma_wait3A_190 : memref<40x512xf32, #tpu.memory_space<hbm>>)
    %scan3A_191 = arith.constant 0 : i32
    %scan3A_192 = arith.constant 0 : i32
    %scan3A_193 = arith.constant 32 : i32
    %scan3A_194 = arith.addi %scan3A_192, %scan3A_193 : i32
    %scan3A_195 = arith.constant 1 : i32
    scf.for %scan3A_381 = %scan3A_192 to %scan3A_194 step %scan3A_195  : i32 {
      %mul3A_382 = arith.constant 16 : i32
      %mul3A_383 = arith.muli %scan3A_381, %mul3A_382 : i32
      %get3A = arith.index_cast %mul3A_383 : i32 to index
      %get3A_384 = tpu.vector_load %arg4[%get3A] {strides = array<i32>} : memref<512xi32, #tpu.memory_space<vmem>>, vector<16xi32>,
      %mul3A_385 = arith.constant 16 : i32
      %mul3A_386 = arith.muli %scan3A_381, %mul3A_385 : i32
      %add3A_387 = vector.broadcast %mul3A_386 : i32 to vector<16xi32>
      %add3A_388 = arith.addi %iota3A, %add3A_387 : vector<16xi32>
      %ge3A = arith.constant 360 : i32
      %ge3A_389 = vector.broadcast %ge3A : i32 to vector<16xi32>
      %ge3A_390 = arith.cmpi sge, %get3A_384, %ge3A_389 : vector<16xi32>
      %lt3A = arith.constant 400 : i32
      %lt3A_391 = vector.broadcast %lt3A : i32 to vector<16xi32>
      %lt3A_392 = arith.cmpi slt, %get3A_384, %lt3A_391 : vector<16xi32>
      %and3A = arith.andi %ge3A_390, %lt3A_392 : vector<16xi1>
      %sub3A = arith.constant 360 : i32
      %sub3A_393 = vector.broadcast %sub3A : i32 to vector<16xi32>
      %sub3A_394 = arith.subi %get3A_384, %sub3A_393 : vector<16xi32>
      tpu.vector_store_idx %arg5[%sub3A_394, %add3A_388], %broadcast_in_dim3A_6 masked %and3A : memref<40x512xf32, #tpu.memory_space<vmem>>[vector<16xi32>, vector<16xi32>], vector<16xf32>, vector<16xi1>
      %ge3A_395 = arith.constant 480 : i32
      %ge3A_396 = vector.broadcast %ge3A_395 : i32 to vector<16xi32>
      %ge3A_397 = arith.cmpi sge, %get3A_384, %ge3A_396 : vector<16xi32>
      %lt3A_398 = arith.constant 520 : i32
      %lt3A_399 = vector.broadcast %lt3A_398 : i32 to vector<16xi32>
      %lt3A_400 = arith.cmpi slt, %get3A_384, %lt3A_399 : vector<16xi32>
      %and3A_401 = arith.andi %ge3A_397, %lt3A_400 : vector<16xi1>
      %sub3A_402 = arith.constant 480 : i32
      %sub3A_403 = vector.broadcast %sub3A_402 : i32 to vector<16xi32>
      %sub3A_404 = arith.subi %get3A_384, %sub3A_403 : vector<16xi32>
      tpu.vector_store_idx %arg5[%sub3A_404, %add3A_388], %broadcast_in_dim3A_4 masked %and3A_401 : memref<40x512xf32, #tpu.memory_space<vmem>>[vector<16xi32>, vector<16xi32>], vector<16xf32>, vector<16xi1>
    }
    %scan3A_196 = arith.constant 32 : i32
    %dma_start3A_197 = arith.constant 480 : i32
    %dma_start3A_198 = tpu.memref_slice %arg3[%dma_start3A_197, %mul3A_2] : memref<1000x16384xf32, #tpu.memory_space<hbm>> -> memref<40x512xf32, #tpu.memory_space<hbm>>
    %dma_start3A_199 = arith.constant 480 : i32
    %dma_start3A_200 = tpu.memref_slice %arg3[%dma_start3A_199, %mul3A_2] : memref<1000x16384xf32, #tpu.memory_space<hbm>> -> memref<40x512xf32, #tpu.memory_space<hbm>>
    tpu.enqueue_dma source(%arg5 : memref<40x512xf32, #tpu.memory_space<vmem>>) target(%dma_start3A_200 : memref<40x512xf32, #tpu.memory_space<hbm>>) target_semaphore(%arg8 : memref<!tpu.dma_semaphore, #tpu.memory_space<semaphore_mem>>)
    %dma_wait3A_201 = arith.constant 400 : i32
    %dma_wait3A_202 = tpu.memref_slice %arg3[%dma_wait3A_201, %mul3A_2] : memref<1000x16384xf32, #tpu.memory_space<hbm>> -> memref<40x512xf32, #tpu.memory_space<hbm>>
    %dma_wait3A_203 = arith.constant 400 : i32
    %dma_wait3A_204 = tpu.memref_slice %arg3[%dma_wait3A_203, %mul3A_2] : memref<1000x16384xf32, #tpu.memory_space<hbm>> -> memref<40x512xf32, #tpu.memory_space<hbm>>
    tpu.wait_dma2 semaphore(%arg9 : memref<!tpu.dma_semaphore, #tpu.memory_space<semaphore_mem>>) src(%arg6 : memref<40x512xf32, #tpu.memory_space<vmem>>) dst(%dma_wait3A_204 : memref<40x512xf32, #tpu.memory_space<hbm>>)
    %scan3A_205 = arith.constant 0 : i32
    %scan3A_206 = arith.constant 0 : i32
    %scan3A_207 = arith.constant 32 : i32
    %scan3A_208 = arith.addi %scan3A_206, %scan3A_207 : i32
    %scan3A_209 = arith.constant 1 : i32
    scf.for %scan3A_381 = %scan3A_206 to %scan3A_208 step %scan3A_209  : i32 {
      %mul3A_382 = arith.constant 16 : i32
      %mul3A_383 = arith.muli %scan3A_381, %mul3A_382 : i32
      %get3A = arith.index_cast %mul3A_383 : i32 to index
      %get3A_384 = tpu.vector_load %arg4[%get3A] {strides = array<i32>} : memref<512xi32, #tpu.memory_space<vmem>>, vector<16xi32>,
      %mul3A_385 = arith.constant 16 : i32
      %mul3A_386 = arith.muli %scan3A_381, %mul3A_385 : i32
      %add3A_387 = vector.broadcast %mul3A_386 : i32 to vector<16xi32>
      %add3A_388 = arith.addi %iota3A, %add3A_387 : vector<16xi32>
      %ge3A = arith.constant 400 : i32
      %ge3A_389 = vector.broadcast %ge3A : i32 to vector<16xi32>
      %ge3A_390 = arith.cmpi sge, %get3A_384, %ge3A_389 : vector<16xi32>
      %lt3A = arith.constant 440 : i32
      %lt3A_391 = vector.broadcast %lt3A : i32 to vector<16xi32>
      %lt3A_392 = arith.cmpi slt, %get3A_384, %lt3A_391 : vector<16xi32>
      %and3A = arith.andi %ge3A_390, %lt3A_392 : vector<16xi1>
      %sub3A = arith.constant 400 : i32
      %sub3A_393 = vector.broadcast %sub3A : i32 to vector<16xi32>
      %sub3A_394 = arith.subi %get3A_384, %sub3A_393 : vector<16xi32>
      tpu.vector_store_idx %arg6[%sub3A_394, %add3A_388], %broadcast_in_dim3A_6 masked %and3A : memref<40x512xf32, #tpu.memory_space<vmem>>[vector<16xi32>, vector<16xi32>], vector<16xf32>, vector<16xi1>
      %ge3A_395 = arith.constant 520 : i32
      %ge3A_396 = vector.broadcast %ge3A_395 : i32 to vector<16xi32>
      %ge3A_397 = arith.cmpi sge, %get3A_384, %ge3A_396 : vector<16xi32>
      %lt3A_398 = arith.constant 560 : i32
      %lt3A_399 = vector.broadcast %lt3A_398 : i32 to vector<16xi32>
      %lt3A_400 = arith.cmpi slt, %get3A_384, %lt3A_399 : vector<16xi32>
      %and3A_401 = arith.andi %ge3A_397, %lt3A_400 : vector<16xi1>
      %sub3A_402 = arith.constant 520 : i32
      %sub3A_403 = vector.broadcast %sub3A_402 : i32 to vector<16xi32>
      %sub3A_404 = arith.subi %get3A_384, %sub3A_403 : vector<16xi32>
      tpu.vector_store_idx %arg6[%sub3A_404, %add3A_388], %broadcast_in_dim3A_4 masked %and3A_401 : memref<40x512xf32, #tpu.memory_space<vmem>>[vector<16xi32>, vector<16xi32>], vector<16xf32>, vector<16xi1>
    }
    %scan3A_210 = arith.constant 32 : i32
    %dma_start3A_211 = arith.constant 520 : i32
    %dma_start3A_212 = tpu.memref_slice %arg3[%dma_start3A_211, %mul3A_2] : memref<1000x16384xf32, #tpu.memory_space<hbm>> -> memref<40x512xf32, #tpu.memory_space<hbm>>
    %dma_start3A_213 = arith.constant 520 : i32
    %dma_start3A_214 = tpu.memref_slice %arg3[%dma_start3A_213, %mul3A_2] : memref<1000x16384xf32, #tpu.memory_space<hbm>> -> memref<40x512xf32, #tpu.memory_space<hbm>>
    tpu.enqueue_dma source(%arg6 : memref<40x512xf32, #tpu.memory_space<vmem>>) target(%dma_start3A_214 : memref<40x512xf32, #tpu.memory_space<hbm>>) target_semaphore(%arg9 : memref<!tpu.dma_semaphore, #tpu.memory_space<semaphore_mem>>)
    %dma_wait3A_215 = arith.constant 440 : i32
    %dma_wait3A_216 = tpu.memref_slice %arg3[%dma_wait3A_215, %mul3A_2] : memref<1000x16384xf32, #tpu.memory_space<hbm>> -> memref<40x512xf32, #tpu.memory_space<hbm>>
    %dma_wait3A_217 = arith.constant 440 : i32
    %dma_wait3A_218 = tpu.memref_slice %arg3[%dma_wait3A_217, %mul3A_2] : memref<1000x16384xf32, #tpu.memory_space<hbm>> -> memref<40x512xf32, #tpu.memory_space<hbm>>
    tpu.wait_dma2 semaphore(%arg10 : memref<!tpu.dma_semaphore, #tpu.memory_space<semaphore_mem>>) src(%arg7 : memref<40x512xf32, #tpu.memory_space<vmem>>) dst(%dma_wait3A_218 : memref<40x512xf32, #tpu.memory_space<hbm>>)
    %scan3A_219 = arith.constant 0 : i32
    %scan3A_220 = arith.constant 0 : i32
    %scan3A_221 = arith.constant 32 : i32
    %scan3A_222 = arith.addi %scan3A_220, %scan3A_221 : i32
    %scan3A_223 = arith.constant 1 : i32
    scf.for %scan3A_381 = %scan3A_220 to %scan3A_222 step %scan3A_223  : i32 {
      %mul3A_382 = arith.constant 16 : i32
      %mul3A_383 = arith.muli %scan3A_381, %mul3A_382 : i32
      %get3A = arith.index_cast %mul3A_383 : i32 to index
      %get3A_384 = tpu.vector_load %arg4[%get3A] {strides = array<i32>} : memref<512xi32, #tpu.memory_space<vmem>>, vector<16xi32>,
      %mul3A_385 = arith.constant 16 : i32
      %mul3A_386 = arith.muli %scan3A_381, %mul3A_385 : i32
      %add3A_387 = vector.broadcast %mul3A_386 : i32 to vector<16xi32>
      %add3A_388 = arith.addi %iota3A, %add3A_387 : vector<16xi32>
      %ge3A = arith.constant 440 : i32
      %ge3A_389 = vector.broadcast %ge3A : i32 to vector<16xi32>
      %ge3A_390 = arith.cmpi sge, %get3A_384, %ge3A_389 : vector<16xi32>
      %lt3A = arith.constant 480 : i32
      %lt3A_391 = vector.broadcast %lt3A : i32 to vector<16xi32>
      %lt3A_392 = arith.cmpi slt, %get3A_384, %lt3A_391 : vector<16xi32>
      %and3A = arith.andi %ge3A_390, %lt3A_392 : vector<16xi1>
      %sub3A = arith.constant 440 : i32
      %sub3A_393 = vector.broadcast %sub3A : i32 to vector<16xi32>
      %sub3A_394 = arith.subi %get3A_384, %sub3A_393 : vector<16xi32>
      tpu.vector_store_idx %arg7[%sub3A_394, %add3A_388], %broadcast_in_dim3A_6 masked %and3A : memref<40x512xf32, #tpu.memory_space<vmem>>[vector<16xi32>, vector<16xi32>], vector<16xf32>, vector<16xi1>
      %ge3A_395 = arith.constant 560 : i32
      %ge3A_396 = vector.broadcast %ge3A_395 : i32 to vector<16xi32>
      %ge3A_397 = arith.cmpi sge, %get3A_384, %ge3A_396 : vector<16xi32>
      %lt3A_398 = arith.constant 600 : i32
      %lt3A_399 = vector.broadcast %lt3A_398 : i32 to vector<16xi32>
      %lt3A_400 = arith.cmpi slt, %get3A_384, %lt3A_399 : vector<16xi32>
      %and3A_401 = arith.andi %ge3A_397, %lt3A_400 : vector<16xi1>
      %sub3A_402 = arith.constant 560 : i32
      %sub3A_403 = vector.broadcast %sub3A_402 : i32 to vector<16xi32>
      %sub3A_404 = arith.subi %get3A_384, %sub3A_403 : vector<16xi32>
      tpu.vector_store_idx %arg7[%sub3A_404, %add3A_388], %broadcast_in_dim3A_4 masked %and3A_401 : memref<40x512xf32, #tpu.memory_space<vmem>>[vector<16xi32>, vector<16xi32>], vector<16xf32>, vector<16xi1>
    }
    %scan3A_224 = arith.constant 32 : i32
    %dma_start3A_225 = arith.constant 560 : i32
    %dma_start3A_226 = tpu.memref_slice %arg3[%dma_start3A_225, %mul3A_2] : memref<1000x16384xf32, #tpu.memory_space<hbm>> -> memref<40x512xf32, #tpu.memory_space<hbm>>
    %dma_start3A_227 = arith.constant 560 : i32
    %dma_start3A_228 = tpu.memref_slice %arg3[%dma_start3A_227, %mul3A_2] : memref<1000x16384xf32, #tpu.memory_space<hbm>> -> memref<40x512xf32, #tpu.memory_space<hbm>>
    tpu.enqueue_dma source(%arg7 : memref<40x512xf32, #tpu.memory_space<vmem>>) target(%dma_start3A_228 : memref<40x512xf32, #tpu.memory_space<hbm>>) target_semaphore(%arg10 : memref<!tpu.dma_semaphore, #tpu.memory_space<semaphore_mem>>)
    %dma_wait3A_229 = arith.constant 480 : i32
    %dma_wait3A_230 = tpu.memref_slice %arg3[%dma_wait3A_229, %mul3A_2] : memref<1000x16384xf32, #tpu.memory_space<hbm>> -> memref<40x512xf32, #tpu.memory_space<hbm>>
    %dma_wait3A_231 = arith.constant 480 : i32
    %dma_wait3A_232 = tpu.memref_slice %arg3[%dma_wait3A_231, %mul3A_2] : memref<1000x16384xf32, #tpu.memory_space<hbm>> -> memref<40x512xf32, #tpu.memory_space<hbm>>
    tpu.wait_dma2 semaphore(%arg8 : memref<!tpu.dma_semaphore, #tpu.memory_space<semaphore_mem>>) src(%arg5 : memref<40x512xf32, #tpu.memory_space<vmem>>) dst(%dma_wait3A_232 : memref<40x512xf32, #tpu.memory_space<hbm>>)
    %scan3A_233 = arith.constant 0 : i32
    %scan3A_234 = arith.constant 0 : i32
    %scan3A_235 = arith.constant 32 : i32
    %scan3A_236 = arith.addi %scan3A_234, %scan3A_235 : i32
    %scan3A_237 = arith.constant 1 : i32
    scf.for %scan3A_381 = %scan3A_234 to %scan3A_236 step %scan3A_237  : i32 {
      %mul3A_382 = arith.constant 16 : i32
      %mul3A_383 = arith.muli %scan3A_381, %mul3A_382 : i32
      %get3A = arith.index_cast %mul3A_383 : i32 to index
      %get3A_384 = tpu.vector_load %arg4[%get3A] {strides = array<i32>} : memref<512xi32, #tpu.memory_space<vmem>>, vector<16xi32>,
      %mul3A_385 = arith.constant 16 : i32
      %mul3A_386 = arith.muli %scan3A_381, %mul3A_385 : i32
      %add3A_387 = vector.broadcast %mul3A_386 : i32 to vector<16xi32>
      %add3A_388 = arith.addi %iota3A, %add3A_387 : vector<16xi32>
      %ge3A = arith.constant 480 : i32
      %ge3A_389 = vector.broadcast %ge3A : i32 to vector<16xi32>
      %ge3A_390 = arith.cmpi sge, %get3A_384, %ge3A_389 : vector<16xi32>
      %lt3A = arith.constant 520 : i32
      %lt3A_391 = vector.broadcast %lt3A : i32 to vector<16xi32>
      %lt3A_392 = arith.cmpi slt, %get3A_384, %lt3A_391 : vector<16xi32>
      %and3A = arith.andi %ge3A_390, %lt3A_392 : vector<16xi1>
      %sub3A = arith.constant 480 : i32
      %sub3A_393 = vector.broadcast %sub3A : i32 to vector<16xi32>
      %sub3A_394 = arith.subi %get3A_384, %sub3A_393 : vector<16xi32>
      tpu.vector_store_idx %arg5[%sub3A_394, %add3A_388], %broadcast_in_dim3A_6 masked %and3A : memref<40x512xf32, #tpu.memory_space<vmem>>[vector<16xi32>, vector<16xi32>], vector<16xf32>, vector<16xi1>
      %ge3A_395 = arith.constant 600 : i32
      %ge3A_396 = vector.broadcast %ge3A_395 : i32 to vector<16xi32>
      %ge3A_397 = arith.cmpi sge, %get3A_384, %ge3A_396 : vector<16xi32>
      %lt3A_398 = arith.constant 640 : i32
      %lt3A_399 = vector.broadcast %lt3A_398 : i32 to vector<16xi32>
      %lt3A_400 = arith.cmpi slt, %get3A_384, %lt3A_399 : vector<16xi32>
      %and3A_401 = arith.andi %ge3A_397, %lt3A_400 : vector<16xi1>
      %sub3A_402 = arith.constant 600 : i32
      %sub3A_403 = vector.broadcast %sub3A_402 : i32 to vector<16xi32>
      %sub3A_404 = arith.subi %get3A_384, %sub3A_403 : vector<16xi32>
      tpu.vector_store_idx %arg5[%sub3A_404, %add3A_388], %broadcast_in_dim3A_4 masked %and3A_401 : memref<40x512xf32, #tpu.memory_space<vmem>>[vector<16xi32>, vector<16xi32>], vector<16xf32>, vector<16xi1>
    }
    %scan3A_238 = arith.constant 32 : i32
    %dma_start3A_239 = arith.constant 600 : i32
    %dma_start3A_240 = tpu.memref_slice %arg3[%dma_start3A_239, %mul3A_2] : memref<1000x16384xf32, #tpu.memory_space<hbm>> -> memref<40x512xf32, #tpu.memory_space<hbm>>
    %dma_start3A_241 = arith.constant 600 : i32
    %dma_start3A_242 = tpu.memref_slice %arg3[%dma_start3A_241, %mul3A_2] : memref<1000x16384xf32, #tpu.memory_space<hbm>> -> memref<40x512xf32, #tpu.memory_space<hbm>>
    tpu.enqueue_dma source(%arg5 : memref<40x512xf32, #tpu.memory_space<vmem>>) target(%dma_start3A_242 : memref<40x512xf32, #tpu.memory_space<hbm>>) target_semaphore(%arg8 : memref<!tpu.dma_semaphore, #tpu.memory_space<semaphore_mem>>)
    %dma_wait3A_243 = arith.constant 520 : i32
    %dma_wait3A_244 = tpu.memref_slice %arg3[%dma_wait3A_243, %mul3A_2] : memref<1000x16384xf32, #tpu.memory_space<hbm>> -> memref<40x512xf32, #tpu.memory_space<hbm>>
    %dma_wait3A_245 = arith.constant 520 : i32
    %dma_wait3A_246 = tpu.memref_slice %arg3[%dma_wait3A_245, %mul3A_2] : memref<1000x16384xf32, #tpu.memory_space<hbm>> -> memref<40x512xf32, #tpu.memory_space<hbm>>
    tpu.wait_dma2 semaphore(%arg9 : memref<!tpu.dma_semaphore, #tpu.memory_space<semaphore_mem>>) src(%arg6 : memref<40x512xf32, #tpu.memory_space<vmem>>) dst(%dma_wait3A_246 : memref<40x512xf32, #tpu.memory_space<hbm>>)
    %scan3A_247 = arith.constant 0 : i32
    %scan3A_248 = arith.constant 0 : i32
    %scan3A_249 = arith.constant 32 : i32
    %scan3A_250 = arith.addi %scan3A_248, %scan3A_249 : i32
    %scan3A_251 = arith.constant 1 : i32
    scf.for %scan3A_381 = %scan3A_248 to %scan3A_250 step %scan3A_251  : i32 {
      %mul3A_382 = arith.constant 16 : i32
      %mul3A_383 = arith.muli %scan3A_381, %mul3A_382 : i32
      %get3A = arith.index_cast %mul3A_383 : i32 to index
      %get3A_384 = tpu.vector_load %arg4[%get3A] {strides = array<i32>} : memref<512xi32, #tpu.memory_space<vmem>>, vector<16xi32>,
      %mul3A_385 = arith.constant 16 : i32
      %mul3A_386 = arith.muli %scan3A_381, %mul3A_385 : i32
      %add3A_387 = vector.broadcast %mul3A_386 : i32 to vector<16xi32>
      %add3A_388 = arith.addi %iota3A, %add3A_387 : vector<16xi32>
      %ge3A = arith.constant 520 : i32
      %ge3A_389 = vector.broadcast %ge3A : i32 to vector<16xi32>
      %ge3A_390 = arith.cmpi sge, %get3A_384, %ge3A_389 : vector<16xi32>
      %lt3A = arith.constant 560 : i32
      %lt3A_391 = vector.broadcast %lt3A : i32 to vector<16xi32>
      %lt3A_392 = arith.cmpi slt, %get3A_384, %lt3A_391 : vector<16xi32>
      %and3A = arith.andi %ge3A_390, %lt3A_392 : vector<16xi1>
      %sub3A = arith.constant 520 : i32
      %sub3A_393 = vector.broadcast %sub3A : i32 to vector<16xi32>
      %sub3A_394 = arith.subi %get3A_384, %sub3A_393 : vector<16xi32>
      tpu.vector_store_idx %arg6[%sub3A_394, %add3A_388], %broadcast_in_dim3A_6 masked %and3A : memref<40x512xf32, #tpu.memory_space<vmem>>[vector<16xi32>, vector<16xi32>], vector<16xf32>, vector<16xi1>
      %ge3A_395 = arith.constant 640 : i32
      %ge3A_396 = vector.broadcast %ge3A_395 : i32 to vector<16xi32>
      %ge3A_397 = arith.cmpi sge, %get3A_384, %ge3A_396 : vector<16xi32>
      %lt3A_398 = arith.constant 680 : i32
      %lt3A_399 = vector.broadcast %lt3A_398 : i32 to vector<16xi32>
      %lt3A_400 = arith.cmpi slt, %get3A_384, %lt3A_399 : vector<16xi32>
      %and3A_401 = arith.andi %ge3A_397, %lt3A_400 : vector<16xi1>
      %sub3A_402 = arith.constant 640 : i32
      %sub3A_403 = vector.broadcast %sub3A_402 : i32 to vector<16xi32>
      %sub3A_404 = arith.subi %get3A_384, %sub3A_403 : vector<16xi32>
      tpu.vector_store_idx %arg6[%sub3A_404, %add3A_388], %broadcast_in_dim3A_4 masked %and3A_401 : memref<40x512xf32, #tpu.memory_space<vmem>>[vector<16xi32>, vector<16xi32>], vector<16xf32>, vector<16xi1>
    }
    %scan3A_252 = arith.constant 32 : i32
    %dma_start3A_253 = arith.constant 640 : i32
    %dma_start3A_254 = tpu.memref_slice %arg3[%dma_start3A_253, %mul3A_2] : memref<1000x16384xf32, #tpu.memory_space<hbm>> -> memref<40x512xf32, #tpu.memory_space<hbm>>
    %dma_start3A_255 = arith.constant 640 : i32
    %dma_start3A_256 = tpu.memref_slice %arg3[%dma_start3A_255, %mul3A_2] : memref<1000x16384xf32, #tpu.memory_space<hbm>> -> memref<40x512xf32, #tpu.memory_space<hbm>>
    tpu.enqueue_dma source(%arg6 : memref<40x512xf32, #tpu.memory_space<vmem>>) target(%dma_start3A_256 : memref<40x512xf32, #tpu.memory_space<hbm>>) target_semaphore(%arg9 : memref<!tpu.dma_semaphore, #tpu.memory_space<semaphore_mem>>)
    %dma_wait3A_257 = arith.constant 560 : i32
    %dma_wait3A_258 = tpu.memref_slice %arg3[%dma_wait3A_257, %mul3A_2] : memref<1000x16384xf32, #tpu.memory_space<hbm>> -> memref<40x512xf32, #tpu.memory_space<hbm>>
    %dma_wait3A_259 = arith.constant 560 : i32
    %dma_wait3A_260 = tpu.memref_slice %arg3[%dma_wait3A_259, %mul3A_2] : memref<1000x16384xf32, #tpu.memory_space<hbm>> -> memref<40x512xf32, #tpu.memory_space<hbm>>
    tpu.wait_dma2 semaphore(%arg10 : memref<!tpu.dma_semaphore, #tpu.memory_space<semaphore_mem>>) src(%arg7 : memref<40x512xf32, #tpu.memory_space<vmem>>) dst(%dma_wait3A_260 : memref<40x512xf32, #tpu.memory_space<hbm>>)
    %scan3A_261 = arith.constant 0 : i32
    %scan3A_262 = arith.constant 0 : i32
    %scan3A_263 = arith.constant 32 : i32
    %scan3A_264 = arith.addi %scan3A_262, %scan3A_263 : i32
    %scan3A_265 = arith.constant 1 : i32
    scf.for %scan3A_381 = %scan3A_262 to %scan3A_264 step %scan3A_265  : i32 {
      %mul3A_382 = arith.constant 16 : i32
      %mul3A_383 = arith.muli %scan3A_381, %mul3A_382 : i32
      %get3A = arith.index_cast %mul3A_383 : i32 to index
      %get3A_384 = tpu.vector_load %arg4[%get3A] {strides = array<i32>} : memref<512xi32, #tpu.memory_space<vmem>>, vector<16xi32>,
      %mul3A_385 = arith.constant 16 : i32
      %mul3A_386 = arith.muli %scan3A_381, %mul3A_385 : i32
      %add3A_387 = vector.broadcast %mul3A_386 : i32 to vector<16xi32>
      %add3A_388 = arith.addi %iota3A, %add3A_387 : vector<16xi32>
      %ge3A = arith.constant 560 : i32
      %ge3A_389 = vector.broadcast %ge3A : i32 to vector<16xi32>
      %ge3A_390 = arith.cmpi sge, %get3A_384, %ge3A_389 : vector<16xi32>
      %lt3A = arith.constant 600 : i32
      %lt3A_391 = vector.broadcast %lt3A : i32 to vector<16xi32>
      %lt3A_392 = arith.cmpi slt, %get3A_384, %lt3A_391 : vector<16xi32>
      %and3A = arith.andi %ge3A_390, %lt3A_392 : vector<16xi1>
      %sub3A = arith.constant 560 : i32
      %sub3A_393 = vector.broadcast %sub3A : i32 to vector<16xi32>
      %sub3A_394 = arith.subi %get3A_384, %sub3A_393 : vector<16xi32>
      tpu.vector_store_idx %arg7[%sub3A_394, %add3A_388], %broadcast_in_dim3A_6 masked %and3A : memref<40x512xf32, #tpu.memory_space<vmem>>[vector<16xi32>, vector<16xi32>], vector<16xf32>, vector<16xi1>
      %ge3A_395 = arith.constant 680 : i32
      %ge3A_396 = vector.broadcast %ge3A_395 : i32 to vector<16xi32>
      %ge3A_397 = arith.cmpi sge, %get3A_384, %ge3A_396 : vector<16xi32>
      %lt3A_398 = arith.constant 720 : i32
      %lt3A_399 = vector.broadcast %lt3A_398 : i32 to vector<16xi32>
      %lt3A_400 = arith.cmpi slt, %get3A_384, %lt3A_399 : vector<16xi32>
      %and3A_401 = arith.andi %ge3A_397, %lt3A_400 : vector<16xi1>
      %sub3A_402 = arith.constant 680 : i32
      %sub3A_403 = vector.broadcast %sub3A_402 : i32 to vector<16xi32>
      %sub3A_404 = arith.subi %get3A_384, %sub3A_403 : vector<16xi32>
      tpu.vector_store_idx %arg7[%sub3A_404, %add3A_388], %broadcast_in_dim3A_4 masked %and3A_401 : memref<40x512xf32, #tpu.memory_space<vmem>>[vector<16xi32>, vector<16xi32>], vector<16xf32>, vector<16xi1>
    }
    %scan3A_266 = arith.constant 32 : i32
    %dma_start3A_267 = arith.constant 680 : i32
    %dma_start3A_268 = tpu.memref_slice %arg3[%dma_start3A_267, %mul3A_2] : memref<1000x16384xf32, #tpu.memory_space<hbm>> -> memref<40x512xf32, #tpu.memory_space<hbm>>
    %dma_start3A_269 = arith.constant 680 : i32
    %dma_start3A_270 = tpu.memref_slice %arg3[%dma_start3A_269, %mul3A_2] : memref<1000x16384xf32, #tpu.memory_space<hbm>> -> memref<40x512xf32, #tpu.memory_space<hbm>>
    tpu.enqueue_dma source(%arg7 : memref<40x512xf32, #tpu.memory_space<vmem>>) target(%dma_start3A_270 : memref<40x512xf32, #tpu.memory_space<hbm>>) target_semaphore(%arg10 : memref<!tpu.dma_semaphore, #tpu.memory_space<semaphore_mem>>)
    %dma_wait3A_271 = arith.constant 600 : i32
    %dma_wait3A_272 = tpu.memref_slice %arg3[%dma_wait3A_271, %mul3A_2] : memref<1000x16384xf32, #tpu.memory_space<hbm>> -> memref<40x512xf32, #tpu.memory_space<hbm>>
    %dma_wait3A_273 = arith.constant 600 : i32
    %dma_wait3A_274 = tpu.memref_slice %arg3[%dma_wait3A_273, %mul3A_2] : memref<1000x16384xf32, #tpu.memory_space<hbm>> -> memref<40x512xf32, #tpu.memory_space<hbm>>
    tpu.wait_dma2 semaphore(%arg8 : memref<!tpu.dma_semaphore, #tpu.memory_space<semaphore_mem>>) src(%arg5 : memref<40x512xf32, #tpu.memory_space<vmem>>) dst(%dma_wait3A_274 : memref<40x512xf32, #tpu.memory_space<hbm>>)
    %scan3A_275 = arith.constant 0 : i32
    %scan3A_276 = arith.constant 0 : i32
    %scan3A_277 = arith.constant 32 : i32
    %scan3A_278 = arith.addi %scan3A_276, %scan3A_277 : i32
    %scan3A_279 = arith.constant 1 : i32
    scf.for %scan3A_381 = %scan3A_276 to %scan3A_278 step %scan3A_279  : i32 {
      %mul3A_382 = arith.constant 16 : i32
      %mul3A_383 = arith.muli %scan3A_381, %mul3A_382 : i32
      %get3A = arith.index_cast %mul3A_383 : i32 to index
      %get3A_384 = tpu.vector_load %arg4[%get3A] {strides = array<i32>} : memref<512xi32, #tpu.memory_space<vmem>>, vector<16xi32>,
      %mul3A_385 = arith.constant 16 : i32
      %mul3A_386 = arith.muli %scan3A_381, %mul3A_385 : i32
      %add3A_387 = vector.broadcast %mul3A_386 : i32 to vector<16xi32>
      %add3A_388 = arith.addi %iota3A, %add3A_387 : vector<16xi32>
      %ge3A = arith.constant 600 : i32
      %ge3A_389 = vector.broadcast %ge3A : i32 to vector<16xi32>
      %ge3A_390 = arith.cmpi sge, %get3A_384, %ge3A_389 : vector<16xi32>
      %lt3A = arith.constant 640 : i32
      %lt3A_391 = vector.broadcast %lt3A : i32 to vector<16xi32>
      %lt3A_392 = arith.cmpi slt, %get3A_384, %lt3A_391 : vector<16xi32>
      %and3A = arith.andi %ge3A_390, %lt3A_392 : vector<16xi1>
      %sub3A = arith.constant 600 : i32
      %sub3A_393 = vector.broadcast %sub3A : i32 to vector<16xi32>
      %sub3A_394 = arith.subi %get3A_384, %sub3A_393 : vector<16xi32>
      tpu.vector_store_idx %arg5[%sub3A_394, %add3A_388], %broadcast_in_dim3A_6 masked %and3A : memref<40x512xf32, #tpu.memory_space<vmem>>[vector<16xi32>, vector<16xi32>], vector<16xf32>, vector<16xi1>
      %ge3A_395 = arith.constant 720 : i32
      %ge3A_396 = vector.broadcast %ge3A_395 : i32 to vector<16xi32>
      %ge3A_397 = arith.cmpi sge, %get3A_384, %ge3A_396 : vector<16xi32>
      %lt3A_398 = arith.constant 760 : i32
      %lt3A_399 = vector.broadcast %lt3A_398 : i32 to vector<16xi32>
      %lt3A_400 = arith.cmpi slt, %get3A_384, %lt3A_399 : vector<16xi32>
      %and3A_401 = arith.andi %ge3A_397, %lt3A_400 : vector<16xi1>
      %sub3A_402 = arith.constant 720 : i32
      %sub3A_403 = vector.broadcast %sub3A_402 : i32 to vector<16xi32>
      %sub3A_404 = arith.subi %get3A_384, %sub3A_403 : vector<16xi32>
      tpu.vector_store_idx %arg5[%sub3A_404, %add3A_388], %broadcast_in_dim3A_4 masked %and3A_401 : memref<40x512xf32, #tpu.memory_space<vmem>>[vector<16xi32>, vector<16xi32>], vector<16xf32>, vector<16xi1>
    }
    %scan3A_280 = arith.constant 32 : i32
    %dma_start3A_281 = arith.constant 720 : i32
    %dma_start3A_282 = tpu.memref_slice %arg3[%dma_start3A_281, %mul3A_2] : memref<1000x16384xf32, #tpu.memory_space<hbm>> -> memref<40x512xf32, #tpu.memory_space<hbm>>
    %dma_start3A_283 = arith.constant 720 : i32
    %dma_start3A_284 = tpu.memref_slice %arg3[%dma_start3A_283, %mul3A_2] : memref<1000x16384xf32, #tpu.memory_space<hbm>> -> memref<40x512xf32, #tpu.memory_space<hbm>>
    tpu.enqueue_dma source(%arg5 : memref<40x512xf32, #tpu.memory_space<vmem>>) target(%dma_start3A_284 : memref<40x512xf32, #tpu.memory_space<hbm>>) target_semaphore(%arg8 : memref<!tpu.dma_semaphore, #tpu.memory_space<semaphore_mem>>)
    %dma_wait3A_285 = arith.constant 640 : i32
    %dma_wait3A_286 = tpu.memref_slice %arg3[%dma_wait3A_285, %mul3A_2] : memref<1000x16384xf32, #tpu.memory_space<hbm>> -> memref<40x512xf32, #tpu.memory_space<hbm>>
    %dma_wait3A_287 = arith.constant 640 : i32
    %dma_wait3A_288 = tpu.memref_slice %arg3[%dma_wait3A_287, %mul3A_2] : memref<1000x16384xf32, #tpu.memory_space<hbm>> -> memref<40x512xf32, #tpu.memory_space<hbm>>
    tpu.wait_dma2 semaphore(%arg9 : memref<!tpu.dma_semaphore, #tpu.memory_space<semaphore_mem>>) src(%arg6 : memref<40x512xf32, #tpu.memory_space<vmem>>) dst(%dma_wait3A_288 : memref<40x512xf32, #tpu.memory_space<hbm>>)
    %scan3A_289 = arith.constant 0 : i32
    %scan3A_290 = arith.constant 0 : i32
    %scan3A_291 = arith.constant 32 : i32
    %scan3A_292 = arith.addi %scan3A_290, %scan3A_291 : i32
    %scan3A_293 = arith.constant 1 : i32
    scf.for %scan3A_381 = %scan3A_290 to %scan3A_292 step %scan3A_293  : i32 {
      %mul3A_382 = arith.constant 16 : i32
      %mul3A_383 = arith.muli %scan3A_381, %mul3A_382 : i32
      %get3A = arith.index_cast %mul3A_383 : i32 to index
      %get3A_384 = tpu.vector_load %arg4[%get3A] {strides = array<i32>} : memref<512xi32, #tpu.memory_space<vmem>>, vector<16xi32>,
      %mul3A_385 = arith.constant 16 : i32
      %mul3A_386 = arith.muli %scan3A_381, %mul3A_385 : i32
      %add3A_387 = vector.broadcast %mul3A_386 : i32 to vector<16xi32>
      %add3A_388 = arith.addi %iota3A, %add3A_387 : vector<16xi32>
      %ge3A = arith.constant 640 : i32
      %ge3A_389 = vector.broadcast %ge3A : i32 to vector<16xi32>
      %ge3A_390 = arith.cmpi sge, %get3A_384, %ge3A_389 : vector<16xi32>
      %lt3A = arith.constant 680 : i32
      %lt3A_391 = vector.broadcast %lt3A : i32 to vector<16xi32>
      %lt3A_392 = arith.cmpi slt, %get3A_384, %lt3A_391 : vector<16xi32>
      %and3A = arith.andi %ge3A_390, %lt3A_392 : vector<16xi1>
      %sub3A = arith.constant 640 : i32
      %sub3A_393 = vector.broadcast %sub3A : i32 to vector<16xi32>
      %sub3A_394 = arith.subi %get3A_384, %sub3A_393 : vector<16xi32>
      tpu.vector_store_idx %arg6[%sub3A_394, %add3A_388], %broadcast_in_dim3A_6 masked %and3A : memref<40x512xf32, #tpu.memory_space<vmem>>[vector<16xi32>, vector<16xi32>], vector<16xf32>, vector<16xi1>
      %ge3A_395 = arith.constant 760 : i32
      %ge3A_396 = vector.broadcast %ge3A_395 : i32 to vector<16xi32>
      %ge3A_397 = arith.cmpi sge, %get3A_384, %ge3A_396 : vector<16xi32>
      %lt3A_398 = arith.constant 800 : i32
      %lt3A_399 = vector.broadcast %lt3A_398 : i32 to vector<16xi32>
      %lt3A_400 = arith.cmpi slt, %get3A_384, %lt3A_399 : vector<16xi32>
      %and3A_401 = arith.andi %ge3A_397, %lt3A_400 : vector<16xi1>
      %sub3A_402 = arith.constant 760 : i32
      %sub3A_403 = vector.broadcast %sub3A_402 : i32 to vector<16xi32>
      %sub3A_404 = arith.subi %get3A_384, %sub3A_403 : vector<16xi32>
      tpu.vector_store_idx %arg6[%sub3A_404, %add3A_388], %broadcast_in_dim3A_4 masked %and3A_401 : memref<40x512xf32, #tpu.memory_space<vmem>>[vector<16xi32>, vector<16xi32>], vector<16xf32>, vector<16xi1>
    }
    %scan3A_294 = arith.constant 32 : i32
    %dma_start3A_295 = arith.constant 760 : i32
    %dma_start3A_296 = tpu.memref_slice %arg3[%dma_start3A_295, %mul3A_2] : memref<1000x16384xf32, #tpu.memory_space<hbm>> -> memref<40x512xf32, #tpu.memory_space<hbm>>
    %dma_start3A_297 = arith.constant 760 : i32
    %dma_start3A_298 = tpu.memref_slice %arg3[%dma_start3A_297, %mul3A_2] : memref<1000x16384xf32, #tpu.memory_space<hbm>> -> memref<40x512xf32, #tpu.memory_space<hbm>>
    tpu.enqueue_dma source(%arg6 : memref<40x512xf32, #tpu.memory_space<vmem>>) target(%dma_start3A_298 : memref<40x512xf32, #tpu.memory_space<hbm>>) target_semaphore(%arg9 : memref<!tpu.dma_semaphore, #tpu.memory_space<semaphore_mem>>)
    %dma_wait3A_299 = arith.constant 680 : i32
    %dma_wait3A_300 = tpu.memref_slice %arg3[%dma_wait3A_299, %mul3A_2] : memref<1000x16384xf32, #tpu.memory_space<hbm>> -> memref<40x512xf32, #tpu.memory_space<hbm>>
    %dma_wait3A_301 = arith.constant 680 : i32
    %dma_wait3A_302 = tpu.memref_slice %arg3[%dma_wait3A_301, %mul3A_2] : memref<1000x16384xf32, #tpu.memory_space<hbm>> -> memref<40x512xf32, #tpu.memory_space<hbm>>
    tpu.wait_dma2 semaphore(%arg10 : memref<!tpu.dma_semaphore, #tpu.memory_space<semaphore_mem>>) src(%arg7 : memref<40x512xf32, #tpu.memory_space<vmem>>) dst(%dma_wait3A_302 : memref<40x512xf32, #tpu.memory_space<hbm>>)
    %scan3A_303 = arith.constant 0 : i32
    %scan3A_304 = arith.constant 0 : i32
    %scan3A_305 = arith.constant 32 : i32
    %scan3A_306 = arith.addi %scan3A_304, %scan3A_305 : i32
    %scan3A_307 = arith.constant 1 : i32
    scf.for %scan3A_381 = %scan3A_304 to %scan3A_306 step %scan3A_307  : i32 {
      %mul3A_382 = arith.constant 16 : i32
      %mul3A_383 = arith.muli %scan3A_381, %mul3A_382 : i32
      %get3A = arith.index_cast %mul3A_383 : i32 to index
      %get3A_384 = tpu.vector_load %arg4[%get3A] {strides = array<i32>} : memref<512xi32, #tpu.memory_space<vmem>>, vector<16xi32>,
      %mul3A_385 = arith.constant 16 : i32
      %mul3A_386 = arith.muli %scan3A_381, %mul3A_385 : i32
      %add3A_387 = vector.broadcast %mul3A_386 : i32 to vector<16xi32>
      %add3A_388 = arith.addi %iota3A, %add3A_387 : vector<16xi32>
      %ge3A = arith.constant 680 : i32
      %ge3A_389 = vector.broadcast %ge3A : i32 to vector<16xi32>
      %ge3A_390 = arith.cmpi sge, %get3A_384, %ge3A_389 : vector<16xi32>
      %lt3A = arith.constant 720 : i32
      %lt3A_391 = vector.broadcast %lt3A : i32 to vector<16xi32>
      %lt3A_392 = arith.cmpi slt, %get3A_384, %lt3A_391 : vector<16xi32>
      %and3A = arith.andi %ge3A_390, %lt3A_392 : vector<16xi1>
      %sub3A = arith.constant 680 : i32
      %sub3A_393 = vector.broadcast %sub3A : i32 to vector<16xi32>
      %sub3A_394 = arith.subi %get3A_384, %sub3A_393 : vector<16xi32>
      tpu.vector_store_idx %arg7[%sub3A_394, %add3A_388], %broadcast_in_dim3A_6 masked %and3A : memref<40x512xf32, #tpu.memory_space<vmem>>[vector<16xi32>, vector<16xi32>], vector<16xf32>, vector<16xi1>
      %ge3A_395 = arith.constant 800 : i32
      %ge3A_396 = vector.broadcast %ge3A_395 : i32 to vector<16xi32>
      %ge3A_397 = arith.cmpi sge, %get3A_384, %ge3A_396 : vector<16xi32>
      %lt3A_398 = arith.constant 840 : i32
      %lt3A_399 = vector.broadcast %lt3A_398 : i32 to vector<16xi32>
      %lt3A_400 = arith.cmpi slt, %get3A_384, %lt3A_399 : vector<16xi32>
      %and3A_401 = arith.andi %ge3A_397, %lt3A_400 : vector<16xi1>
      %sub3A_402 = arith.constant 800 : i32
      %sub3A_403 = vector.broadcast %sub3A_402 : i32 to vector<16xi32>
      %sub3A_404 = arith.subi %get3A_384, %sub3A_403 : vector<16xi32>
      tpu.vector_store_idx %arg7[%sub3A_404, %add3A_388], %broadcast_in_dim3A_4 masked %and3A_401 : memref<40x512xf32, #tpu.memory_space<vmem>>[vector<16xi32>, vector<16xi32>], vector<16xf32>, vector<16xi1>
    }
    %scan3A_308 = arith.constant 32 : i32
    %dma_start3A_309 = arith.constant 800 : i32
    %dma_start3A_310 = tpu.memref_slice %arg3[%dma_start3A_309, %mul3A_2] : memref<1000x16384xf32, #tpu.memory_space<hbm>> -> memref<40x512xf32, #tpu.memory_space<hbm>>
    %dma_start3A_311 = arith.constant 800 : i32
    %dma_start3A_312 = tpu.memref_slice %arg3[%dma_start3A_311, %mul3A_2] : memref<1000x16384xf32, #tpu.memory_space<hbm>> -> memref<40x512xf32, #tpu.memory_space<hbm>>
    tpu.enqueue_dma source(%arg7 : memref<40x512xf32, #tpu.memory_space<vmem>>) target(%dma_start3A_312 : memref<40x512xf32, #tpu.memory_space<hbm>>) target_semaphore(%arg10 : memref<!tpu.dma_semaphore, #tpu.memory_space<semaphore_mem>>)
    %dma_wait3A_313 = arith.constant 720 : i32
    %dma_wait3A_314 = tpu.memref_slice %arg3[%dma_wait3A_313, %mul3A_2] : memref<1000x16384xf32, #tpu.memory_space<hbm>> -> memref<40x512xf32, #tpu.memory_space<hbm>>
    %dma_wait3A_315 = arith.constant 720 : i32
    %dma_wait3A_316 = tpu.memref_slice %arg3[%dma_wait3A_315, %mul3A_2] : memref<1000x16384xf32, #tpu.memory_space<hbm>> -> memref<40x512xf32, #tpu.memory_space<hbm>>
    tpu.wait_dma2 semaphore(%arg8 : memref<!tpu.dma_semaphore, #tpu.memory_space<semaphore_mem>>) src(%arg5 : memref<40x512xf32, #tpu.memory_space<vmem>>) dst(%dma_wait3A_316 : memref<40x512xf32, #tpu.memory_space<hbm>>)
    %scan3A_317 = arith.constant 0 : i32
    %scan3A_318 = arith.constant 0 : i32
    %scan3A_319 = arith.constant 32 : i32
    %scan3A_320 = arith.addi %scan3A_318, %scan3A_319 : i32
    %scan3A_321 = arith.constant 1 : i32
    scf.for %scan3A_381 = %scan3A_318 to %scan3A_320 step %scan3A_321  : i32 {
      %mul3A_382 = arith.constant 16 : i32
      %mul3A_383 = arith.muli %scan3A_381, %mul3A_382 : i32
      %get3A = arith.index_cast %mul3A_383 : i32 to index
      %get3A_384 = tpu.vector_load %arg4[%get3A] {strides = array<i32>} : memref<512xi32, #tpu.memory_space<vmem>>, vector<16xi32>,
      %mul3A_385 = arith.constant 16 : i32
      %mul3A_386 = arith.muli %scan3A_381, %mul3A_385 : i32
      %add3A_387 = vector.broadcast %mul3A_386 : i32 to vector<16xi32>
      %add3A_388 = arith.addi %iota3A, %add3A_387 : vector<16xi32>
      %ge3A = arith.constant 720 : i32
      %ge3A_389 = vector.broadcast %ge3A : i32 to vector<16xi32>
      %ge3A_390 = arith.cmpi sge, %get3A_384, %ge3A_389 : vector<16xi32>
      %lt3A = arith.constant 760 : i32
      %lt3A_391 = vector.broadcast %lt3A : i32 to vector<16xi32>
      %lt3A_392 = arith.cmpi slt, %get3A_384, %lt3A_391 : vector<16xi32>
      %and3A = arith.andi %ge3A_390, %lt3A_392 : vector<16xi1>
      %sub3A = arith.constant 720 : i32
      %sub3A_393 = vector.broadcast %sub3A : i32 to vector<16xi32>
      %sub3A_394 = arith.subi %get3A_384, %sub3A_393 : vector<16xi32>
      tpu.vector_store_idx %arg5[%sub3A_394, %add3A_388], %broadcast_in_dim3A_6 masked %and3A : memref<40x512xf32, #tpu.memory_space<vmem>>[vector<16xi32>, vector<16xi32>], vector<16xf32>, vector<16xi1>
      %ge3A_395 = arith.constant 840 : i32
      %ge3A_396 = vector.broadcast %ge3A_395 : i32 to vector<16xi32>
      %ge3A_397 = arith.cmpi sge, %get3A_384, %ge3A_396 : vector<16xi32>
      %lt3A_398 = arith.constant 880 : i32
      %lt3A_399 = vector.broadcast %lt3A_398 : i32 to vector<16xi32>
      %lt3A_400 = arith.cmpi slt, %get3A_384, %lt3A_399 : vector<16xi32>
      %and3A_401 = arith.andi %ge3A_397, %lt3A_400 : vector<16xi1>
      %sub3A_402 = arith.constant 840 : i32
      %sub3A_403 = vector.broadcast %sub3A_402 : i32 to vector<16xi32>
      %sub3A_404 = arith.subi %get3A_384, %sub3A_403 : vector<16xi32>
      tpu.vector_store_idx %arg5[%sub3A_404, %add3A_388], %broadcast_in_dim3A_4 masked %and3A_401 : memref<40x512xf32, #tpu.memory_space<vmem>>[vector<16xi32>, vector<16xi32>], vector<16xf32>, vector<16xi1>
    }
    %scan3A_322 = arith.constant 32 : i32
    %dma_start3A_323 = arith.constant 840 : i32
    %dma_start3A_324 = tpu.memref_slice %arg3[%dma_start3A_323, %mul3A_2] : memref<1000x16384xf32, #tpu.memory_space<hbm>> -> memref<40x512xf32, #tpu.memory_space<hbm>>
    %dma_start3A_325 = arith.constant 840 : i32
    %dma_start3A_326 = tpu.memref_slice %arg3[%dma_start3A_325, %mul3A_2] : memref<1000x16384xf32, #tpu.memory_space<hbm>> -> memref<40x512xf32, #tpu.memory_space<hbm>>
    tpu.enqueue_dma source(%arg5 : memref<40x512xf32, #tpu.memory_space<vmem>>) target(%dma_start3A_326 : memref<40x512xf32, #tpu.memory_space<hbm>>) target_semaphore(%arg8 : memref<!tpu.dma_semaphore, #tpu.memory_space<semaphore_mem>>)
    %dma_wait3A_327 = arith.constant 760 : i32
    %dma_wait3A_328 = tpu.memref_slice %arg3[%dma_wait3A_327, %mul3A_2] : memref<1000x16384xf32, #tpu.memory_space<hbm>> -> memref<40x512xf32, #tpu.memory_space<hbm>>
    %dma_wait3A_329 = arith.constant 760 : i32
    %dma_wait3A_330 = tpu.memref_slice %arg3[%dma_wait3A_329, %mul3A_2] : memref<1000x16384xf32, #tpu.memory_space<hbm>> -> memref<40x512xf32, #tpu.memory_space<hbm>>
    tpu.wait_dma2 semaphore(%arg9 : memref<!tpu.dma_semaphore, #tpu.memory_space<semaphore_mem>>) src(%arg6 : memref<40x512xf32, #tpu.memory_space<vmem>>) dst(%dma_wait3A_330 : memref<40x512xf32, #tpu.memory_space<hbm>>)
    %scan3A_331 = arith.constant 0 : i32
    %scan3A_332 = arith.constant 0 : i32
    %scan3A_333 = arith.constant 32 : i32
    %scan3A_334 = arith.addi %scan3A_332, %scan3A_333 : i32
    %scan3A_335 = arith.constant 1 : i32
    scf.for %scan3A_381 = %scan3A_332 to %scan3A_334 step %scan3A_335  : i32 {
      %mul3A_382 = arith.constant 16 : i32
      %mul3A_383 = arith.muli %scan3A_381, %mul3A_382 : i32
      %get3A = arith.index_cast %mul3A_383 : i32 to index
      %get3A_384 = tpu.vector_load %arg4[%get3A] {strides = array<i32>} : memref<512xi32, #tpu.memory_space<vmem>>, vector<16xi32>,
      %mul3A_385 = arith.constant 16 : i32
      %mul3A_386 = arith.muli %scan3A_381, %mul3A_385 : i32
      %add3A_387 = vector.broadcast %mul3A_386 : i32 to vector<16xi32>
      %add3A_388 = arith.addi %iota3A, %add3A_387 : vector<16xi32>
      %ge3A = arith.constant 760 : i32
      %ge3A_389 = vector.broadcast %ge3A : i32 to vector<16xi32>
      %ge3A_390 = arith.cmpi sge, %get3A_384, %ge3A_389 : vector<16xi32>
      %lt3A = arith.constant 800 : i32
      %lt3A_391 = vector.broadcast %lt3A : i32 to vector<16xi32>
      %lt3A_392 = arith.cmpi slt, %get3A_384, %lt3A_391 : vector<16xi32>
      %and3A = arith.andi %ge3A_390, %lt3A_392 : vector<16xi1>
      %sub3A = arith.constant 760 : i32
      %sub3A_393 = vector.broadcast %sub3A : i32 to vector<16xi32>
      %sub3A_394 = arith.subi %get3A_384, %sub3A_393 : vector<16xi32>
      tpu.vector_store_idx %arg6[%sub3A_394, %add3A_388], %broadcast_in_dim3A_6 masked %and3A : memref<40x512xf32, #tpu.memory_space<vmem>>[vector<16xi32>, vector<16xi32>], vector<16xf32>, vector<16xi1>
      %ge3A_395 = arith.constant 880 : i32
      %ge3A_396 = vector.broadcast %ge3A_395 : i32 to vector<16xi32>
      %ge3A_397 = arith.cmpi sge, %get3A_384, %ge3A_396 : vector<16xi32>
      %lt3A_398 = arith.constant 920 : i32
      %lt3A_399 = vector.broadcast %lt3A_398 : i32 to vector<16xi32>
      %lt3A_400 = arith.cmpi slt, %get3A_384, %lt3A_399 : vector<16xi32>
      %and3A_401 = arith.andi %ge3A_397, %lt3A_400 : vector<16xi1>
      %sub3A_402 = arith.constant 880 : i32
      %sub3A_403 = vector.broadcast %sub3A_402 : i32 to vector<16xi32>
      %sub3A_404 = arith.subi %get3A_384, %sub3A_403 : vector<16xi32>
      tpu.vector_store_idx %arg6[%sub3A_404, %add3A_388], %broadcast_in_dim3A_4 masked %and3A_401 : memref<40x512xf32, #tpu.memory_space<vmem>>[vector<16xi32>, vector<16xi32>], vector<16xf32>, vector<16xi1>
    }
    %scan3A_336 = arith.constant 32 : i32
    %dma_start3A_337 = arith.constant 880 : i32
    %dma_start3A_338 = tpu.memref_slice %arg3[%dma_start3A_337, %mul3A_2] : memref<1000x16384xf32, #tpu.memory_space<hbm>> -> memref<40x512xf32, #tpu.memory_space<hbm>>
    %dma_start3A_339 = arith.constant 880 : i32
    %dma_start3A_340 = tpu.memref_slice %arg3[%dma_start3A_339, %mul3A_2] : memref<1000x16384xf32, #tpu.memory_space<hbm>> -> memref<40x512xf32, #tpu.memory_space<hbm>>
    tpu.enqueue_dma source(%arg6 : memref<40x512xf32, #tpu.memory_space<vmem>>) target(%dma_start3A_340 : memref<40x512xf32, #tpu.memory_space<hbm>>) target_semaphore(%arg9 : memref<!tpu.dma_semaphore, #tpu.memory_space<semaphore_mem>>)
    %dma_wait3A_341 = arith.constant 800 : i32
    %dma_wait3A_342 = tpu.memref_slice %arg3[%dma_wait3A_341, %mul3A_2] : memref<1000x16384xf32, #tpu.memory_space<hbm>> -> memref<40x512xf32, #tpu.memory_space<hbm>>
    %dma_wait3A_343 = arith.constant 800 : i32
    %dma_wait3A_344 = tpu.memref_slice %arg3[%dma_wait3A_343, %mul3A_2] : memref<1000x16384xf32, #tpu.memory_space<hbm>> -> memref<40x512xf32, #tpu.memory_space<hbm>>
    tpu.wait_dma2 semaphore(%arg10 : memref<!tpu.dma_semaphore, #tpu.memory_space<semaphore_mem>>) src(%arg7 : memref<40x512xf32, #tpu.memory_space<vmem>>) dst(%dma_wait3A_344 : memref<40x512xf32, #tpu.memory_space<hbm>>)
    %scan3A_345 = arith.constant 0 : i32
    %scan3A_346 = arith.constant 0 : i32
    %scan3A_347 = arith.constant 32 : i32
    %scan3A_348 = arith.addi %scan3A_346, %scan3A_347 : i32
    %scan3A_349 = arith.constant 1 : i32
    scf.for %scan3A_381 = %scan3A_346 to %scan3A_348 step %scan3A_349  : i32 {
      %mul3A_382 = arith.constant 16 : i32
      %mul3A_383 = arith.muli %scan3A_381, %mul3A_382 : i32
      %get3A = arith.index_cast %mul3A_383 : i32 to index
      %get3A_384 = tpu.vector_load %arg4[%get3A] {strides = array<i32>} : memref<512xi32, #tpu.memory_space<vmem>>, vector<16xi32>,
      %mul3A_385 = arith.constant 16 : i32
      %mul3A_386 = arith.muli %scan3A_381, %mul3A_385 : i32
      %add3A_387 = vector.broadcast %mul3A_386 : i32 to vector<16xi32>
      %add3A_388 = arith.addi %iota3A, %add3A_387 : vector<16xi32>
      %ge3A = arith.constant 800 : i32
      %ge3A_389 = vector.broadcast %ge3A : i32 to vector<16xi32>
      %ge3A_390 = arith.cmpi sge, %get3A_384, %ge3A_389 : vector<16xi32>
      %lt3A = arith.constant 840 : i32
      %lt3A_391 = vector.broadcast %lt3A : i32 to vector<16xi32>
      %lt3A_392 = arith.cmpi slt, %get3A_384, %lt3A_391 : vector<16xi32>
      %and3A = arith.andi %ge3A_390, %lt3A_392 : vector<16xi1>
      %sub3A = arith.constant 800 : i32
      %sub3A_393 = vector.broadcast %sub3A : i32 to vector<16xi32>
      %sub3A_394 = arith.subi %get3A_384, %sub3A_393 : vector<16xi32>
      tpu.vector_store_idx %arg7[%sub3A_394, %add3A_388], %broadcast_in_dim3A_6 masked %and3A : memref<40x512xf32, #tpu.memory_space<vmem>>[vector<16xi32>, vector<16xi32>], vector<16xf32>, vector<16xi1>
      %ge3A_395 = arith.constant 920 : i32
      %ge3A_396 = vector.broadcast %ge3A_395 : i32 to vector<16xi32>
      %ge3A_397 = arith.cmpi sge, %get3A_384, %ge3A_396 : vector<16xi32>
      %lt3A_398 = arith.constant 960 : i32
      %lt3A_399 = vector.broadcast %lt3A_398 : i32 to vector<16xi32>
      %lt3A_400 = arith.cmpi slt, %get3A_384, %lt3A_399 : vector<16xi32>
      %and3A_401 = arith.andi %ge3A_397, %lt3A_400 : vector<16xi1>
      %sub3A_402 = arith.constant 920 : i32
      %sub3A_403 = vector.broadcast %sub3A_402 : i32 to vector<16xi32>
      %sub3A_404 = arith.subi %get3A_384, %sub3A_403 : vector<16xi32>
      tpu.vector_store_idx %arg7[%sub3A_404, %add3A_388], %broadcast_in_dim3A_4 masked %and3A_401 : memref<40x512xf32, #tpu.memory_space<vmem>>[vector<16xi32>, vector<16xi32>], vector<16xf32>, vector<16xi1>
    }
    %scan3A_350 = arith.constant 32 : i32
    %dma_start3A_351 = arith.constant 920 : i32
    %dma_start3A_352 = tpu.memref_slice %arg3[%dma_start3A_351, %mul3A_2] : memref<1000x16384xf32, #tpu.memory_space<hbm>> -> memref<40x512xf32, #tpu.memory_space<hbm>>
    %dma_start3A_353 = arith.constant 920 : i32
    %dma_start3A_354 = tpu.memref_slice %arg3[%dma_start3A_353, %mul3A_2] : memref<1000x16384xf32, #tpu.memory_space<hbm>> -> memref<40x512xf32, #tpu.memory_space<hbm>>
    tpu.enqueue_dma source(%arg7 : memref<40x512xf32, #tpu.memory_space<vmem>>) target(%dma_start3A_354 : memref<40x512xf32, #tpu.memory_space<hbm>>) target_semaphore(%arg10 : memref<!tpu.dma_semaphore, #tpu.memory_space<semaphore_mem>>)
    %dma_wait3A_355 = arith.constant 840 : i32
    %dma_wait3A_356 = tpu.memref_slice %arg3[%dma_wait3A_355, %mul3A_2] : memref<1000x16384xf32, #tpu.memory_space<hbm>> -> memref<40x512xf32, #tpu.memory_space<hbm>>
    %dma_wait3A_357 = arith.constant 840 : i32
    %dma_wait3A_358 = tpu.memref_slice %arg3[%dma_wait3A_357, %mul3A_2] : memref<1000x16384xf32, #tpu.memory_space<hbm>> -> memref<40x512xf32, #tpu.memory_space<hbm>>
    tpu.wait_dma2 semaphore(%arg8 : memref<!tpu.dma_semaphore, #tpu.memory_space<semaphore_mem>>) src(%arg5 : memref<40x512xf32, #tpu.memory_space<vmem>>) dst(%dma_wait3A_358 : memref<40x512xf32, #tpu.memory_space<hbm>>)
    %scan3A_359 = arith.constant 0 : i32
    %scan3A_360 = arith.constant 0 : i32
    %scan3A_361 = arith.constant 32 : i32
    %scan3A_362 = arith.addi %scan3A_360, %scan3A_361 : i32
    %scan3A_363 = arith.constant 1 : i32
    scf.for %scan3A_381 = %scan3A_360 to %scan3A_362 step %scan3A_363  : i32 {
      %mul3A_382 = arith.constant 16 : i32
      %mul3A_383 = arith.muli %scan3A_381, %mul3A_382 : i32
      %get3A = arith.index_cast %mul3A_383 : i32 to index
      %get3A_384 = tpu.vector_load %arg4[%get3A] {strides = array<i32>} : memref<512xi32, #tpu.memory_space<vmem>>, vector<16xi32>,
      %mul3A_385 = arith.constant 16 : i32
      %mul3A_386 = arith.muli %scan3A_381, %mul3A_385 : i32
      %add3A_387 = vector.broadcast %mul3A_386 : i32 to vector<16xi32>
      %add3A_388 = arith.addi %iota3A, %add3A_387 : vector<16xi32>
      %ge3A = arith.constant 840 : i32
      %ge3A_389 = vector.broadcast %ge3A : i32 to vector<16xi32>
      %ge3A_390 = arith.cmpi sge, %get3A_384, %ge3A_389 : vector<16xi32>
      %lt3A = arith.constant 880 : i32
      %lt3A_391 = vector.broadcast %lt3A : i32 to vector<16xi32>
      %lt3A_392 = arith.cmpi slt, %get3A_384, %lt3A_391 : vector<16xi32>
      %and3A = arith.andi %ge3A_390, %lt3A_392 : vector<16xi1>
      %sub3A = arith.constant 840 : i32
      %sub3A_393 = vector.broadcast %sub3A : i32 to vector<16xi32>
      %sub3A_394 = arith.subi %get3A_384, %sub3A_393 : vector<16xi32>
      tpu.vector_store_idx %arg5[%sub3A_394, %add3A_388], %broadcast_in_dim3A_6 masked %and3A : memref<40x512xf32, #tpu.memory_space<vmem>>[vector<16xi32>, vector<16xi32>], vector<16xf32>, vector<16xi1>
      %ge3A_395 = arith.constant 960 : i32
      %ge3A_396 = vector.broadcast %ge3A_395 : i32 to vector<16xi32>
      %ge3A_397 = arith.cmpi sge, %get3A_384, %ge3A_396 : vector<16xi32>
      %lt3A_398 = arith.constant 1000 : i32
      %lt3A_399 = vector.broadcast %lt3A_398 : i32 to vector<16xi32>
      %lt3A_400 = arith.cmpi slt, %get3A_384, %lt3A_399 : vector<16xi32>
      %and3A_401 = arith.andi %ge3A_397, %lt3A_400 : vector<16xi1>
      %sub3A_402 = arith.constant 960 : i32
      %sub3A_403 = vector.broadcast %sub3A_402 : i32 to vector<16xi32>
      %sub3A_404 = arith.subi %get3A_384, %sub3A_403 : vector<16xi32>
      tpu.vector_store_idx %arg5[%sub3A_404, %add3A_388], %broadcast_in_dim3A_4 masked %and3A_401 : memref<40x512xf32, #tpu.memory_space<vmem>>[vector<16xi32>, vector<16xi32>], vector<16xf32>, vector<16xi1>
    }
    %scan3A_364 = arith.constant 32 : i32
    %dma_start3A_365 = arith.constant 960 : i32
    %dma_start3A_366 = tpu.memref_slice %arg3[%dma_start3A_365, %mul3A_2] : memref<1000x16384xf32, #tpu.memory_space<hbm>> -> memref<40x512xf32, #tpu.memory_space<hbm>>
    %dma_start3A_367 = arith.constant 960 : i32
    %dma_start3A_368 = tpu.memref_slice %arg3[%dma_start3A_367, %mul3A_2] : memref<1000x16384xf32, #tpu.memory_space<hbm>> -> memref<40x512xf32, #tpu.memory_space<hbm>>
    tpu.enqueue_dma source(%arg5 : memref<40x512xf32, #tpu.memory_space<vmem>>) target(%dma_start3A_368 : memref<40x512xf32, #tpu.memory_space<hbm>>) target_semaphore(%arg8 : memref<!tpu.dma_semaphore, #tpu.memory_space<semaphore_mem>>)
    %dma_wait3A_369 = arith.constant 960 : i32
    %dma_wait3A_370 = tpu.memref_slice %arg3[%dma_wait3A_369, %mul3A_2] : memref<1000x16384xf32, #tpu.memory_space<hbm>> -> memref<40x512xf32, #tpu.memory_space<hbm>>
    %dma_wait3A_371 = arith.constant 960 : i32
    %dma_wait3A_372 = tpu.memref_slice %arg3[%dma_wait3A_371, %mul3A_2] : memref<1000x16384xf32, #tpu.memory_space<hbm>> -> memref<40x512xf32, #tpu.memory_space<hbm>>
    tpu.wait_dma2 semaphore(%arg8 : memref<!tpu.dma_semaphore, #tpu.memory_space<semaphore_mem>>) src(%arg5 : memref<40x512xf32, #tpu.memory_space<vmem>>) dst(%dma_wait3A_372 : memref<40x512xf32, #tpu.memory_space<hbm>>)
    %dma_wait3A_373 = arith.constant 880 : i32
    %dma_wait3A_374 = tpu.memref_slice %arg3[%dma_wait3A_373, %mul3A_2] : memref<1000x16384xf32, #tpu.memory_space<hbm>> -> memref<40x512xf32, #tpu.memory_space<hbm>>
    %dma_wait3A_375 = arith.constant 880 : i32
    %dma_wait3A_376 = tpu.memref_slice %arg3[%dma_wait3A_375, %mul3A_2] : memref<1000x16384xf32, #tpu.memory_space<hbm>> -> memref<40x512xf32, #tpu.memory_space<hbm>>
    tpu.wait_dma2 semaphore(%arg9 : memref<!tpu.dma_semaphore, #tpu.memory_space<semaphore_mem>>) src(%arg6 : memref<40x512xf32, #tpu.memory_space<vmem>>) dst(%dma_wait3A_376 : memref<40x512xf32, #tpu.memory_space<hbm>>)
    %dma_wait3A_377 = arith.constant 920 : i32
    %dma_wait3A_378 = tpu.memref_slice %arg3[%dma_wait3A_377, %mul3A_2] : memref<1000x16384xf32, #tpu.memory_space<hbm>> -> memref<40x512xf32, #tpu.memory_space<hbm>>
    %dma_wait3A_379 = arith.constant 920 : i32
    %dma_wait3A_380 = tpu.memref_slice %arg3[%dma_wait3A_379, %mul3A_2] : memref<1000x16384xf32, #tpu.memory_space<hbm>> -> memref<40x512xf32, #tpu.memory_space<hbm>>
    tpu.wait_dma2 semaphore(%arg10 : memref<!tpu.dma_semaphore, #tpu.memory_space<semaphore_mem>>) src(%arg7 : memref<40x512xf32, #tpu.memory_space<vmem>>) dst(%dma_wait3A_380 : memref<40x512xf32, #tpu.memory_space<hbm>>)
    return
  }
}

</mosaic_0001>

<sc_bundles>
// kernel: kernel.3.cloned.1.call-start
scs
__scs_entry_jumppad:
0x0: {  	(pc) =	sbr.rel $0x88, $3  }
0x1: {  	(tag) =	ssettag $0x0;
	lr =	simm.s32 $0x1  }
0x2: {  	[smem:$0x3FA0] =	sst lr;
	_ =	strace $0xD0000000  }
0x3: {  	_ = 	snop  }
0x4: {  	_ = 	snop  }
0x5: {  	_ = 	snop  }
0x6: {  	_ = 	snop  }
0x7: {  	_ = 	snop  }
__scs_overlays_trampoline_lowered:
0x8: {  	[smem:$0x3FAF] =	sst s0  }
0x9: {  	[smem:$0x3FB0] =	sst s1  }
0xa: {  	[smem:$0x3FB1] =	sst s2  }
0xb: {  	[smem:$0x3FB2] =	sst s3  }
0xc: {  	[smem:$0x3FB3] =	sst s4  }
0xd: {  	[smem:$0x3FB4] =	sst s5  }
0xe: {  	[smem:$0x3FB5] =	sst s6  }
0xf: {  	[smem:$0x3FB6] =	sst s7  }
0x10: {  	[smem:$0x3FB7] =	sst s8  }
0x11: {  	[smem:$0x3FB8] =	sst s9;
	s0 =	simm.s32 @!p0 $0x0  }
0x12: {  	s1 =	sld [smem:$0x3F9E];
	s0 =	simm.s32 @p0 $0x1  }
0x13: {  	[smem:$0x3FB9] =	sst s0;
	s0 =	simm.s32 @!p1 $0x0  }
0x14: {  	s2 =	sld [smem:$0x3F9D];
	s0 =	simm.s32 @p1 $0x1  }
0x15: {  	[smem:$0x3FBA] =	sst s0;
	s0 =	simm.s32 @!p2 $0x0  }
0x16: {  	s3 =	sld [smem:$0x3FDB];
	s0 =	simm.s32 @p2 $0x1  }
0x17: {  	s4 =	simm.s32 $0x1BF5;
	[smem:$0x3FBC] =	sst s0  }
0x18: {  	s0 =	sld [smem:$0x3F9F];
	_ =	swait.ge [sflag:s4], $0x0  }
0x19: {  	s7 =	sld [smem:$0x3FA0]  }
0x1a: {  	s8 =	sadd.s32 $0xFFFFE003, lr  }
0x1b: {  	s9 =	sadd.s32 $0xFFFFFEF7, lr;
	s5 =	simm.s32 $0xFFFFFFFF;
	p2 =	slt.u32 s8, $0xFFFFF086  }
0x1c: {  	p1 =	slt.u32 s9, $0xF7A;
	s5 =	simm.s32 @!p2 $0x0  }
0x1d: {  	s5 =	simm.s32 @p1 $0x1;
	p0 =	seq.s32 s7, s2  }
0x1e: {  	s7 =	smul.u32 @!p0 $0xF7A, s2;
	p2 =	seq.s32 @!p0 s5, $0x0  }
0x1f: {  	s9 =	smul.u32 $0xF7A, s1;
	s8 =	simm.s32 @!p0 $0x1BF5;
	p2 =	por !p2, p0  }
0x20: {  	[sflag:s8] =	ssyncset.s32 @!p0 $0xFFFFF086;
	s6 =	sadd.s32 @!p0 s3, s7;
	s7 =	simm.s32 @!p0 $0x108  }
0x21: {  	s3 =	sadd.s32 s3, s9;
	s6 =	sadd.s32 @!p0 $0x88, s6;
	s7 =	simm.s32 @p2 $0x1082  }
0x22: {  	[simem:s7], [sflag:s8] =	dma.local @!p0 [hbm:s6], $0xF7A  }
0x23: {  	s9 =	sor.u32 $0xD0000000, s2;
	s6 =	simm.s32 $0x108;
	_ =	swait.ge @!p0 [sflag:s8], $0x0  }
0x24: {  	s3 =	sadd.s32 $0x88, s3;
	s6 =	simm.s32 @!p1 $0x1082;
	[sflag:s4] =	ssyncset.s32 $0xFFFFF086  }
0x25: {  	[simem:s6], [sflag:s4] =	dma.local [hbm:s3], $0xF7A  }
0x26: {  	[smem:$0x3FA0] =	sst s1;
	(tag) =	ssettag s2;
	_ =	strace s9  }
0x27: {  	s1 =	sld [smem:$0x3FB0]  }
0x28: {  	s2 =	sld [smem:$0x3FB1]  }
0x29: {  	s4 =	sld [smem:$0x3FB3]  }
0x2a: {  	p0 =	seq.s32 s5, $0x0;
	s5 =	sld [smem:$0x3FB4]  }
0x2b: {  	s6 =	sld [smem:$0x3FB5]  }
0x2c: {  	s7 =	sld [smem:$0x3FB6]  }
0x2d: {  	s3 =	simm.s32 $0x108;
	s8 =	sld [smem:$0x3FB7]  }
0x2e: {  	s3 =	simm.s32 @!p0 $0x1082;
	s9 =	sld [smem:$0x3FB8]  }
0x2f: {  	lr =	sadd.s32 s0, s3;
	s0 =	sld [smem:$0x3FAF]  }
0x30: {  	s3 =	sld [smem:$0x3FB2]  }
0x31: {  	[smem:$0x3FBB] =	sst s10  }
0x32: {  	s10 =	sld [smem:$0x3FB9];
	_ =	sdelay $0x3  }
0x33: {  	p0 =	seq.s32 s10, $0x1;
	s10 =	sld [smem:$0x3FBB];
	_ =	sdelay $0x3  }
0x34: {  	[smem:$0x3FBB] =	sst s10  }
0x35: {  	s10 =	sld [smem:$0x3FBA];
	_ =	sdelay $0x3  }
0x36: {  	p1 =	seq.s32 s10, $0x1;
	s10 =	sld [smem:$0x3FBB];
	_ =	sdelay $0x3  }
0x37: {  	[smem:$0x3FBB] =	sst s10  }
0x38: {  	s10 =	sld [smem:$0x3FBC]  }
0x39: {  	_ = 	snop;
	(pc) =	sbr.ind lr, $3  }
0x3a: {  	_ = 	snop  }
0x3b: {  	_ = 	snop  }
0x3c: {  	p2 =	seq.s32 s10, $0x1;
	s10 =	sld [smem:$0x3FBB]  }
0x3d: {  	_ =	shalt  }
0x3e: {  	_ =	shalt  }
0x3f: {  	_ =	shalt  }
0x40: {  	_ =	shalt  }
0x41: {  	_ =	shalt  }
0x42: {  	_ =	shalt  }
0x43: {  	_ =	shalt  }
0x44: {  	_ =	shalt  }
0x45: {  	_ =	shalt  }
0x46: {  	_ =	shalt  }
0x47: {  	_ =	shalt  }
0x48: {  	_ =	shalt  }
0x49: {  	_ =	shalt  }
0x4a: {  	_ =	shalt  }
0x4b: {  	_ =	shalt  }
0x4c: {  	_ =	shalt  }
0x4d: {  	_ =	shalt  }
0x4e: {  	_ =	shalt  }
0x4f: {  	_ =	shalt  }
0x50: {  	_ =	shalt  }
0x51: {  	_ =	shalt  }
0x52: {  	_ =	shalt  }
0x53: {  	_ =	shalt  }
0x54: {  	_ =	shalt  }
0x55: {  	_ =	shalt  }
0x56: {  	_ =	shalt  }
0x57: {  	_ =	shalt  }
0x58: {  	_ =	shalt  }
0x59: {  	_ =	shalt  }
0x5a: {  	_ =	shalt  }
0x5b: {  	_ =	shalt  }
0x5c: {  	_ =	shalt  }
0x5d: {  	_ =	shalt  }
0x5e: {  	_ =	shalt  }
0x5f: {  	_ =	shalt  }
0x60: {  	_ =	shalt  }
0x61: {  	_ =	shalt  }
0x62: {  	_ =	shalt  }
0x63: {  	_ =	shalt  }
0x64: {  	_ =	shalt  }
0x65: {  	_ =	shalt  }
0x66: {  	_ =	shalt  }
0x67: {  	_ =	shalt  }
0x68: {  	_ =	shalt  }
0x69: {  	_ =	shalt  }
0x6a: {  	_ =	shalt  }
0x6b: {  	_ =	shalt  }
0x6c: {  	_ =	shalt  }
0x6d: {  	_ =	shalt  }
0x6e: {  	_ =	shalt  }
0x6f: {  	_ =	shalt  }
0x70: {  	_ =	shalt  }
0x71: {  	_ =	shalt  }
0x72: {  	_ =	shalt  }
0x73: {  	_ =	shalt  }
0x74: {  	_ =	shalt  }
0x75: {  	_ =	shalt  }
0x76: {  	_ =	shalt  }
0x77: {  	_ =	shalt  }
0x78: {  	_ =	shalt  }
0x79: {  	_ =	shalt  }
0x7a: {  	_ =	shalt  }
0x7b: {  	_ =	shalt  }
0x7c: {  	_ =	shalt  }
0x7d: {  	_ =	shalt  }
0x7e: {  	_ =	shalt  }
0x7f: {  	_ =	shalt  }
0x80: {  	_ =	shalt  }
0x81: {  	_ =	shalt  }
0x82: {  	_ =	shalt  }
0x83: {  	_ =	shalt  }
0x84: {  	_ =	shalt  }
0x85: {  	_ =	shalt  }
0x86: {  	_ =	shalt  }
0x87: {  	_ =	shalt  }
.Lfunc_end0:
.L_simem_size_0:
called_computation_lowered:
.L_overlay_start_0:
0x88: {  	s2 =	sld [smem:$0x3FD9]  }
0x89: {  	s3 =	sld [smem:$0x3FFE];
	_ =	sdelay $0x1  }
0x8a: {  	s1 =	srdreg.scid  }
0x8b: {  	s0 =	sand.u32 $0x1, s1  }
0x8c: {  	s18 =	sshll.u32 s0, $0xA;
	s2 =	sadd.s32 s3, s2  }
0x8d: {  	s2 =	sadd.s32 s2, s18  }
0x8e: {  	[smem:$0x3FC7] =	sst s2  }
0x8f: {  	_ = 	snop  }
0x90: {  	s2 =	sld [smem:$0x3FC9]  }
0x91: {  	s19 =	sld [smem:$0x3FD0];
	(tm) =	ssettm $0x1  }
0x92: {  	s4 =	sld [smem:$0x3FFB];
	_ =	sdelay $0x3  }
0x93: {  	_ =	strace s4  }
0x94: {  	s4 =	sld [smem:$0x3FFC];
	_ =	sdelay $0x3  }
0x95: {  	_ =	strace s4  }
0x96: {  	s4 =	sld [smem:$0x3FFD];
	_ =	sdelay $0x3  }
0x97: {  	_ =	strace s4  }
0x98: {  	_ =	strace $0x8FFFFFFF  }
0x99: {  	s20 =	sld [smem:$0x3FDB];
	_ =	sdelay $0x1  }
0x9a: {  	s5 =	simm.s32 $_scs_section_size  }
0x9b: {  	s6 =	simm.s32 $_size__tile_overlayer_lowered;
	s7 =	simm.s32 $_tile_overlayer_lowered  }
0x9c: {  	s23 =	simm.s32 $0x1BFF;
	s22 =	sshll.u32 s7, $0x1;
	s4 =	sadd.s32 s5, s20  }
0x9d: {  	s8 =	simm.s32 $0x0;
	s21 =	sshll.u32 s6, $0x1;
	s6 =	sadd.s32 s22, s4  }
0x9e: {  	[timem:s8], [sflag:s23] =	dma.local [hbm:s6], s21  }
0x9f: {  	_ =	swait.ge [sflag:s23], s21  }
0xa0: {  	s5 =	ssub.s32 $0x0, s21;
	[sflag:s23] =	ssyncset.done $0x0  }
0xa1: {  	[sflag:s23] =	ssyncadd.s32 s5;
	_ =	sdelay $0x1  }
0xa2: {  	s24 =	simm.s32 $0x1B8B  }
0xa3: {  	_ =	swait.ge [sflag:s24], $0x1  }
0xa4: {  	[sflag:s24] =	ssyncset.done $0x0  }
0xa5: {  	s25 =	simm.s32 $0x1B8E;
	[sflag:s24] =	ssyncadd.s32 $0xFFFFFFFF  }
0xa6: {  	s26 =	simm.s32 $execute0_lowered;
	[smem:$0x3FD2] =	sst s25  }
0xa7: {  	s5 =	sshll.u32 s26, $0x1;
	_ =	strace $0x80000046;
	[dreg:$0x1] =	wrdreg $0xFFFFFFFF  }
0xa8: {  	s28 =	simm.s32 $_size_execute0_lowered;
	s4 =	sadd.s32 s4, s5;
	[dreg:$0x0] =	wrdreg $0x0  }
0xa9: {  	s5 =	sshll.u32 s28, $0x1;
	[dreg:$0x2] =	wrdreg s4  }
0xaa: {  	[dreg:$0x3] =	wrdreg s5  }
0xab: {  	[dreg:$0x4] =	wrdreg $0xC0  }
0xac: {  	_ =	task [dreg:s8], $0x5FFFF  }
0xad: {  	[dreg:$0x1] =	wrdreg $0xFFFFFFFF  }
0xae: {  	[dreg:$0x0] =	wrdreg $0x60  }
0xaf: {  	[dreg:$0x2] =	wrdreg s2  }
0xb0: {  	[dreg:$0x3] =	wrdreg s19  }
0xb1: {  	[dreg:$0x4] =	wrdreg $0x9  }
0xb2: {  	_ =	task.clear_ibuf [dreg:s8], $0x5FFFF;
	_ =	strace $0x90000046  }
0xb3: {  	s29 =	simm.s32 $0x9;
	_ =	strace $0x80000048  }
0xb4: {  	_ =	swait.ge [sflag:s29], $0x1  }
0xb5: {  	[sflag:s29] =	ssyncadd.s32 $0xFFFFFFFF  }
0xb6: {  	_ =	strace $0x90000048  }
0xb7: {  	_ =	sfence  }
0xb8: {  	s30 =	sld [smem:$0x0];
	_ =	sdelay $0x2  }
0xb9: {  	s31 =	sshll.u32 s1, $0xD;
	s1 =	sshrl.u32 s1, $0x2  }
0xba: {  	s3 =	sand.u32 $0x4000, s31;
	s1 =	sadd.s32 s1, s30  }
0xbb: {  	s0 =	sor.u32 s3, s0;
	s1 =	sshll.u32 s1, $0x11  }
0xbc: {  	s0 =	sor.u32 s1, s0  }
0xbd: {  	s0 =	sadd.s32 $0x8F2B, s0  }
0xbe: {  	[sflag:s0] =	ssyncadd.remote.s32 $0x1  }
0xbf: {  	_ =	sfence.sel $0xFFFF  }
0xc0: {  	[dreg:$0x0] =	wrdreg $0xFFFFFFFF;
	(pc) =	sbr.abs _section_cstart, $3  }
0xc1: {  	[dreg:$0x1] =	wrdreg $0xFFFFFFFF  }
0xc2: {  	_ =	task.clear_ibuf [dreg:s8], $0x2FFFF;
	_ =	strace $0x9FFFFFFF  }
0xc3: {  	(tm) =	ssettm $0x7FFFFFFF  }
tec
execute0_lowered:
.L_overlay_start_1:
0x0: {  	(tag) =	ssettag $0x1  }
0x1: {  	s3 =	srdreg.scid  }
0x2: {  	s5 =	stileid.u32;
	s3 =	sand.u32 $0x1, s3  }
0x3: {  	s5 =	sshll.u32 s5, $0xA;
	s4 =	ssub.s32 $0x2, s3;
	s3 =	sshll.u32 s3, $0x9  }
0x4: {  	s0 =	rddreg [dreg:$0x0];
	s3 =	sor.u32 s3, s5  }
0x5: {  	s1 =	rddreg [dreg:$0x1];
	s2 =	simm.s32 $0x0;
	s5 =	sshrl.u32 s3, $0x3  }
0x6: {  	[smem:$0x7FF] =	sst s2;
	s3 =	sadd.s32 s1, s3;
	s0 =	sadd.s32 s0, s5  }
0x7: {  	_ =	strace $0x80000047;
	s15 =	sadd.s32 $0x14000, s3;
	[dreg:$0x3] =	wrdreg s0  }
0x8: {  	s31 =	simm.s32 $0x4;
	s16 =	sadd.s32 $0x28000, s3;
	[dreg:$0x4] =	wrdreg s15  }
0x9: {  	s7 =	simm.s32 $0x1;
	s17 =	sadd.s32 $0x3C000, s3;
	[dreg:$0x5] =	wrdreg s16  }
0xa: {  	s8 =	simm.s32 $0x2;
	s18 =	sadd.s32 $0x50000, s3;
	[dreg:$0x6] =	wrdreg s17  }
0xb: {  	s9 =	simm.s32 $0x3;
	s19 =	sadd.s32 $0x64000, s3;
	[dreg:$0x7] =	wrdreg s18  }
0xc: {  	s10 =	simm.s32 $0x0;
	s20 =	sadd.s32 $0x78000, s3;
	[dreg:$0x8] =	wrdreg s19  }
0xd: {  	s6 =	sshrl.u32 s4, $0x1;
	s21 =	sadd.s32 $0x8C000, s3;
	[dreg:$0x9] =	wrdreg s20  }
0xe: {  	s4 =	ssub.s32 s4, s6;
	s22 =	sadd.s32 $0xA0000, s3;
	[dreg:$0xa] =	wrdreg s21  }
0xf: {  	s1 =	simm.s32 $0x1000;
	s23 =	sadd.s32 $0xB4000, s3;
	[dreg:$0xb] =	wrdreg s22  }
0x10: {  	s6 =	simm.s32 $0xA200;
	s24 =	sadd.s32 $0xC8000, s3;
	[dreg:$0xc] =	wrdreg s23  }
0x11: {  	s25 =	sadd.s32 $0xDC000, s3;
	s26 =	sadd.s32 $0xF0000, s3;
	[dreg:$0xd] =	wrdreg s24  }
0x12: {  	s28 =	sadd.s32 $0x1B8000, s3;
	s29 =	sadd.s32 $0x1CC000, s3;
	[dreg:$0xe] =	wrdreg s25  }
0x13: {  	s30 =	sadd.s32 $0x1E0000, s3;
	s5 =	simm.s32 $0x5200;
	[dreg:$0xf] =	wrdreg s26  }
0x14: {  	s17 =	sadd.s32 $0x104000, s3;
	s18 =	sadd.s32 $0x118000, s3;
	s19 =	sadd.s32 $0x12C000, s3  }
0x15: {  	s20 =	sadd.s32 $0x140000, s3;
	s21 =	sadd.s32 $0x154000, s3;
	s22 =	sadd.s32 $0x168000, s3  }
0x16: {  	s23 =	sadd.s32 $0x17C000, s3;
	s24 =	sadd.s32 $0x190000, s3;
	s25 =	smax.u32 s4, $0x1  }
0x17: {  	v0 =	vimm.f32 $0.0e+00;
	v1 =	vlaneseq.u32;
	v2 =	vimm.f32 $1.000000000e+00;
	s26 =	sadd.s32 $0x1A4000, s3;
	s0 =	simm.s32 $0x200;
	s4 =	simm.s32 $0x20000  }
.LBB2_1:
0x18: {  	s11 =	rddreg [dreg:$0x3];
	s16 =	sand.u32 $0x70, s2;
	s12 =	sand.u32 $0xC00, s2  }
0x19: {  	[tilespmem:s2], [sflag:$0x4] =	stream.linear.gather [hbm4b:s11+s2], $0x200, $0x38;
	[tilespmem:$0xF200] =	vst v63  }
0x1a: {  	s11 =	sor.u32 s16, s12  }
0x1b: {  	[tilespmem:s11+$0x280] =	vst v0  }
0x1c: {  	[tilespmem:s11+$0x300] =	vst v0  }
0x1d: {  	[tilespmem:s11+$0x380] =	vst v0  }
0x1e: {  	[tilespmem:s11+$0x400] =	vst v0  }
0x1f: {  	[tilespmem:s11+$0x480] =	vst v0  }
0x20: {  	s14 =	sor.u32 s2, s2;
	s13 =	simm.s32 $0x0;
	s12 =	simm.s32 $0x10;
	[tilespmem:s11+$0x500] =	vst v0  }
.LBB2_2:
0x21: {  	p0 =	sne.s32 s12, $0x1F0;
	[tilespmem:s11+$0x200] =	vst v0;
	s14 =	sor.u32 $0x380, s14  }
0x22: {  	[tilespmem:s14+$0x200] =	vst v0  }
0x23: {  	[tilespmem:s11+$0x1200] =	vst v0  }
0x24: {  	[tilespmem:s11+$0x1280] =	vst v0  }
0x25: {  	[tilespmem:s11+$0x1300] =	vst v0  }
0x26: {  	[tilespmem:s11+$0x1380] =	vst v0  }
0x27: {  	[tilespmem:s11+$0x1400] =	vst v0  }
0x28: {  	[tilespmem:s11+$0x1480] =	vst v0  }
0x29: {  	[tilespmem:s11+$0x1500] =	vst v0  }
0x2a: {  	[tilespmem:s11+$0x1580] =	vst v0  }
0x2b: {  	[tilespmem:s11+$0x2200] =	vst v0  }
0x2c: {  	[tilespmem:s11+$0x2280] =	vst v0  }
0x2d: {  	[tilespmem:s11+$0x2300] =	vst v0  }
0x2e: {  	[tilespmem:s11+$0x2380] =	vst v0  }
0x2f: {  	[tilespmem:s11+$0x2400] =	vst v0  }
0x30: {  	[tilespmem:s11+$0x2480] =	vst v0  }
0x31: {  	[tilespmem:s11+$0x2500] =	vst v0  }
0x32: {  	[tilespmem:s11+$0x2580] =	vst v0  }
0x33: {  	[tilespmem:s11+$0x3200] =	vst v0  }
0x34: {  	[tilespmem:s11+$0x3280] =	vst v0  }
0x35: {  	[tilespmem:s11+$0x3300] =	vst v0  }
0x36: {  	[tilespmem:s11+$0x3380] =	vst v0  }
0x37: {  	[tilespmem:s11+$0x3400] =	vst v0  }
0x38: {  	[tilespmem:s11+$0x3480] =	vst v0  }
0x39: {  	[tilespmem:s11+$0x3500] =	vst v0  }
0x3a: {  	[tilespmem:s11+$0x3580] =	vst v0  }
0x3b: {  	[tilespmem:s11+$0x4200] =	vst v0  }
0x3c: {  	[tilespmem:s11+$0x4280] =	vst v0  }
0x3d: {  	[tilespmem:s11+$0x4300] =	vst v0  }
0x3e: {  	[tilespmem:s11+$0x4380] =	vst v0  }
0x3f: {  	[tilespmem:s11+$0x4400] =	vst v0  }
0x40: {  	s13 =	sadd.s32 $0x80, s13;
	[tilespmem:s11+$0x4480] =	vst v0  }
0x41: {  	s14 =	sand.u32 $0x70, s12;
	s15 =	sand.u32 $0xC00, s13;
	[tilespmem:s11+$0x4500] =	vst v0  }
0x42: {  	[tilespmem:s11+$0x4580] =	vst v0;
	s11 =	sor.u32 s14, s15  }
0x43: {  	[tilespmem:s11+$0x280] =	vst v0  }
.Ltmp0:
0x44: {  	[tilespmem:s11+$0x300] =	vst v0;
	(pc) =	sbr.rel @p0 .LBB2_2-.Ltmp0, $4  }
0x45: {  	[tilespmem:s11+$0x380] =	vst v0  }
0x46: {  	[tilespmem:s11+$0x400] =	vst v0  }
0x47: {  	[tilespmem:s11+$0x480] =	vst v0  }
0x48: {  	s14 =	sor.u32 s13, s12;
	s12 =	sadd.s32 $0x10, s12;
	[tilespmem:s11+$0x500] =	vst v0  }
0x49: {  	[tilespmem:s11+$0x200] =	vst v0;
	s12 =	sor.u32 $0x380, s14  }
0x4a: {  	[tilespmem:s12+$0x200] =	vst v0  }
0x4b: {  	[tilespmem:s11+$0x1200] =	vst v0  }
0x4c: {  	[tilespmem:s11+$0x1280] =	vst v0  }
0x4d: {  	[tilespmem:s11+$0x1300] =	vst v0  }
0x4e: {  	[tilespmem:s11+$0x1380] =	vst v0  }
0x4f: {  	[tilespmem:s11+$0x1400] =	vst v0  }
0x50: {  	[tilespmem:s11+$0x1480] =	vst v0  }
0x51: {  	[tilespmem:s11+$0x1500] =	vst v0  }
0x52: {  	[tilespmem:s11+$0x1580] =	vst v0  }
0x53: {  	[tilespmem:s11+$0x2200] =	vst v0  }
0x54: {  	[tilespmem:s11+$0x2280] =	vst v0  }
0x55: {  	[tilespmem:s11+$0x2300] =	vst v0  }
0x56: {  	[tilespmem:s11+$0x2380] =	vst v0  }
0x57: {  	[tilespmem:s11+$0x2400] =	vst v0  }
0x58: {  	[tilespmem:s11+$0x2480] =	vst v0  }
0x59: {  	[tilespmem:s11+$0x2500] =	vst v0  }
0x5a: {  	[tilespmem:s11+$0x2580] =	vst v0  }
0x5b: {  	[tilespmem:s11+$0x3200] =	vst v0  }
0x5c: {  	[tilespmem:s11+$0x3280] =	vst v0  }
0x5d: {  	[tilespmem:s11+$0x3300] =	vst v0  }
0x5e: {  	[tilespmem:s11+$0x3380] =	vst v0  }
0x5f: {  	[tilespmem:s11+$0x3400] =	vst v0  }
0x60: {  	[tilespmem:s11+$0x3480] =	vst v0  }
0x61: {  	[tilespmem:s11+$0x3500] =	vst v0  }
0x62: {  	[tilespmem:s11+$0x3580] =	vst v0  }
0x63: {  	[tilespmem:s11+$0x4200] =	vst v0  }
0x64: {  	[tilespmem:s11+$0x4280] =	vst v0  }
0x65: {  	[tilespmem:s11+$0x4300] =	vst v0  }
0x66: {  	[tilespmem:s11+$0x4380] =	vst v0  }
0x67: {  	[tilespmem:s11+$0x4400] =	vst v0  }
0x68: {  	[tilespmem:s11+$0x4480] =	vst v0  }
0x69: {  	[tilespmem:s11+$0x4500] =	vst v0  }
0x6a: {  	[tilespmem:s11+$0x4580] =	vst v0  }
0x6b: {  	_ =	swait.ge [sflag:s31], $0x200  }
0x6c: {  	[sflag:s31] =	ssyncset.done $0x0  }
0x6d: {  	s11 =	simm.s32 $0x0;
	[sflag:s31] =	ssyncadd.s32 $0xFFFFFE00  }
0x6e: {  	s13 =	simm.s32 $0x0;
	s12 =	simm.s32 $0x10;
	v3 =	vld [tilespmem:s11+$0x0]  }
.LBB2_4:
0x6f: {  	p0 =	sne.s32 s12, $0x1F0;
	_ =	sdelay $0x1  }
0x70: {  	v4 =	vmov s11  }
0x71: {  	v5 =	vor.u32 s11, v1;
	s11 =	smov.u32 s12;
	v4 =	vshll.u32 v4, $0x3  }
0x72: {  	v5 =	vand.u32 $0x7F, v5;
	v4 =	vand.u32 $0xC00, v4;
	v6 =	vshll.u32 v3, $0x9  }
0x73: {  	v4 =	vor.u32 v4, v5;
	v7 =	vshll.u32 v3, $0x7;
	v6 =	vand.u32 $0xFFFFF000, v6  }
0x74: {  	vm0 =	vlt.u32 v3, $0x28;
	v3 =	vand.u32 $0x380, v7;
	v4 =	vor.u32 v6, v4  }
0x75: {  	v3 =	vor.u32 v3, v4;
	_ =	sdelay $0x1  }
.Ltmp1:
0x76: {  	(pc) =	sbr.rel @p0 .LBB2_4-.Ltmp1, $3  }
0x77: {  	_ =	sdelay $0x1  }
0x78: {  	s13 =	sadd.s32 $0x10, s13;
	[tilespmem:v3+s0+$0x0] =	vst.idx.msk vm0, v2  }
0x79: {  	s12 =	sadd.s32 $0x10, s12;
	v3 =	vld [tilespmem:s13+$0x0]  }
0x7a: {  	_ =	sdelay $0x1  }
0x7b: {  	v4 =	vmov s11  }
0x7c: {  	v5 =	vor.u32 s11, v1;
	v4 =	vshll.u32 v4, $0x3  }
0x7d: {  	v5 =	vand.u32 $0x7F, v5;
	v4 =	vand.u32 $0xC00, v4;
	v6 =	vshll.u32 v3, $0x9  }
0x7e: {  	v4 =	vor.u32 v4, v5;
	v7 =	vshll.u32 v3, $0x7;
	v6 =	vand.u32 $0xFFFFF000, v6  }
0x7f: {  	vm0 =	vlt.u32 v3, $0x28;
	v3 =	vand.u32 $0x380, v7;
	v4 =	vor.u32 v6, v4  }
0x80: {  	v3 =	vor.u32 v3, v4;
	_ =	sdelay $0x2  }
0x81: {  	s11 =	simm.s32 $0x0  }
0x82: {  	s12 =	sand.u32 $0x70, s11;
	s13 =	sand.u32 $0xC00, s11  }
0x83: {  	s12 =	sor.u32 s12, s13;
	[tilespmem:v3+s0+$0x0] =	vst.idx.msk vm0, v2  }
0x84: {  	[hbm4b:s3+s1] =	stream.strided.scatter [tilespmem:s0], [sflag:$0x1], $0x5000, s4, s1, $0x38;
	[tilespmem:$0xF200] =	vst v63  }
0x85: {  	[tilespmem:s12+$0x5280] =	vst v0  }
0x86: {  	[tilespmem:s12+$0x5300] =	vst v0  }
0x87: {  	[tilespmem:s12+$0x5380] =	vst v0  }
0x88: {  	[tilespmem:s12+$0x5400] =	vst v0  }
0x89: {  	[tilespmem:s12+$0x5480] =	vst v0  }
0x8a: {  	s14 =	simm.s32 $0x0;
	s15 =	sor.u32 s11, s11;
	s13 =	simm.s32 $0x10;
	[tilespmem:s12+$0x5500] =	vst v0  }
.LBB2_6:
0x8b: {  	p0 =	sne.s32 s13, $0x1F0;
	[tilespmem:s12+$0x5200] =	vst v0;
	s15 =	sor.u32 $0x380, s15  }
0x8c: {  	[tilespmem:s15+$0x5200] =	vst v0  }
0x8d: {  	[tilespmem:s12+$0x6200] =	vst v0  }
0x8e: {  	[tilespmem:s12+$0x6280] =	vst v0  }
0x8f: {  	[tilespmem:s12+$0x6300] =	vst v0  }
0x90: {  	[tilespmem:s12+$0x6380] =	vst v0  }
0x91: {  	[tilespmem:s12+$0x6400] =	vst v0  }
0x92: {  	[tilespmem:s12+$0x6480] =	vst v0  }
0x93: {  	[tilespmem:s12+$0x6500] =	vst v0  }
0x94: {  	[tilespmem:s12+$0x6580] =	vst v0  }
0x95: {  	[tilespmem:s12+$0x7200] =	vst v0  }
0x96: {  	[tilespmem:s12+$0x7280] =	vst v0  }
0x97: {  	[tilespmem:s12+$0x7300] =	vst v0  }
0x98: {  	[tilespmem:s12+$0x7380] =	vst v0  }
0x99: {  	[tilespmem:s12+$0x7400] =	vst v0  }
0x9a: {  	[tilespmem:s12+$0x7480] =	vst v0  }
0x9b: {  	[tilespmem:s12+$0x7500] =	vst v0  }
0x9c: {  	[tilespmem:s12+$0x7580] =	vst v0  }
0x9d: {  	[tilespmem:s12+$0x8200] =	vst v0  }
0x9e: {  	[tilespmem:s12+$0x8280] =	vst v0  }
0x9f: {  	[tilespmem:s12+$0x8300] =	vst v0  }
0xa0: {  	[tilespmem:s12+$0x8380] =	vst v0  }
0xa1: {  	[tilespmem:s12+$0x8400] =	vst v0  }
0xa2: {  	[tilespmem:s12+$0x8480] =	vst v0  }
0xa3: {  	[tilespmem:s12+$0x8500] =	vst v0  }
0xa4: {  	[tilespmem:s12+$0x8580] =	vst v0  }
0xa5: {  	[tilespmem:s12+$0x9200] =	vst v0  }
0xa6: {  	[tilespmem:s12+$0x9280] =	vst v0  }
0xa7: {  	[tilespmem:s12+$0x9300] =	vst v0  }
0xa8: {  	[tilespmem:s12+$0x9380] =	vst v0  }
0xa9: {  	[tilespmem:s12+$0x9400] =	vst v0  }
0xaa: {  	s14 =	sadd.s32 $0x80, s14;
	[tilespmem:s12+$0x9480] =	vst v0  }
0xab: {  	s15 =	sand.u32 $0x70, s13;
	s16 =	sand.u32 $0xC00, s14;
	[tilespmem:s12+$0x9500] =	vst v0  }
0xac: {  	[tilespmem:s12+$0x9580] =	vst v0;
	s12 =	sor.u32 s15, s16  }
0xad: {  	[tilespmem:s12+$0x5280] =	vst v0  }
.Ltmp2:
0xae: {  	[tilespmem:s12+$0x5300] =	vst v0;
	(pc) =	sbr.rel @p0 .LBB2_6-.Ltmp2, $4  }
0xaf: {  	[tilespmem:s12+$0x5380] =	vst v0  }
0xb0: {  	[tilespmem:s12+$0x5400] =	vst v0  }
0xb1: {  	[tilespmem:s12+$0x5480] =	vst v0  }
0xb2: {  	s15 =	sor.u32 s14, s13;
	s13 =	sadd.s32 $0x10, s13;
	[tilespmem:s12+$0x5500] =	vst v0  }
0xb3: {  	[tilespmem:s12+$0x5200] =	vst v0;
	s13 =	sor.u32 $0x380, s15  }
0xb4: {  	[tilespmem:s13+$0x5200] =	vst v0  }
0xb5: {  	[tilespmem:s12+$0x6200] =	vst v0  }
0xb6: {  	[tilespmem:s12+$0x6280] =	vst v0  }
0xb7: {  	[tilespmem:s12+$0x6300] =	vst v0  }
0xb8: {  	[tilespmem:s12+$0x6380] =	vst v0  }
0xb9: {  	[tilespmem:s12+$0x6400] =	vst v0  }
0xba: {  	[tilespmem:s12+$0x6480] =	vst v0  }
0xbb: {  	[tilespmem:s12+$0x6500] =	vst v0  }
0xbc: {  	[tilespmem:s12+$0x6580] =	vst v0  }
0xbd: {  	[tilespmem:s12+$0x7200] =	vst v0  }
0xbe: {  	[tilespmem:s12+$0x7280] =	vst v0  }
0xbf: {  	[tilespmem:s12+$0x7300] =	vst v0  }
0xc0: {  	[tilespmem:s12+$0x7380] =	vst v0  }
0xc1: {  	[tilespmem:s12+$0x7400] =	vst v0  }
0xc2: {  	[tilespmem:s12+$0x7480] =	vst v0  }
0xc3: {  	[tilespmem:s12+$0x7500] =	vst v0  }
0xc4: {  	[tilespmem:s12+$0x7580] =	vst v0  }
0xc5: {  	[tilespmem:s12+$0x8200] =	vst v0  }
0xc6: {  	[tilespmem:s12+$0x8280] =	vst v0  }
0xc7: {  	[tilespmem:s12+$0x8300] =	vst v0  }
0xc8: {  	[tilespmem:s12+$0x8380] =	vst v0  }
0xc9: {  	[tilespmem:s12+$0x8400] =	vst v0  }
0xca: {  	[tilespmem:s12+$0x8480] =	vst v0  }
0xcb: {  	[tilespmem:s12+$0x8500] =	vst v0  }
0xcc: {  	[tilespmem:s12+$0x8580] =	vst v0  }
0xcd: {  	[tilespmem:s12+$0x9200] =	vst v0  }
0xce: {  	[tilespmem:s12+$0x9280] =	vst v0  }
0xcf: {  	[tilespmem:s12+$0x9300] =	vst v0  }
0xd0: {  	[tilespmem:s12+$0x9380] =	vst v0  }
0xd1: {  	[tilespmem:s12+$0x9400] =	vst v0  }
0xd2: {  	[tilespmem:s12+$0x9480] =	vst v0  }
0xd3: {  	[tilespmem:s12+$0x9500] =	vst v0  }
0xd4: {  	[tilespmem:s12+$0x9580] =	vst v0  }
0xd5: {  	s13 =	simm.s32 $0x0;
	s12 =	simm.s32 $0x10;
	v3 =	vld [tilespmem:s11+$0x0]  }
.LBB2_8:
0xd6: {  	p0 =	sne.s32 s12, $0x1F0;
	_ =	sdelay $0x2  }
0xd7: {  	v4 =	vmov s11  }
0xd8: {  	v4 =	vshll.u32 v4, $0x3;
	v5 =	vshll.u32 v3, $0x9  }
0xd9: {  	v4 =	vand.u32 $0xC00, v4;
	v6 =	vshll.u32 v3, $0x7;
	v5 =	vand.u32 $0xFFFFF000, v5  }
0xda: {  	v7 =	vor.u32 s11, v1;
	s11 =	smov.u32 s12;
	v4 =	vor.u32 v4, v5;
	v5 =	vand.u32 $0x380, v6  }
0xdb: {  	v3 =	vadd.s32 $0xFFFFFFD8, v3;
	v6 =	vand.u32 $0x7F, v7;
	v4 =	vor.u32 v5, v4  }
0xdc: {  	vm0 =	vlt.u32 v3, $0x28;
	v3 =	vor.u32 v6, v4  }
0xdd: {  	v3 =	vadd.s32 $0xFFFFB000, v3;
	_ =	sdelay $0x1  }
.Ltmp3:
0xde: {  	(pc) =	sbr.rel @p0 .LBB2_8-.Ltmp3, $3  }
0xdf: {  	_ =	sdelay $0x1  }
0xe0: {  	s13 =	sadd.s32 $0x10, s13;
	[tilespmem:v3+s5+$0x0] =	vst.idx.msk vm0, v2  }
0xe1: {  	s12 =	sadd.s32 $0x10, s12;
	v3 =	vld [tilespmem:s13+$0x0]  }
0xe2: {  	_ =	sdelay $0x2  }
0xe3: {  	v4 =	vmov s11  }
0xe4: {  	v4 =	vshll.u32 v4, $0x3;
	v5 =	vshll.u32 v3, $0x9  }
0xe5: {  	v4 =	vand.u32 $0xC00, v4;
	v6 =	vshll.u32 v3, $0x7;
	v5 =	vand.u32 $0xFFFFF000, v5  }
0xe6: {  	v7 =	vor.u32 s11, v1;
	v62 =	vand.u32 $0x380, v6;
	v4 =	vor.u32 v4, v5  }
0xe7: {  	v63 =	vand.u32 $0x7F, v7;
	v3 =	vadd.s32 $0xFFFFFFD8, v3;
	v4 =	vor.u32 v62, v4  }
0xe8: {  	vm0 =	vlt.u32 v3, $0x28;
	v3 =	vor.u32 v63, v4  }
0xe9: {  	v3 =	vadd.s32 $0xFFFFB000, v3;
	_ =	sdelay $0x2  }
0xea: {  	s11 =	simm.s32 $0x0  }
0xeb: {  	s12 =	sand.u32 $0x70, s11;
	s13 =	sand.u32 $0xC00, s11  }
0xec: {  	s16 =	rddreg [dreg:$0x4];
	s12 =	sor.u32 s12, s13;
	[tilespmem:v3+s5+$0x0] =	vst.idx.msk vm0, v2  }
0xed: {  	[hbm4b:s16+s1] =	stream.strided.scatter [tilespmem:s5], [sflag:$0x2], $0x5000, s4, s1, $0x38;
	[tilespmem:$0xF200] =	vst v63  }
0xee: {  	[tilespmem:s12+$0xA280] =	vst v0  }
0xef: {  	[tilespmem:s12+$0xA300] =	vst v0  }
0xf0: {  	[tilespmem:s12+$0xA380] =	vst v0  }
0xf1: {  	[tilespmem:s12+$0xA400] =	vst v0  }
0xf2: {  	[tilespmem:s12+$0xA480] =	vst v0  }
0xf3: {  	s14 =	simm.s32 $0x0;
	s15 =	sor.u32 s11, s11;
	s13 =	simm.s32 $0x10;
	[tilespmem:s12+$0xA500] =	vst v0  }
.LBB2_10:
0xf4: {  	p0 =	sne.s32 s13, $0x1F0;
	[tilespmem:s12+$0xA200] =	vst v0;
	s15 =	sor.u32 $0x380, s15  }
0xf5: {  	[tilespmem:s15+$0xA200] =	vst v0  }
0xf6: {  	[tilespmem:s12+$0xB200] =	vst v0  }
0xf7: {  	[tilespmem:s12+$0xB280] =	vst v0  }
0xf8: {  	[tilespmem:s12+$0xB300] =	vst v0  }
0xf9: {  	[tilespmem:s12+$0xB380] =	vst v0  }
0xfa: {  	[tilespmem:s12+$0xB400] =	vst v0  }
0xfb: {  	[tilespmem:s12+$0xB480] =	vst v0  }
0xfc: {  	[tilespmem:s12+$0xB500] =	vst v0  }
0xfd: {  	[tilespmem:s12+$0xB580] =	vst v0  }
0xfe: {  	[tilespmem:s12+$0xC200] =	vst v0  }
0xff: {  	[tilespmem:s12+$0xC280] =	vst v0  }
0x100: {  	[tilespmem:s12+$0xC300] =	vst v0  }
0x101: {  	[tilespmem:s12+$0xC380] =	vst v0  }
0x102: {  	[tilespmem:s12+$0xC400] =	vst v0  }
0x103: {  	[tilespmem:s12+$0xC480] =	vst v0  }
0x104: {  	[tilespmem:s12+$0xC500] =	vst v0  }
0x105: {  	[tilespmem:s12+$0xC580] =	vst v0  }
0x106: {  	[tilespmem:s12+$0xD200] =	vst v0  }
0x107: {  	[tilespmem:s12+$0xD280] =	vst v0  }
0x108: {  	[tilespmem:s12+$0xD300] =	vst v0  }
0x109: {  	[tilespmem:s12+$0xD380] =	vst v0  }
0x10a: {  	[tilespmem:s12+$0xD400] =	vst v0  }
0x10b: {  	[tilespmem:s12+$0xD480] =	vst v0  }
0x10c: {  	[tilespmem:s12+$0xD500] =	vst v0  }
0x10d: {  	[tilespmem:s12+$0xD580] =	vst v0  }
0x10e: {  	[tilespmem:s12+$0xE200] =	vst v0  }
0x10f: {  	[tilespmem:s12+$0xE280] =	vst v0  }
0x110: {  	[tilespmem:s12+$0xE300] =	vst v0  }
0x111: {  	[tilespmem:s12+$0xE380] =	vst v0  }
0x112: {  	[tilespmem:s12+$0xE400] =	vst v0  }
0x113: {  	s14 =	sadd.s32 $0x80, s14;
	[tilespmem:s12+$0xE480] =	vst v0  }
0x114: {  	s15 =	sand.u32 $0x70, s13;
	s16 =	sand.u32 $0xC00, s14;
	[tilespmem:s12+$0xE500] =	vst v0  }
0x115: {  	[tilespmem:s12+$0xE580] =	vst v0;
	s12 =	sor.u32 s15, s16  }
0x116: {  	[tilespmem:s12+$0xA280] =	vst v0  }
.Ltmp4:
0x117: {  	[tilespmem:s12+$0xA300] =	vst v0;
	(pc) =	sbr.rel @p0 .LBB2_10-.Ltmp4, $4  }
0x118: {  	[tilespmem:s12+$0xA380] =	vst v0  }
0x119: {  	[tilespmem:s12+$0xA400] =	vst v0  }
0x11a: {  	[tilespmem:s12+$0xA480] =	vst v0  }
0x11b: {  	s15 =	sor.u32 s14, s13;
	s13 =	sadd.s32 $0x10, s13;
	[tilespmem:s12+$0xA500] =	vst v0  }
0x11c: {  	[tilespmem:s12+$0xA200] =	vst v0;
	s13 =	sor.u32 $0x380, s15  }
0x11d: {  	[tilespmem:s13+$0xA200] =	vst v0  }
0x11e: {  	[tilespmem:s12+$0xB200] =	vst v0  }
0x11f: {  	[tilespmem:s12+$0xB280] =	vst v0  }
0x120: {  	[tilespmem:s12+$0xB300] =	vst v0  }
0x121: {  	[tilespmem:s12+$0xB380] =	vst v0  }
0x122: {  	[tilespmem:s12+$0xB400] =	vst v0  }
0x123: {  	[tilespmem:s12+$0xB480] =	vst v0  }
0x124: {  	[tilespmem:s12+$0xB500] =	vst v0  }
0x125: {  	[tilespmem:s12+$0xB580] =	vst v0  }
0x126: {  	[tilespmem:s12+$0xC200] =	vst v0  }
0x127: {  	[tilespmem:s12+$0xC280] =	vst v0  }
0x128: {  	[tilespmem:s12+$0xC300] =	vst v0  }
0x129: {  	[tilespmem:s12+$0xC380] =	vst v0  }
0x12a: {  	[tilespmem:s12+$0xC400] =	vst v0  }
0x12b: {  	[tilespmem:s12+$0xC480] =	vst v0  }
0x12c: {  	[tilespmem:s12+$0xC500] =	vst v0  }
0x12d: {  	[tilespmem:s12+$0xC580] =	vst v0  }
0x12e: {  	[tilespmem:s12+$0xD200] =	vst v0  }
0x12f: {  	[tilespmem:s12+$0xD280] =	vst v0  }
0x130: {  	[tilespmem:s12+$0xD300] =	vst v0  }
0x131: {  	[tilespmem:s12+$0xD380] =	vst v0  }
0x132: {  	[tilespmem:s12+$0xD400] =	vst v0  }
0x133: {  	[tilespmem:s12+$0xD480] =	vst v0  }
0x134: {  	[tilespmem:s12+$0xD500] =	vst v0  }
0x135: {  	[tilespmem:s12+$0xD580] =	vst v0  }
0x136: {  	[tilespmem:s12+$0xE200] =	vst v0  }
0x137: {  	[tilespmem:s12+$0xE280] =	vst v0  }
0x138: {  	[tilespmem:s12+$0xE300] =	vst v0  }
0x139: {  	[tilespmem:s12+$0xE380] =	vst v0  }
0x13a: {  	[tilespmem:s12+$0xE400] =	vst v0  }
0x13b: {  	[tilespmem:s12+$0xE480] =	vst v0  }
0x13c: {  	[tilespmem:s12+$0xE500] =	vst v0  }
0x13d: {  	[tilespmem:s12+$0xE580] =	vst v0  }
0x13e: {  	s13 =	simm.s32 $0x0;
	s12 =	simm.s32 $0x10;
	v3 =	vld [tilespmem:s11+$0x0]  }
.LBB2_12:
0x13f: {  	p0 =	sne.s32 s12, $0x1F0;
	_ =	sdelay $0x2  }
0x140: {  	v4 =	vmov s11  }
0x141: {  	v4 =	vshll.u32 v4, $0x3;
	v5 =	vshll.u32 v3, $0x9  }
0x142: {  	v4 =	vand.u32 $0xC00, v4;
	v6 =	vshll.u32 v3, $0x7;
	v5 =	vand.u32 $0xFFFFF000, v5  }
0x143: {  	v7 =	vor.u32 s11, v1;
	s11 =	smov.u32 s12;
	v4 =	vor.u32 v4, v5;
	v5 =	vand.u32 $0x380, v6  }
0x144: {  	v3 =	vadd.s32 $0xFFFFFFB0, v3;
	v6 =	vand.u32 $0x7F, v7;
	v4 =	vor.u32 v5, v4  }
0x145: {  	vm0 =	vlt.u32 v3, $0x28;
	v3 =	vor.u32 v6, v4  }
0x146: {  	v3 =	vadd.s32 $0xFFFF6000, v3;
	_ =	sdelay $0x1  }
.Ltmp5:
0x147: {  	(pc) =	sbr.rel @p0 .LBB2_12-.Ltmp5, $3  }
0x148: {  	_ =	sdelay $0x1  }
0x149: {  	s13 =	sadd.s32 $0x10, s13;
	[tilespmem:v3+s6+$0x0] =	vst.idx.msk vm0, v2  }
0x14a: {  	s12 =	sadd.s32 $0x10, s12;
	v3 =	vld [tilespmem:s13+$0x0]  }
0x14b: {  	_ =	sdelay $0x2  }
0x14c: {  	v4 =	vmov s11  }
0x14d: {  	v4 =	vshll.u32 v4, $0x3;
	v5 =	vshll.u32 v3, $0x9  }
0x14e: {  	v4 =	vand.u32 $0xC00, v4;
	v6 =	vshll.u32 v3, $0x7;
	v5 =	vand.u32 $0xFFFFF000, v5  }
0x14f: {  	v7 =	vor.u32 s11, v1;
	v4 =	vor.u32 v4, v5;
	v5 =	vand.u32 $0x380, v6  }
0x150: {  	v61 =	vand.u32 $0x7F, v7;
	v3 =	vadd.s32 $0xFFFFFFB0, v3;
	v4 =	vor.u32 v5, v4  }
0x151: {  	vm0 =	vlt.u32 v3, $0x28;
	v3 =	vor.u32 v61, v4  }
0x152: {  	v3 =	vadd.s32 $0xFFFF6000, v3;
	_ =	sdelay $0x4  }
0x153: {  	s16 =	rddreg [dreg:$0x5];
	[tilespmem:v3+s6+$0x0] =	vst.idx.msk vm0, v2  }
0x154: {  	[hbm4b:s16+s1] =	stream.strided.scatter [tilespmem:s6], [sflag:$0x3], $0x5000, s4, s1, $0x38;
	[tilespmem:$0xF200] =	vst v63  }
0x155: {  	_ =	swait.ge [sflag:s7], $0x5000  }
0x156: {  	[sflag:s7] =	ssyncset.done $0x0  }
0x157: {  	s11 =	simm.s32 $0x0;
	[sflag:s7] =	ssyncadd.s32 $0xFFFFB000  }
0x158: {  	v3 =	vld [tilespmem:s11+$0x0];
	_ =	sdelay $0x2  }
0x159: {  	v5 =	vor.u32 s11, v1;
	v4 =	vmov s11  }
0x15a: {  	v5 =	vand.u32 $0x7F, v5;
	v4 =	vshll.u32 v4, $0x3  }
0x15b: {  	v4 =	vand.u32 $0xC00, v4;
	v62 =	vshll.u32 v3, $0x7;
	v63 =	vshll.u32 v3, $0x9  }
0x15c: {  	v8 =	vor.u32 v4, v5;
	v6 =	vand.u32 $0x380, v62;
	v7 =	vand.u32 $0xFFFFF000, v63  }
0x15d: {  	vm1 =	vlt.u32 v3, $0x28;
	v8 =	vor.u32 v6, v8;
	v6 =	vor.u32 v6, v7  }
0x15e: {  	v3 =	vadd.s32 $0xFFFFFF88, v3;
	v8 =	vor.u32 v7, v8;
	v4 =	vor.u32 v4, v6  }
0x15f: {  	vm0 =	vlt.u32 v3, $0x28;
	v4 =	vor.u32 v5, v4  }
0x160: {  	v3 =	vadd.s32 $0xFFFF1000, v4;
	_ =	sdelay $0x2  }
0x161: {  	s12 =	simm.s32 $0x10;
	[tilespmem:v8+s0+$0x0] =	vst.idx.msk vm1, v0  }
.LBB2_14:
0x162: {  	p0 =	sne.s32 s12, $0x1F0  }
0x163: {  	[tilespmem:v3+s0+$0x0] =	vst.idx.msk vm0, v2;
	s11 =	sadd.s32 $0x10, s11;
	s13 =	smov.u32 s12;
	s12 =	sadd.s32 $0x10, s12  }
0x164: {  	v3 =	vld [tilespmem:s11+$0x0];
	_ =	sdelay $0x2  }
0x165: {  	v4 =	vmov s13  }
0x166: {  	v5 =	vor.u32 s13, v1;
	v4 =	vshll.u32 v4, $0x3  }
0x167: {  	v5 =	vand.u32 $0x7F, v5;
	v6 =	vshll.u32 v3, $0x9;
	v7 =	vshll.u32 v3, $0x7  }
0x168: {  	v4 =	vand.u32 $0xC00, v4;
	v6 =	vand.u32 $0xFFFFF000, v6;
	v7 =	vand.u32 $0x380, v7  }
0x169: {  	v8 =	vor.u32 v4, v5;
	vm1 =	vlt.u32 v3, $0x28;
	v9 =	vor.u32 v7, v6  }
0x16a: {  	v3 =	vadd.s32 $0xFFFFFF88, v3;
	v7 =	vor.u32 v7, v8;
	v4 =	vor.u32 v4, v9  }
0x16b: {  	vm0 =	vlt.u32 v3, $0x28;
	v6 =	vor.u32 v6, v7;
	v3 =	vor.u32 v5, v4  }
.Ltmp6:
0x16c: {  	v3 =	vadd.s32 $0xFFFF1000, v3;
	(pc) =	sbr.rel @p0 .LBB2_14-.Ltmp6, $2  }
0x16d: {  	_ =	sdelay $0x2  }
0x16e: {  	[tilespmem:v6+s0+$0x0] =	vst.idx.msk vm1, v0  }
0x16f: {  	_ =	sdelay $0x4  }
0x170: {  	[tilespmem:v3+s0+$0x0] =	vst.idx.msk vm0, v2;
	s11 =	rddreg [dreg:$0x6]  }
0x171: {  	[hbm4b:s11+s1] =	stream.strided.scatter [tilespmem:s0], [sflag:$0x1], $0x5000, s4, s1, $0x38;
	[tilespmem:$0xF200] =	vst v63  }
0x172: {  	_ =	swait.ge [sflag:s8], $0x5000  }
0x173: {  	[sflag:s8] =	ssyncset.done $0x0  }
0x174: {  	s11 =	simm.s32 $0x0;
	[sflag:s8] =	ssyncadd.s32 $0xFFFFB000  }
0x175: {  	v3 =	vld [tilespmem:s11+$0x0]  }
0x176: {  	s12 =	simm.s32 $0x10;
	s13 =	simm.s32 $0x0  }
.LBB2_16:
0x177: {  	p0 =	sne.s32 s12, $0x1F0;
	_ =	sdelay $0x1  }
0x178: {  	v4 =	vmov s11  }
0x179: {  	v5 =	vshll.u32 v3, $0x9;
	v6 =	vshll.u32 v3, $0x7;
	v7 =	vadd.s32 $0xFFFFFF60, v3  }
0x17a: {  	v4 =	vshll.u32 v4, $0x3;
	v5 =	vand.u32 $0xFFFFF000, v5;
	v6 =	vand.u32 $0x380, v6  }
0x17b: {  	v8 =	vor.u32 s11, v1;
	s11 =	smov.u32 s12;
	v4 =	vand.u32 $0xC00, v4;
	v5 =	vor.u32 v6, v5  }
0x17c: {  	v3 =	vadd.s32 $0xFFFFFFD8, v3;
	v6 =	vand.u32 $0x7F, v8;
	v4 =	vor.u32 v4, v5  }
0x17d: {  	vm0 =	vlt.u32 v3, $0x28;
	v3 =	vor.u32 v6, v4  }
0x17e: {  	vm1 =	vlt.u32 v7, $0x28;
	v4 =	vadd.s32 $0xFFFFB000, v3;
	v3 =	vadd.s32 $0xFFFEC000, v3;
	_ =	sdelay $0x3  }
.Ltmp7:
0x17f: {  	(pc) =	sbr.rel @p0 .LBB2_16-.Ltmp7, $4  }
0x180: {  	[tilespmem:v4+s5+$0x0] =	vst.idx.msk vm0, v0  }
0x181: {  	s13 =	sadd.s32 $0x10, s13;
	[tilespmem:v3+s5+$0x0] =	vst.idx.msk vm1, v2  }
0x182: {  	v3 =	vld [tilespmem:s13+$0x0]  }
0x183: {  	s12 =	sadd.s32 $0x10, s12  }
0x184: {  	_ =	sdelay $0x2  }
0x185: {  	v4 =	vmov s11;
	v5 =	vshll.u32 v3, $0x9;
	v6 =	vshll.u32 v3, $0x7  }
0x186: {  	v4 =	vshll.u32 v4, $0x3;
	v5 =	vand.u32 $0xFFFFF000, v5;
	v6 =	vand.u32 $0x380, v6  }
0x187: {  	v7 =	vor.u32 s11, v1;
	v4 =	vand.u32 $0xC00, v4;
	v5 =	vor.u32 v6, v5  }
0x188: {  	v7 =	vand.u32 $0x7F, v7;
	v63 =	vadd.s32 $0xFFFFFFD8, v3;
	v4 =	vor.u32 v4, v5  }
0x189: {  	v3 =	vadd.s32 $0xFFFFFF60, v3;
	vm0 =	vlt.u32 v63, $0x28;
	v4 =	vor.u32 v7, v4  }
0x18a: {  	vm1 =	vlt.u32 v3, $0x28;
	v5 =	vadd.s32 $0xFFFFB000, v4  }
0x18b: {  	v3 =	vadd.s32 $0xFFFEC000, v4;
	_ =	sdelay $0x3  }
0x18c: {  	[tilespmem:v5+s5+$0x0] =	vst.idx.msk vm0, v0  }
0x18d: {  	s16 =	rddreg [dreg:$0x7];
	[tilespmem:v3+s5+$0x0] =	vst.idx.msk vm1, v2  }
0x18e: {  	[hbm4b:s16+s1] =	stream.strided.scatter [tilespmem:s5], [sflag:$0x2], $0x5000, s4, s1, $0x38;
	[tilespmem:$0xF200] =	vst v63  }
0x18f: {  	_ =	swait.ge [sflag:s9], $0x5000  }
0x190: {  	[sflag:s9] =	ssyncset.done $0x0  }
0x191: {  	s11 =	simm.s32 $0x0;
	[sflag:s9] =	ssyncadd.s32 $0xFFFFB000  }
0x192: {  	v3 =	vld [tilespmem:s11+$0x0]  }
0x193: {  	s12 =	simm.s32 $0x10;
	s13 =	simm.s32 $0x0  }
.LBB2_18:
0x194: {  	p0 =	sne.s32 s12, $0x1F0;
	_ =	sdelay $0x1  }
0x195: {  	v4 =	vmov s11  }
0x196: {  	v5 =	vshll.u32 v3, $0x9;
	v6 =	vshll.u32 v3, $0x7;
	v7 =	vadd.s32 $0xFFFFFF38, v3  }
0x197: {  	v4 =	vshll.u32 v4, $0x3;
	v5 =	vand.u32 $0xFFFFF000, v5;
	v6 =	vand.u32 $0x380, v6  }
0x198: {  	v8 =	vor.u32 s11, v1;
	s11 =	smov.u32 s12;
	v4 =	vand.u32 $0xC00, v4;
	v5 =	vor.u32 v6, v5  }
0x199: {  	v3 =	vadd.s32 $0xFFFFFFB0, v3;
	v6 =	vand.u32 $0x7F, v8;
	v4 =	vor.u32 v4, v5  }
0x19a: {  	vm0 =	vlt.u32 v3, $0x28;
	v3 =	vor.u32 v6, v4  }
0x19b: {  	vm1 =	vlt.u32 v7, $0x28;
	v4 =	vadd.s32 $0xFFFF6000, v3;
	v3 =	vadd.s32 $0xFFFE7000, v3;
	_ =	sdelay $0x3  }
.Ltmp8:
0x19c: {  	(pc) =	sbr.rel @p0 .LBB2_18-.Ltmp8, $4  }
0x19d: {  	[tilespmem:v4+s6+$0x0] =	vst.idx.msk vm0, v0  }
0x19e: {  	s13 =	sadd.s32 $0x10, s13;
	[tilespmem:v3+s6+$0x0] =	vst.idx.msk vm1, v2  }
0x19f: {  	v3 =	vld [tilespmem:s13+$0x0]  }
0x1a0: {  	s12 =	sadd.s32 $0x10, s12  }
0x1a1: {  	_ =	sdelay $0x2  }
0x1a2: {  	v4 =	vmov s11;
	v5 =	vshll.u32 v3, $0x9;
	v6 =	vshll.u32 v3, $0x7  }
0x1a3: {  	v4 =	vshll.u32 v4, $0x3;
	v5 =	vand.u32 $0xFFFFF000, v5;
	v6 =	vand.u32 $0x380, v6  }
0x1a4: {  	v7 =	vor.u32 s11, v1;
	v4 =	vand.u32 $0xC00, v4;
	v5 =	vor.u32 v6, v5  }
0x1a5: {  	v7 =	vand.u32 $0x7F, v7;
	v63 =	vadd.s32 $0xFFFFFFB0, v3;
	v4 =	vor.u32 v4, v5  }
0x1a6: {  	v3 =	vadd.s32 $0xFFFFFF38, v3;
	vm0 =	vlt.u32 v63, $0x28;
	v4 =	vor.u32 v7, v4  }
0x1a7: {  	vm1 =	vlt.u32 v3, $0x28;
	v5 =	vadd.s32 $0xFFFF6000, v4  }
0x1a8: {  	v3 =	vadd.s32 $0xFFFE7000, v4;
	_ =	sdelay $0x3  }
0x1a9: {  	[tilespmem:v5+s6+$0x0] =	vst.idx.msk vm0, v0  }
0x1aa: {  	s16 =	rddreg [dreg:$0x8];
	[tilespmem:v3+s6+$0x0] =	vst.idx.msk vm1, v2  }
0x1ab: {  	[hbm4b:s16+s1] =	stream.strided.scatter [tilespmem:s6], [sflag:$0x3], $0x5000, s4, s1, $0x38;
	[tilespmem:$0xF200] =	vst v63  }
0x1ac: {  	_ =	swait.ge [sflag:s7], $0x5000  }
0x1ad: {  	[sflag:s7] =	ssyncset.done $0x0  }
0x1ae: {  	s11 =	simm.s32 $0x0;
	[sflag:s7] =	ssyncadd.s32 $0xFFFFB000  }
0x1af: {  	v3 =	vld [tilespmem:s11+$0x0]  }
0x1b0: {  	s12 =	simm.s32 $0x10;
	s13 =	simm.s32 $0x0  }
.LBB2_20:
0x1b1: {  	p0 =	sne.s32 s12, $0x1F0;
	_ =	sdelay $0x1  }
0x1b2: {  	v4 =	vmov s11  }
0x1b3: {  	v5 =	vshll.u32 v3, $0x9;
	v6 =	vshll.u32 v3, $0x7;
	v7 =	vadd.s32 $0xFFFFFF10, v3  }
0x1b4: {  	v4 =	vshll.u32 v4, $0x3;
	v5 =	vand.u32 $0xFFFFF000, v5;
	v6 =	vand.u32 $0x380, v6  }
0x1b5: {  	v8 =	vor.u32 s11, v1;
	s11 =	smov.u32 s12;
	v4 =	vand.u32 $0xC00, v4;
	v5 =	vor.u32 v6, v5  }
0x1b6: {  	v3 =	vadd.s32 $0xFFFFFF88, v3;
	v6 =	vand.u32 $0x7F, v8;
	v4 =	vor.u32 v4, v5  }
0x1b7: {  	vm0 =	vlt.u32 v3, $0x28;
	v3 =	vor.u32 v6, v4  }
0x1b8: {  	vm1 =	vlt.u32 v7, $0x28;
	v4 =	vadd.s32 $0xFFFF1000, v3;
	v3 =	vadd.s32 $0xFFFE2000, v3;
	_ =	sdelay $0x3  }
.Ltmp9:
0x1b9: {  	(pc) =	sbr.rel @p0 .LBB2_20-.Ltmp9, $4  }
0x1ba: {  	[tilespmem:v4+s0+$0x0] =	vst.idx.msk vm0, v0  }
0x1bb: {  	s13 =	sadd.s32 $0x10, s13;
	[tilespmem:v3+s0+$0x0] =	vst.idx.msk vm1, v2  }
0x1bc: {  	v3 =	vld [tilespmem:s13+$0x0]  }
0x1bd: {  	s12 =	sadd.s32 $0x10, s12  }
0x1be: {  	_ =	sdelay $0x2  }
0x1bf: {  	v4 =	vmov s11;
	v5 =	vshll.u32 v3, $0x9;
	v6 =	vshll.u32 v3, $0x7  }
0x1c0: {  	v4 =	vshll.u32 v4, $0x3;
	v5 =	vand.u32 $0xFFFFF000, v5;
	v6 =	vand.u32 $0x380, v6  }
0x1c1: {  	v7 =	vor.u32 s11, v1;
	v4 =	vand.u32 $0xC00, v4;
	v5 =	vor.u32 v6, v5  }
0x1c2: {  	v7 =	vand.u32 $0x7F, v7;
	v63 =	vadd.s32 $0xFFFFFF88, v3;
	v4 =	vor.u32 v4, v5  }
0x1c3: {  	v3 =	vadd.s32 $0xFFFFFF10, v3;
	vm0 =	vlt.u32 v63, $0x28;
	v4 =	vor.u32 v7, v4  }
0x1c4: {  	vm1 =	vlt.u32 v3, $0x28;
	v5 =	vadd.s32 $0xFFFF1000, v4  }
0x1c5: {  	v3 =	vadd.s32 $0xFFFE2000, v4;
	_ =	sdelay $0x3  }
0x1c6: {  	[tilespmem:v5+s0+$0x0] =	vst.idx.msk vm0, v0  }
0x1c7: {  	s16 =	rddreg [dreg:$0x9];
	[tilespmem:v3+s0+$0x0] =	vst.idx.msk vm1, v2  }
0x1c8: {  	[hbm4b:s16+s1] =	stream.strided.scatter [tilespmem:s0], [sflag:$0x1], $0x5000, s4, s1, $0x38;
	[tilespmem:$0xF200] =	vst v63  }
0x1c9: {  	_ =	swait.ge [sflag:s8], $0x5000  }
0x1ca: {  	[sflag:s8] =	ssyncset.done $0x0  }
0x1cb: {  	s11 =	simm.s32 $0x0;
	[sflag:s8] =	ssyncadd.s32 $0xFFFFB000  }
0x1cc: {  	v3 =	vld [tilespmem:s11+$0x0]  }
0x1cd: {  	s12 =	simm.s32 $0x10;
	s13 =	simm.s32 $0x0  }
.LBB2_22:
0x1ce: {  	p0 =	sne.s32 s12, $0x1F0;
	_ =	sdelay $0x1  }
0x1cf: {  	v4 =	vmov s11  }
0x1d0: {  	v5 =	vshll.u32 v3, $0x9;
	v6 =	vshll.u32 v3, $0x7;
	v7 =	vadd.s32 $0xFFFFFEE8, v3  }
0x1d1: {  	v4 =	vshll.u32 v4, $0x3;
	v5 =	vand.u32 $0xFFFFF000, v5;
	v6 =	vand.u32 $0x380, v6  }
0x1d2: {  	v8 =	vor.u32 s11, v1;
	s11 =	smov.u32 s12;
	v4 =	vand.u32 $0xC00, v4;
	v5 =	vor.u32 v6, v5  }
0x1d3: {  	v3 =	vadd.s32 $0xFFFFFF60, v3;
	v6 =	vand.u32 $0x7F, v8;
	v4 =	vor.u32 v4, v5  }
0x1d4: {  	vm0 =	vlt.u32 v3, $0x28;
	v3 =	vor.u32 v6, v4  }
0x1d5: {  	vm1 =	vlt.u32 v7, $0x28;
	v4 =	vadd.s32 $0xFFFEC000, v3;
	v3 =	vadd.s32 $0xFFFDD000, v3;
	_ =	sdelay $0x3  }
.Ltmp10:
0x1d6: {  	(pc) =	sbr.rel @p0 .LBB2_22-.Ltmp10, $4  }
0x1d7: {  	[tilespmem:v4+s5+$0x0] =	vst.idx.msk vm0, v0  }
0x1d8: {  	s13 =	sadd.s32 $0x10, s13;
	[tilespmem:v3+s5+$0x0] =	vst.idx.msk vm1, v2  }
0x1d9: {  	v3 =	vld [tilespmem:s13+$0x0]  }
0x1da: {  	s12 =	sadd.s32 $0x10, s12  }
0x1db: {  	_ =	sdelay $0x2  }
0x1dc: {  	v4 =	vmov s11;
	v5 =	vshll.u32 v3, $0x9;
	v6 =	vshll.u32 v3, $0x7  }
0x1dd: {  	v4 =	vshll.u32 v4, $0x3;
	v5 =	vand.u32 $0xFFFFF000, v5;
	v6 =	vand.u32 $0x380, v6  }
0x1de: {  	v7 =	vor.u32 s11, v1;
	v4 =	vand.u32 $0xC00, v4;
	v5 =	vor.u32 v6, v5  }
0x1df: {  	v7 =	vand.u32 $0x7F, v7;
	v63 =	vadd.s32 $0xFFFFFF60, v3;
	v4 =	vor.u32 v4, v5  }
0x1e0: {  	v3 =	vadd.s32 $0xFFFFFEE8, v3;
	vm0 =	vlt.u32 v63, $0x28;
	v4 =	vor.u32 v7, v4  }
0x1e1: {  	vm1 =	vlt.u32 v3, $0x28;
	v5 =	vadd.s32 $0xFFFEC000, v4  }
0x1e2: {  	v3 =	vadd.s32 $0xFFFDD000, v4;
	_ =	sdelay $0x3  }
0x1e3: {  	[tilespmem:v5+s5+$0x0] =	vst.idx.msk vm0, v0  }
0x1e4: {  	s16 =	rddreg [dreg:$0xa];
	[tilespmem:v3+s5+$0x0] =	vst.idx.msk vm1, v2  }
0x1e5: {  	[hbm4b:s16+s1] =	stream.strided.scatter [tilespmem:s5], [sflag:$0x2], $0x5000, s4, s1, $0x38;
	[tilespmem:$0xF200] =	vst v63  }
0x1e6: {  	_ =	swait.ge [sflag:s9], $0x5000  }
0x1e7: {  	[sflag:s9] =	ssyncset.done $0x0  }
0x1e8: {  	s11 =	simm.s32 $0x0;
	[sflag:s9] =	ssyncadd.s32 $0xFFFFB000  }
0x1e9: {  	v3 =	vld [tilespmem:s11+$0x0]  }
0x1ea: {  	s12 =	simm.s32 $0x10;
	s13 =	simm.s32 $0x0  }
.LBB2_24:
0x1eb: {  	p0 =	sne.s32 s12, $0x1F0;
	_ =	sdelay $0x1  }
0x1ec: {  	v4 =	vmov s11  }
0x1ed: {  	v5 =	vshll.u32 v3, $0x9;
	v6 =	vshll.u32 v3, $0x7;
	v7 =	vadd.s32 $0xFFFFFEC0, v3  }
0x1ee: {  	v4 =	vshll.u32 v4, $0x3;
	v5 =	vand.u32 $0xFFFFF000, v5;
	v6 =	vand.u32 $0x380, v6  }
0x1ef: {  	v8 =	vor.u32 s11, v1;
	s11 =	smov.u32 s12;
	v4 =	vand.u32 $0xC00, v4;
	v5 =	vor.u32 v6, v5  }
0x1f0: {  	v3 =	vadd.s32 $0xFFFFFF38, v3;
	v6 =	vand.u32 $0x7F, v8;
	v4 =	vor.u32 v4, v5  }
0x1f1: {  	vm0 =	vlt.u32 v3, $0x28;
	v3 =	vor.u32 v6, v4  }
0x1f2: {  	vm1 =	vlt.u32 v7, $0x28;
	v4 =	vadd.s32 $0xFFFE7000, v3;
	v3 =	vadd.s32 $0xFFFD8000, v3;
	_ =	sdelay $0x3  }
.Ltmp11:
0x1f3: {  	(pc) =	sbr.rel @p0 .LBB2_24-.Ltmp11, $4  }
0x1f4: {  	[tilespmem:v4+s6+$0x0] =	vst.idx.msk vm0, v0  }
0x1f5: {  	s13 =	sadd.s32 $0x10, s13;
	[tilespmem:v3+s6+$0x0] =	vst.idx.msk vm1, v2  }
0x1f6: {  	v3 =	vld [tilespmem:s13+$0x0]  }
0x1f7: {  	s12 =	sadd.s32 $0x10, s12  }
0x1f8: {  	_ =	sdelay $0x2  }
0x1f9: {  	v4 =	vmov s11;
	v5 =	vshll.u32 v3, $0x9;
	v6 =	vshll.u32 v3, $0x7  }
0x1fa: {  	v4 =	vshll.u32 v4, $0x3;
	v5 =	vand.u32 $0xFFFFF000, v5;
	v6 =	vand.u32 $0x380, v6  }
0x1fb: {  	v7 =	vor.u32 s11, v1;
	v4 =	vand.u32 $0xC00, v4;
	v5 =	vor.u32 v6, v5  }
0x1fc: {  	v7 =	vand.u32 $0x7F, v7;
	v63 =	vadd.s32 $0xFFFFFF38, v3;
	v4 =	vor.u32 v4, v5  }
0x1fd: {  	v3 =	vadd.s32 $0xFFFFFEC0, v3;
	vm0 =	vlt.u32 v63, $0x28;
	v4 =	vor.u32 v7, v4  }
0x1fe: {  	vm1 =	vlt.u32 v3, $0x28;
	v5 =	vadd.s32 $0xFFFE7000, v4  }
0x1ff: {  	v3 =	vadd.s32 $0xFFFD8000, v4;
	_ =	sdelay $0x3  }
0x200: {  	[tilespmem:v5+s6+$0x0] =	vst.idx.msk vm0, v0  }
0x201: {  	s16 =	rddreg [dreg:$0xb];
	[tilespmem:v3+s6+$0x0] =	vst.idx.msk vm1, v2  }
0x202: {  	[hbm4b:s16+s1] =	stream.strided.scatter [tilespmem:s6], [sflag:$0x3], $0x5000, s4, s1, $0x38;
	[tilespmem:$0xF200] =	vst v63  }
0x203: {  	_ =	swait.ge [sflag:s7], $0x5000  }
0x204: {  	[sflag:s7] =	ssyncset.done $0x0  }
0x205: {  	s11 =	simm.s32 $0x0;
	[sflag:s7] =	ssyncadd.s32 $0xFFFFB000  }
0x206: {  	v3 =	vld [tilespmem:s11+$0x0]  }
0x207: {  	s12 =	simm.s32 $0x10;
	s13 =	simm.s32 $0x0  }
.LBB2_26:
0x208: {  	p0 =	sne.s32 s12, $0x1F0;
	_ =	sdelay $0x1  }
0x209: {  	v4 =	vmov s11  }
0x20a: {  	v5 =	vshll.u32 v3, $0x9;
	v6 =	vshll.u32 v3, $0x7;
	v7 =	vadd.s32 $0xFFFFFE98, v3  }
0x20b: {  	v4 =	vshll.u32 v4, $0x3;
	v5 =	vand.u32 $0xFFFFF000, v5;
	v6 =	vand.u32 $0x380, v6  }
0x20c: {  	v8 =	vor.u32 s11, v1;
	s11 =	smov.u32 s12;
	v4 =	vand.u32 $0xC00, v4;
	v5 =	vor.u32 v6, v5  }
0x20d: {  	v3 =	vadd.s32 $0xFFFFFF10, v3;
	v6 =	vand.u32 $0x7F, v8;
	v4 =	vor.u32 v4, v5  }
0x20e: {  	vm0 =	vlt.u32 v3, $0x28;
	v3 =	vor.u32 v6, v4  }
0x20f: {  	vm1 =	vlt.u32 v7, $0x28;
	v4 =	vadd.s32 $0xFFFE2000, v3;
	v3 =	vadd.s32 $0xFFFD3000, v3;
	_ =	sdelay $0x3  }
.Ltmp12:
0x210: {  	(pc) =	sbr.rel @p0 .LBB2_26-.Ltmp12, $4  }
0x211: {  	[tilespmem:v4+s0+$0x0] =	vst.idx.msk vm0, v0  }
0x212: {  	s13 =	sadd.s32 $0x10, s13;
	[tilespmem:v3+s0+$0x0] =	vst.idx.msk vm1, v2  }
0x213: {  	v3 =	vld [tilespmem:s13+$0x0]  }
0x214: {  	s12 =	sadd.s32 $0x10, s12  }
0x215: {  	_ =	sdelay $0x2  }
0x216: {  	v4 =	vmov s11;
	v5 =	vshll.u32 v3, $0x9;
	v6 =	vshll.u32 v3, $0x7  }
0x217: {  	v4 =	vshll.u32 v4, $0x3;
	v5 =	vand.u32 $0xFFFFF000, v5;
	v6 =	vand.u32 $0x380, v6  }
0x218: {  	v7 =	vor.u32 s11, v1;
	v4 =	vand.u32 $0xC00, v4;
	v5 =	vor.u32 v6, v5  }
0x219: {  	v7 =	vand.u32 $0x7F, v7;
	v63 =	vadd.s32 $0xFFFFFF10, v3;
	v4 =	vor.u32 v4, v5  }
0x21a: {  	v3 =	vadd.s32 $0xFFFFFE98, v3;
	vm0 =	vlt.u32 v63, $0x28;
	v4 =	vor.u32 v7, v4  }
0x21b: {  	vm1 =	vlt.u32 v3, $0x28;
	v5 =	vadd.s32 $0xFFFE2000, v4  }
0x21c: {  	v3 =	vadd.s32 $0xFFFD3000, v4;
	_ =	sdelay $0x3  }
0x21d: {  	[tilespmem:v5+s0+$0x0] =	vst.idx.msk vm0, v0  }
0x21e: {  	s16 =	rddreg [dreg:$0xc];
	[tilespmem:v3+s0+$0x0] =	vst.idx.msk vm1, v2  }
0x21f: {  	[hbm4b:s16+s1] =	stream.strided.scatter [tilespmem:s0], [sflag:$0x1], $0x5000, s4, s1, $0x38;
	[tilespmem:$0xF200] =	vst v63  }
0x220: {  	_ =	swait.ge [sflag:s8], $0x5000  }
0x221: {  	[sflag:s8] =	ssyncset.done $0x0  }
0x222: {  	s11 =	simm.s32 $0x0;
	[sflag:s8] =	ssyncadd.s32 $0xFFFFB000  }
0x223: {  	v3 =	vld [tilespmem:s11+$0x0]  }
0x224: {  	s12 =	simm.s32 $0x10;
	s13 =	simm.s32 $0x0  }
.LBB2_28:
0x225: {  	p0 =	sne.s32 s12, $0x1F0;
	_ =	sdelay $0x1  }
0x226: {  	v4 =	vmov s11  }
0x227: {  	v5 =	vshll.u32 v3, $0x9;
	v6 =	vshll.u32 v3, $0x7;
	v7 =	vadd.s32 $0xFFFFFE70, v3  }
0x228: {  	v4 =	vshll.u32 v4, $0x3;
	v5 =	vand.u32 $0xFFFFF000, v5;
	v6 =	vand.u32 $0x380, v6  }
0x229: {  	v8 =	vor.u32 s11, v1;
	s11 =	smov.u32 s12;
	v4 =	vand.u32 $0xC00, v4;
	v5 =	vor.u32 v6, v5  }
0x22a: {  	v3 =	vadd.s32 $0xFFFFFEE8, v3;
	v6 =	vand.u32 $0x7F, v8;
	v4 =	vor.u32 v4, v5  }
0x22b: {  	vm0 =	vlt.u32 v3, $0x28;
	v3 =	vor.u32 v6, v4  }
0x22c: {  	vm1 =	vlt.u32 v7, $0x28;
	v4 =	vadd.s32 $0xFFFDD000, v3;
	v3 =	vadd.s32 $0xFFFCE000, v3;
	_ =	sdelay $0x3  }
.Ltmp13:
0x22d: {  	(pc) =	sbr.rel @p0 .LBB2_28-.Ltmp13, $4  }
0x22e: {  	[tilespmem:v4+s5+$0x0] =	vst.idx.msk vm0, v0  }
0x22f: {  	s13 =	sadd.s32 $0x10, s13;
	[tilespmem:v3+s5+$0x0] =	vst.idx.msk vm1, v2  }
0x230: {  	v3 =	vld [tilespmem:s13+$0x0]  }
0x231: {  	s12 =	sadd.s32 $0x10, s12  }
0x232: {  	_ =	sdelay $0x2  }
0x233: {  	v4 =	vmov s11;
	v5 =	vshll.u32 v3, $0x9;
	v6 =	vshll.u32 v3, $0x7  }
0x234: {  	v4 =	vshll.u32 v4, $0x3;
	v5 =	vand.u32 $0xFFFFF000, v5;
	v6 =	vand.u32 $0x380, v6  }
0x235: {  	v7 =	vor.u32 s11, v1;
	v4 =	vand.u32 $0xC00, v4;
	v5 =	vor.u32 v6, v5  }
0x236: {  	v7 =	vand.u32 $0x7F, v7;
	v63 =	vadd.s32 $0xFFFFFEE8, v3;
	v4 =	vor.u32 v4, v5  }
0x237: {  	v3 =	vadd.s32 $0xFFFFFE70, v3;
	vm0 =	vlt.u32 v63, $0x28;
	v4 =	vor.u32 v7, v4  }
0x238: {  	vm1 =	vlt.u32 v3, $0x28;
	v5 =	vadd.s32 $0xFFFDD000, v4  }
0x239: {  	v3 =	vadd.s32 $0xFFFCE000, v4;
	_ =	sdelay $0x3  }
0x23a: {  	[tilespmem:v5+s5+$0x0] =	vst.idx.msk vm0, v0  }
0x23b: {  	s16 =	rddreg [dreg:$0xd];
	[tilespmem:v3+s5+$0x0] =	vst.idx.msk vm1, v2  }
0x23c: {  	[hbm4b:s16+s1] =	stream.strided.scatter [tilespmem:s5], [sflag:$0x2], $0x5000, s4, s1, $0x38;
	[tilespmem:$0xF200] =	vst v63  }
0x23d: {  	_ =	swait.ge [sflag:s9], $0x5000  }
0x23e: {  	[sflag:s9] =	ssyncset.done $0x0  }
0x23f: {  	s11 =	simm.s32 $0x0;
	[sflag:s9] =	ssyncadd.s32 $0xFFFFB000  }
0x240: {  	v3 =	vld [tilespmem:s11+$0x0]  }
0x241: {  	s12 =	simm.s32 $0x10;
	s13 =	simm.s32 $0x0  }
.LBB2_30:
0x242: {  	p0 =	sne.s32 s12, $0x1F0;
	_ =	sdelay $0x1  }
0x243: {  	v4 =	vmov s11  }
0x244: {  	v5 =	vshll.u32 v3, $0x9;
	v6 =	vshll.u32 v3, $0x7;
	v7 =	vadd.s32 $0xFFFFFE48, v3  }
0x245: {  	v4 =	vshll.u32 v4, $0x3;
	v5 =	vand.u32 $0xFFFFF000, v5;
	v6 =	vand.u32 $0x380, v6  }
0x246: {  	v8 =	vor.u32 s11, v1;
	s11 =	smov.u32 s12;
	v4 =	vand.u32 $0xC00, v4;
	v5 =	vor.u32 v6, v5  }
0x247: {  	v3 =	vadd.s32 $0xFFFFFEC0, v3;
	v6 =	vand.u32 $0x7F, v8;
	v4 =	vor.u32 v4, v5  }
0x248: {  	vm0 =	vlt.u32 v3, $0x28;
	v3 =	vor.u32 v6, v4  }
0x249: {  	vm1 =	vlt.u32 v7, $0x28;
	v4 =	vadd.s32 $0xFFFD8000, v3;
	v3 =	vadd.s32 $0xFFFC9000, v3;
	_ =	sdelay $0x3  }
.Ltmp14:
0x24a: {  	(pc) =	sbr.rel @p0 .LBB2_30-.Ltmp14, $4  }
0x24b: {  	[tilespmem:v4+s6+$0x0] =	vst.idx.msk vm0, v0  }
0x24c: {  	s13 =	sadd.s32 $0x10, s13;
	[tilespmem:v3+s6+$0x0] =	vst.idx.msk vm1, v2  }
0x24d: {  	v3 =	vld [tilespmem:s13+$0x0]  }
0x24e: {  	s12 =	sadd.s32 $0x10, s12  }
0x24f: {  	_ =	sdelay $0x2  }
0x250: {  	v4 =	vmov s11;
	v5 =	vshll.u32 v3, $0x9;
	v6 =	vshll.u32 v3, $0x7  }
0x251: {  	v4 =	vshll.u32 v4, $0x3;
	v5 =	vand.u32 $0xFFFFF000, v5;
	v6 =	vand.u32 $0x380, v6  }
0x252: {  	v7 =	vor.u32 s11, v1;
	v4 =	vand.u32 $0xC00, v4;
	v5 =	vor.u32 v6, v5  }
0x253: {  	v7 =	vand.u32 $0x7F, v7;
	v63 =	vadd.s32 $0xFFFFFEC0, v3;
	v4 =	vor.u32 v4, v5  }
0x254: {  	v3 =	vadd.s32 $0xFFFFFE48, v3;
	vm0 =	vlt.u32 v63, $0x28;
	v4 =	vor.u32 v7, v4  }
0x255: {  	vm1 =	vlt.u32 v3, $0x28;
	v5 =	vadd.s32 $0xFFFD8000, v4  }
0x256: {  	v3 =	vadd.s32 $0xFFFC9000, v4;
	_ =	sdelay $0x3  }
0x257: {  	[tilespmem:v5+s6+$0x0] =	vst.idx.msk vm0, v0  }
0x258: {  	s16 =	rddreg [dreg:$0xe];
	[tilespmem:v3+s6+$0x0] =	vst.idx.msk vm1, v2  }
0x259: {  	[hbm4b:s16+s1] =	stream.strided.scatter [tilespmem:s6], [sflag:$0x3], $0x5000, s4, s1, $0x38;
	[tilespmem:$0xF200] =	vst v63  }
0x25a: {  	_ =	swait.ge [sflag:s7], $0x5000  }
0x25b: {  	[sflag:s7] =	ssyncset.done $0x0  }
0x25c: {  	s11 =	simm.s32 $0x0;
	[sflag:s7] =	ssyncadd.s32 $0xFFFFB000  }
0x25d: {  	v3 =	vld [tilespmem:s11+$0x0]  }
0x25e: {  	s12 =	simm.s32 $0x10;
	s13 =	simm.s32 $0x0  }
.LBB2_32:
0x25f: {  	p0 =	sne.s32 s12, $0x1F0;
	_ =	sdelay $0x1  }
0x260: {  	v4 =	vmov s11  }
0x261: {  	v5 =	vshll.u32 v3, $0x9;
	v6 =	vshll.u32 v3, $0x7;
	v7 =	vadd.s32 $0xFFFFFE20, v3  }
0x262: {  	v4 =	vshll.u32 v4, $0x3;
	v5 =	vand.u32 $0xFFFFF000, v5;
	v6 =	vand.u32 $0x380, v6  }
0x263: {  	v8 =	vor.u32 s11, v1;
	s11 =	smov.u32 s12;
	v4 =	vand.u32 $0xC00, v4;
	v5 =	vor.u32 v6, v5  }
0x264: {  	v3 =	vadd.s32 $0xFFFFFE98, v3;
	v6 =	vand.u32 $0x7F, v8;
	v4 =	vor.u32 v4, v5  }
0x265: {  	vm0 =	vlt.u32 v3, $0x28;
	v3 =	vor.u32 v6, v4  }
0x266: {  	vm1 =	vlt.u32 v7, $0x28;
	v4 =	vadd.s32 $0xFFFD3000, v3;
	v3 =	vadd.s32 $0xFFFC4000, v3;
	_ =	sdelay $0x3  }
.Ltmp15:
0x267: {  	(pc) =	sbr.rel @p0 .LBB2_32-.Ltmp15, $4  }
0x268: {  	[tilespmem:v4+s0+$0x0] =	vst.idx.msk vm0, v0  }
0x269: {  	s13 =	sadd.s32 $0x10, s13;
	[tilespmem:v3+s0+$0x0] =	vst.idx.msk vm1, v2  }
0x26a: {  	v3 =	vld [tilespmem:s13+$0x0]  }
0x26b: {  	s12 =	sadd.s32 $0x10, s12  }
0x26c: {  	_ =	sdelay $0x2  }
0x26d: {  	v4 =	vmov s11;
	v5 =	vshll.u32 v3, $0x9;
	v6 =	vshll.u32 v3, $0x7  }
0x26e: {  	v4 =	vshll.u32 v4, $0x3;
	v5 =	vand.u32 $0xFFFFF000, v5;
	v6 =	vand.u32 $0x380, v6  }
0x26f: {  	v7 =	vor.u32 s11, v1;
	v4 =	vand.u32 $0xC00, v4;
	v5 =	vor.u32 v6, v5  }
0x270: {  	v7 =	vand.u32 $0x7F, v7;
	v63 =	vadd.s32 $0xFFFFFE98, v3;
	v4 =	vor.u32 v4, v5  }
0x271: {  	v3 =	vadd.s32 $0xFFFFFE20, v3;
	vm0 =	vlt.u32 v63, $0x28;
	v4 =	vor.u32 v7, v4  }
0x272: {  	vm1 =	vlt.u32 v3, $0x28;
	v5 =	vadd.s32 $0xFFFD3000, v4  }
0x273: {  	v3 =	vadd.s32 $0xFFFC4000, v4;
	_ =	sdelay $0x3  }
0x274: {  	[tilespmem:v5+s0+$0x0] =	vst.idx.msk vm0, v0  }
0x275: {  	s16 =	rddreg [dreg:$0xf];
	[tilespmem:v3+s0+$0x0] =	vst.idx.msk vm1, v2  }
0x276: {  	[hbm4b:s16+s1] =	stream.strided.scatter [tilespmem:s0], [sflag:$0x1], $0x5000, s4, s1, $0x38;
	[tilespmem:$0xF200] =	vst v63  }
0x277: {  	_ =	swait.ge [sflag:s8], $0x5000  }
0x278: {  	[sflag:s8] =	ssyncset.done $0x0  }
0x279: {  	s11 =	simm.s32 $0x0;
	[sflag:s8] =	ssyncadd.s32 $0xFFFFB000  }
0x27a: {  	v3 =	vld [tilespmem:s11+$0x0]  }
0x27b: {  	s12 =	simm.s32 $0x10;
	s13 =	simm.s32 $0x0  }
.LBB2_34:
0x27c: {  	p0 =	sne.s32 s12, $0x1F0;
	_ =	sdelay $0x1  }
0x27d: {  	v4 =	vmov s11  }
0x27e: {  	v5 =	vshll.u32 v3, $0x9;
	v6 =	vshll.u32 v3, $0x7;
	v7 =	vadd.s32 $0xFFFFFDF8, v3  }
0x27f: {  	v4 =	vshll.u32 v4, $0x3;
	v5 =	vand.u32 $0xFFFFF000, v5;
	v6 =	vand.u32 $0x380, v6  }
0x280: {  	v8 =	vor.u32 s11, v1;
	s11 =	smov.u32 s12;
	v4 =	vand.u32 $0xC00, v4;
	v5 =	vor.u32 v6, v5  }
0x281: {  	v3 =	vadd.s32 $0xFFFFFE70, v3;
	v6 =	vand.u32 $0x7F, v8;
	v4 =	vor.u32 v4, v5  }
0x282: {  	vm0 =	vlt.u32 v3, $0x28;
	v3 =	vor.u32 v6, v4  }
0x283: {  	vm1 =	vlt.u32 v7, $0x28;
	v4 =	vadd.s32 $0xFFFCE000, v3;
	v3 =	vadd.s32 $0xFFFBF000, v3;
	_ =	sdelay $0x3  }
.Ltmp16:
0x284: {  	(pc) =	sbr.rel @p0 .LBB2_34-.Ltmp16, $4  }
0x285: {  	[tilespmem:v4+s5+$0x0] =	vst.idx.msk vm0, v0  }
0x286: {  	s13 =	sadd.s32 $0x10, s13;
	[tilespmem:v3+s5+$0x0] =	vst.idx.msk vm1, v2  }
0x287: {  	v3 =	vld [tilespmem:s13+$0x0]  }
0x288: {  	s12 =	sadd.s32 $0x10, s12  }
0x289: {  	_ =	sdelay $0x2  }
0x28a: {  	v4 =	vmov s11;
	v5 =	vshll.u32 v3, $0x9;
	v6 =	vshll.u32 v3, $0x7  }
0x28b: {  	v4 =	vshll.u32 v4, $0x3;
	v5 =	vand.u32 $0xFFFFF000, v5;
	v6 =	vand.u32 $0x380, v6  }
0x28c: {  	v7 =	vor.u32 s11, v1;
	v4 =	vand.u32 $0xC00, v4;
	v5 =	vor.u32 v6, v5  }
0x28d: {  	v7 =	vand.u32 $0x7F, v7;
	v63 =	vadd.s32 $0xFFFFFE70, v3;
	v4 =	vor.u32 v4, v5  }
0x28e: {  	v3 =	vadd.s32 $0xFFFFFDF8, v3;
	vm0 =	vlt.u32 v63, $0x28;
	v4 =	vor.u32 v7, v4  }
0x28f: {  	vm1 =	vlt.u32 v3, $0x28;
	v5 =	vadd.s32 $0xFFFCE000, v4  }
0x290: {  	v3 =	vadd.s32 $0xFFFBF000, v4;
	_ =	sdelay $0x3  }
0x291: {  	[tilespmem:v5+s5+$0x0] =	vst.idx.msk vm0, v0  }
0x292: {  	[tilespmem:v3+s5+$0x0] =	vst.idx.msk vm1, v2  }
0x293: {  	[hbm4b:s17+s1] =	stream.strided.scatter [tilespmem:s5], [sflag:$0x2], $0x5000, s4, s1, $0x38;
	[tilespmem:$0xF200] =	vst v63  }
0x294: {  	_ =	swait.ge [sflag:s9], $0x5000  }
0x295: {  	[sflag:s9] =	ssyncset.done $0x0  }
0x296: {  	s11 =	simm.s32 $0x0;
	[sflag:s9] =	ssyncadd.s32 $0xFFFFB000  }
0x297: {  	v3 =	vld [tilespmem:s11+$0x0]  }
0x298: {  	s12 =	simm.s32 $0x10;
	s13 =	simm.s32 $0x0  }
.LBB2_36:
0x299: {  	p0 =	sne.s32 s12, $0x1F0;
	_ =	sdelay $0x1  }
0x29a: {  	v4 =	vmov s11  }
0x29b: {  	v5 =	vshll.u32 v3, $0x9;
	v6 =	vshll.u32 v3, $0x7;
	v7 =	vadd.s32 $0xFFFFFDD0, v3  }
0x29c: {  	v4 =	vshll.u32 v4, $0x3;
	v5 =	vand.u32 $0xFFFFF000, v5;
	v6 =	vand.u32 $0x380, v6  }
0x29d: {  	v8 =	vor.u32 s11, v1;
	s11 =	smov.u32 s12;
	v4 =	vand.u32 $0xC00, v4;
	v5 =	vor.u32 v6, v5  }
0x29e: {  	v3 =	vadd.s32 $0xFFFFFE48, v3;
	v6 =	vand.u32 $0x7F, v8;
	v4 =	vor.u32 v4, v5  }
0x29f: {  	vm0 =	vlt.u32 v3, $0x28;
	v3 =	vor.u32 v6, v4  }
0x2a0: {  	vm1 =	vlt.u32 v7, $0x28;
	v4 =	vadd.s32 $0xFFFC9000, v3;
	v3 =	vadd.s32 $0xFFFBA000, v3;
	_ =	sdelay $0x3  }
.Ltmp17:
0x2a1: {  	(pc) =	sbr.rel @p0 .LBB2_36-.Ltmp17, $4  }
0x2a2: {  	[tilespmem:v4+s6+$0x0] =	vst.idx.msk vm0, v0  }
0x2a3: {  	s13 =	sadd.s32 $0x10, s13;
	[tilespmem:v3+s6+$0x0] =	vst.idx.msk vm1, v2  }
0x2a4: {  	v3 =	vld [tilespmem:s13+$0x0]  }
0x2a5: {  	s12 =	sadd.s32 $0x10, s12  }
0x2a6: {  	_ =	sdelay $0x2  }
0x2a7: {  	v4 =	vmov s11;
	v5 =	vshll.u32 v3, $0x9;
	v6 =	vshll.u32 v3, $0x7  }
0x2a8: {  	v4 =	vshll.u32 v4, $0x3;
	v5 =	vand.u32 $0xFFFFF000, v5;
	v6 =	vand.u32 $0x380, v6  }
0x2a9: {  	v7 =	vor.u32 s11, v1;
	v4 =	vand.u32 $0xC00, v4;
	v5 =	vor.u32 v6, v5  }
0x2aa: {  	v7 =	vand.u32 $0x7F, v7;
	v63 =	vadd.s32 $0xFFFFFE48, v3;
	v4 =	vor.u32 v4, v5  }
0x2ab: {  	v3 =	vadd.s32 $0xFFFFFDD0, v3;
	vm0 =	vlt.u32 v63, $0x28;
	v4 =	vor.u32 v7, v4  }
0x2ac: {  	vm1 =	vlt.u32 v3, $0x28;
	v5 =	vadd.s32 $0xFFFC9000, v4  }
0x2ad: {  	v3 =	vadd.s32 $0xFFFBA000, v4;
	_ =	sdelay $0x3  }
0x2ae: {  	[tilespmem:v5+s6+$0x0] =	vst.idx.msk vm0, v0  }
0x2af: {  	[tilespmem:v3+s6+$0x0] =	vst.idx.msk vm1, v2  }
0x2b0: {  	[hbm4b:s18+s1] =	stream.strided.scatter [tilespmem:s6], [sflag:$0x3], $0x5000, s4, s1, $0x38;
	[tilespmem:$0xF200] =	vst v63  }
0x2b1: {  	_ =	swait.ge [sflag:s7], $0x5000  }
0x2b2: {  	[sflag:s7] =	ssyncset.done $0x0  }
0x2b3: {  	s11 =	simm.s32 $0x0;
	[sflag:s7] =	ssyncadd.s32 $0xFFFFB000  }
0x2b4: {  	v3 =	vld [tilespmem:s11+$0x0]  }
0x2b5: {  	s12 =	simm.s32 $0x10;
	s13 =	simm.s32 $0x0  }
.LBB2_38:
0x2b6: {  	p0 =	sne.s32 s12, $0x1F0;
	_ =	sdelay $0x1  }
0x2b7: {  	v4 =	vmov s11  }
0x2b8: {  	v5 =	vshll.u32 v3, $0x9;
	v6 =	vshll.u32 v3, $0x7;
	v7 =	vadd.s32 $0xFFFFFDA8, v3  }
0x2b9: {  	v4 =	vshll.u32 v4, $0x3;
	v5 =	vand.u32 $0xFFFFF000, v5;
	v6 =	vand.u32 $0x380, v6  }
0x2ba: {  	v8 =	vor.u32 s11, v1;
	s11 =	smov.u32 s12;
	v4 =	vand.u32 $0xC00, v4;
	v5 =	vor.u32 v6, v5  }
0x2bb: {  	v3 =	vadd.s32 $0xFFFFFE20, v3;
	v6 =	vand.u32 $0x7F, v8;
	v4 =	vor.u32 v4, v5  }
0x2bc: {  	vm0 =	vlt.u32 v3, $0x28;
	v3 =	vor.u32 v6, v4  }
0x2bd: {  	vm1 =	vlt.u32 v7, $0x28;
	v4 =	vadd.s32 $0xFFFC4000, v3;
	v3 =	vadd.s32 $0xFFFB5000, v3;
	_ =	sdelay $0x3  }
.Ltmp18:
0x2be: {  	(pc) =	sbr.rel @p0 .LBB2_38-.Ltmp18, $4  }
0x2bf: {  	[tilespmem:v4+s0+$0x0] =	vst.idx.msk vm0, v0  }
0x2c0: {  	s13 =	sadd.s32 $0x10, s13;
	[tilespmem:v3+s0+$0x0] =	vst.idx.msk vm1, v2  }
0x2c1: {  	v3 =	vld [tilespmem:s13+$0x0]  }
0x2c2: {  	s12 =	sadd.s32 $0x10, s12  }
0x2c3: {  	_ =	sdelay $0x2  }
0x2c4: {  	v4 =	vmov s11;
	v5 =	vshll.u32 v3, $0x9;
	v6 =	vshll.u32 v3, $0x7  }
0x2c5: {  	v4 =	vshll.u32 v4, $0x3;
	v5 =	vand.u32 $0xFFFFF000, v5;
	v6 =	vand.u32 $0x380, v6  }
0x2c6: {  	v7 =	vor.u32 s11, v1;
	v4 =	vand.u32 $0xC00, v4;
	v5 =	vor.u32 v6, v5  }
0x2c7: {  	v7 =	vand.u32 $0x7F, v7;
	v63 =	vadd.s32 $0xFFFFFE20, v3;
	v4 =	vor.u32 v4, v5  }
0x2c8: {  	v3 =	vadd.s32 $0xFFFFFDA8, v3;
	vm0 =	vlt.u32 v63, $0x28;
	v4 =	vor.u32 v7, v4  }
0x2c9: {  	vm1 =	vlt.u32 v3, $0x28;
	v5 =	vadd.s32 $0xFFFC4000, v4  }
0x2ca: {  	v3 =	vadd.s32 $0xFFFB5000, v4;
	_ =	sdelay $0x3  }
0x2cb: {  	[tilespmem:v5+s0+$0x0] =	vst.idx.msk vm0, v0  }
0x2cc: {  	[tilespmem:v3+s0+$0x0] =	vst.idx.msk vm1, v2  }
0x2cd: {  	[hbm4b:s19+s1] =	stream.strided.scatter [tilespmem:s0], [sflag:$0x1], $0x5000, s4, s1, $0x38;
	[tilespmem:$0xF200] =	vst v63  }
0x2ce: {  	_ =	swait.ge [sflag:s8], $0x5000  }
0x2cf: {  	[sflag:s8] =	ssyncset.done $0x0  }
0x2d0: {  	s11 =	simm.s32 $0x0;
	[sflag:s8] =	ssyncadd.s32 $0xFFFFB000  }
0x2d1: {  	v3 =	vld [tilespmem:s11+$0x0]  }
0x2d2: {  	s12 =	simm.s32 $0x10;
	s13 =	simm.s32 $0x0  }
.LBB2_40:
0x2d3: {  	p0 =	sne.s32 s12, $0x1F0;
	_ =	sdelay $0x1  }
0x2d4: {  	v4 =	vmov s11  }
0x2d5: {  	v5 =	vshll.u32 v3, $0x9;
	v6 =	vshll.u32 v3, $0x7;
	v7 =	vadd.s32 $0xFFFFFD80, v3  }
0x2d6: {  	v4 =	vshll.u32 v4, $0x3;
	v5 =	vand.u32 $0xFFFFF000, v5;
	v6 =	vand.u32 $0x380, v6  }
0x2d7: {  	v8 =	vor.u32 s11, v1;
	s11 =	smov.u32 s12;
	v4 =	vand.u32 $0xC00, v4;
	v5 =	vor.u32 v6, v5  }
0x2d8: {  	v3 =	vadd.s32 $0xFFFFFDF8, v3;
	v6 =	vand.u32 $0x7F, v8;
	v4 =	vor.u32 v4, v5  }
0x2d9: {  	vm0 =	vlt.u32 v3, $0x28;
	v3 =	vor.u32 v6, v4  }
0x2da: {  	vm1 =	vlt.u32 v7, $0x28;
	v4 =	vadd.s32 $0xFFFBF000, v3;
	v3 =	vadd.s32 $0xFFFB0000, v3;
	_ =	sdelay $0x3  }
.Ltmp19:
0x2db: {  	(pc) =	sbr.rel @p0 .LBB2_40-.Ltmp19, $4  }
0x2dc: {  	[tilespmem:v4+s5+$0x0] =	vst.idx.msk vm0, v0  }
0x2dd: {  	s13 =	sadd.s32 $0x10, s13;
	[tilespmem:v3+s5+$0x0] =	vst.idx.msk vm1, v2  }
0x2de: {  	v3 =	vld [tilespmem:s13+$0x0]  }
0x2df: {  	s12 =	sadd.s32 $0x10, s12  }
0x2e0: {  	_ =	sdelay $0x2  }
0x2e1: {  	v4 =	vmov s11;
	v5 =	vshll.u32 v3, $0x9;
	v6 =	vshll.u32 v3, $0x7  }
0x2e2: {  	v4 =	vshll.u32 v4, $0x3;
	v5 =	vand.u32 $0xFFFFF000, v5;
	v6 =	vand.u32 $0x380, v6  }
0x2e3: {  	v7 =	vor.u32 s11, v1;
	v4 =	vand.u32 $0xC00, v4;
	v5 =	vor.u32 v6, v5  }
0x2e4: {  	v7 =	vand.u32 $0x7F, v7;
	v63 =	vadd.s32 $0xFFFFFDF8, v3;
	v4 =	vor.u32 v4, v5  }
0x2e5: {  	v3 =	vadd.s32 $0xFFFFFD80, v3;
	vm0 =	vlt.u32 v63, $0x28;
	v4 =	vor.u32 v7, v4  }
0x2e6: {  	vm1 =	vlt.u32 v3, $0x28;
	v5 =	vadd.s32 $0xFFFBF000, v4  }
0x2e7: {  	v3 =	vadd.s32 $0xFFFB0000, v4;
	_ =	sdelay $0x3  }
0x2e8: {  	[tilespmem:v5+s5+$0x0] =	vst.idx.msk vm0, v0  }
0x2e9: {  	[tilespmem:v3+s5+$0x0] =	vst.idx.msk vm1, v2  }
0x2ea: {  	[hbm4b:s20+s1] =	stream.strided.scatter [tilespmem:s5], [sflag:$0x2], $0x5000, s4, s1, $0x38;
	[tilespmem:$0xF200] =	vst v63  }
0x2eb: {  	_ =	swait.ge [sflag:s9], $0x5000  }
0x2ec: {  	[sflag:s9] =	ssyncset.done $0x0  }
0x2ed: {  	s11 =	simm.s32 $0x0;
	[sflag:s9] =	ssyncadd.s32 $0xFFFFB000  }
0x2ee: {  	v3 =	vld [tilespmem:s11+$0x0]  }
0x2ef: {  	s12 =	simm.s32 $0x10;
	s13 =	simm.s32 $0x0  }
.LBB2_42:
0x2f0: {  	p0 =	sne.s32 s12, $0x1F0;
	_ =	sdelay $0x1  }
0x2f1: {  	v4 =	vmov s11  }
0x2f2: {  	v5 =	vshll.u32 v3, $0x9;
	v6 =	vshll.u32 v3, $0x7;
	v7 =	vadd.s32 $0xFFFFFD58, v3  }
0x2f3: {  	v4 =	vshll.u32 v4, $0x3;
	v5 =	vand.u32 $0xFFFFF000, v5;
	v6 =	vand.u32 $0x380, v6  }
0x2f4: {  	v8 =	vor.u32 s11, v1;
	s11 =	smov.u32 s12;
	v4 =	vand.u32 $0xC00, v4;
	v5 =	vor.u32 v6, v5  }
0x2f5: {  	v3 =	vadd.s32 $0xFFFFFDD0, v3;
	v6 =	vand.u32 $0x7F, v8;
	v4 =	vor.u32 v4, v5  }
0x2f6: {  	vm0 =	vlt.u32 v3, $0x28;
	v3 =	vor.u32 v6, v4  }
0x2f7: {  	vm1 =	vlt.u32 v7, $0x28;
	v4 =	vadd.s32 $0xFFFBA000, v3;
	v3 =	vadd.s32 $0xFFFAB000, v3;
	_ =	sdelay $0x3  }
.Ltmp20:
0x2f8: {  	(pc) =	sbr.rel @p0 .LBB2_42-.Ltmp20, $4  }
0x2f9: {  	[tilespmem:v4+s6+$0x0] =	vst.idx.msk vm0, v0  }
0x2fa: {  	s13 =	sadd.s32 $0x10, s13;
	[tilespmem:v3+s6+$0x0] =	vst.idx.msk vm1, v2  }
0x2fb: {  	v3 =	vld [tilespmem:s13+$0x0]  }
0x2fc: {  	s12 =	sadd.s32 $0x10, s12  }
0x2fd: {  	_ =	sdelay $0x2  }
0x2fe: {  	v4 =	vmov s11;
	v5 =	vshll.u32 v3, $0x9;
	v6 =	vshll.u32 v3, $0x7  }
0x2ff: {  	v4 =	vshll.u32 v4, $0x3;
	v5 =	vand.u32 $0xFFFFF000, v5;
	v6 =	vand.u32 $0x380, v6  }
0x300: {  	v7 =	vor.u32 s11, v1;
	v4 =	vand.u32 $0xC00, v4;
	v5 =	vor.u32 v6, v5  }
0x301: {  	v7 =	vand.u32 $0x7F, v7;
	v63 =	vadd.s32 $0xFFFFFDD0, v3;
	v4 =	vor.u32 v4, v5  }
0x302: {  	v3 =	vadd.s32 $0xFFFFFD58, v3;
	vm0 =	vlt.u32 v63, $0x28;
	v4 =	vor.u32 v7, v4  }
0x303: {  	vm1 =	vlt.u32 v3, $0x28;
	v5 =	vadd.s32 $0xFFFBA000, v4  }
0x304: {  	v3 =	vadd.s32 $0xFFFAB000, v4;
	_ =	sdelay $0x3  }
0x305: {  	[tilespmem:v5+s6+$0x0] =	vst.idx.msk vm0, v0  }
0x306: {  	[tilespmem:v3+s6+$0x0] =	vst.idx.msk vm1, v2  }
0x307: {  	[hbm4b:s21+s1] =	stream.strided.scatter [tilespmem:s6], [sflag:$0x3], $0x5000, s4, s1, $0x38;
	[tilespmem:$0xF200] =	vst v63  }
0x308: {  	_ =	swait.ge [sflag:s7], $0x5000  }
0x309: {  	[sflag:s7] =	ssyncset.done $0x0  }
0x30a: {  	s11 =	simm.s32 $0x0;
	[sflag:s7] =	ssyncadd.s32 $0xFFFFB000  }
0x30b: {  	v3 =	vld [tilespmem:s11+$0x0]  }
0x30c: {  	s12 =	simm.s32 $0x10;
	s13 =	simm.s32 $0x0  }
.LBB2_44:
0x30d: {  	p0 =	sne.s32 s12, $0x1F0;
	_ =	sdelay $0x1  }
0x30e: {  	v4 =	vmov s11  }
0x30f: {  	v5 =	vshll.u32 v3, $0x9;
	v6 =	vshll.u32 v3, $0x7;
	v7 =	vadd.s32 $0xFFFFFD30, v3  }
0x310: {  	v4 =	vshll.u32 v4, $0x3;
	v5 =	vand.u32 $0xFFFFF000, v5;
	v6 =	vand.u32 $0x380, v6  }
0x311: {  	v8 =	vor.u32 s11, v1;
	s11 =	smov.u32 s12;
	v4 =	vand.u32 $0xC00, v4;
	v5 =	vor.u32 v6, v5  }
0x312: {  	v3 =	vadd.s32 $0xFFFFFDA8, v3;
	v6 =	vand.u32 $0x7F, v8;
	v4 =	vor.u32 v4, v5  }
0x313: {  	vm0 =	vlt.u32 v3, $0x28;
	v3 =	vor.u32 v6, v4  }
0x314: {  	vm1 =	vlt.u32 v7, $0x28;
	v4 =	vadd.s32 $0xFFFB5000, v3;
	v3 =	vadd.s32 $0xFFFA6000, v3;
	_ =	sdelay $0x3  }
.Ltmp21:
0x315: {  	(pc) =	sbr.rel @p0 .LBB2_44-.Ltmp21, $4  }
0x316: {  	[tilespmem:v4+s0+$0x0] =	vst.idx.msk vm0, v0  }
0x317: {  	s13 =	sadd.s32 $0x10, s13;
	[tilespmem:v3+s0+$0x0] =	vst.idx.msk vm1, v2  }
0x318: {  	v3 =	vld [tilespmem:s13+$0x0]  }
0x319: {  	s12 =	sadd.s32 $0x10, s12  }
0x31a: {  	_ =	sdelay $0x2  }
0x31b: {  	v4 =	vmov s11;
	v5 =	vshll.u32 v3, $0x9;
	v6 =	vshll.u32 v3, $0x7  }
0x31c: {  	v4 =	vshll.u32 v4, $0x3;
	v5 =	vand.u32 $0xFFFFF000, v5;
	v6 =	vand.u32 $0x380, v6  }
0x31d: {  	v7 =	vor.u32 s11, v1;
	v4 =	vand.u32 $0xC00, v4;
	v5 =	vor.u32 v6, v5  }
0x31e: {  	v7 =	vand.u32 $0x7F, v7;
	v63 =	vadd.s32 $0xFFFFFDA8, v3;
	v4 =	vor.u32 v4, v5  }
0x31f: {  	v3 =	vadd.s32 $0xFFFFFD30, v3;
	vm0 =	vlt.u32 v63, $0x28;
	v4 =	vor.u32 v7, v4  }
0x320: {  	vm1 =	vlt.u32 v3, $0x28;
	v5 =	vadd.s32 $0xFFFB5000, v4  }
0x321: {  	v3 =	vadd.s32 $0xFFFA6000, v4;
	_ =	sdelay $0x3  }
0x322: {  	[tilespmem:v5+s0+$0x0] =	vst.idx.msk vm0, v0  }
0x323: {  	[tilespmem:v3+s0+$0x0] =	vst.idx.msk vm1, v2  }
0x324: {  	[hbm4b:s22+s1] =	stream.strided.scatter [tilespmem:s0], [sflag:$0x1], $0x5000, s4, s1, $0x38;
	[tilespmem:$0xF200] =	vst v63  }
0x325: {  	_ =	swait.ge [sflag:s8], $0x5000  }
0x326: {  	[sflag:s8] =	ssyncset.done $0x0  }
0x327: {  	s11 =	simm.s32 $0x0;
	[sflag:s8] =	ssyncadd.s32 $0xFFFFB000  }
0x328: {  	v3 =	vld [tilespmem:s11+$0x0]  }
0x329: {  	s12 =	simm.s32 $0x10;
	s13 =	simm.s32 $0x0  }
.LBB2_46:
0x32a: {  	p0 =	sne.s32 s12, $0x1F0;
	_ =	sdelay $0x1  }
0x32b: {  	v4 =	vmov s11  }
0x32c: {  	v5 =	vshll.u32 v3, $0x9;
	v6 =	vshll.u32 v3, $0x7;
	v7 =	vadd.s32 $0xFFFFFD08, v3  }
0x32d: {  	v4 =	vshll.u32 v4, $0x3;
	v5 =	vand.u32 $0xFFFFF000, v5;
	v6 =	vand.u32 $0x380, v6  }
0x32e: {  	v8 =	vor.u32 s11, v1;
	s11 =	smov.u32 s12;
	v4 =	vand.u32 $0xC00, v4;
	v5 =	vor.u32 v6, v5  }
0x32f: {  	v3 =	vadd.s32 $0xFFFFFD80, v3;
	v6 =	vand.u32 $0x7F, v8;
	v4 =	vor.u32 v4, v5  }
0x330: {  	vm0 =	vlt.u32 v3, $0x28;
	v3 =	vor.u32 v6, v4  }
0x331: {  	vm1 =	vlt.u32 v7, $0x28;
	v4 =	vadd.s32 $0xFFFB0000, v3;
	v3 =	vadd.s32 $0xFFFA1000, v3;
	_ =	sdelay $0x3  }
.Ltmp22:
0x332: {  	(pc) =	sbr.rel @p0 .LBB2_46-.Ltmp22, $4  }
0x333: {  	[tilespmem:v4+s5+$0x0] =	vst.idx.msk vm0, v0  }
0x334: {  	s13 =	sadd.s32 $0x10, s13;
	[tilespmem:v3+s5+$0x0] =	vst.idx.msk vm1, v2  }
0x335: {  	v3 =	vld [tilespmem:s13+$0x0]  }
0x336: {  	s12 =	sadd.s32 $0x10, s12  }
0x337: {  	_ =	sdelay $0x2  }
0x338: {  	v4 =	vmov s11;
	v5 =	vshll.u32 v3, $0x9;
	v6 =	vshll.u32 v3, $0x7  }
0x339: {  	v4 =	vshll.u32 v4, $0x3;
	v5 =	vand.u32 $0xFFFFF000, v5;
	v6 =	vand.u32 $0x380, v6  }
0x33a: {  	v7 =	vor.u32 s11, v1;
	v4 =	vand.u32 $0xC00, v4;
	v5 =	vor.u32 v6, v5  }
0x33b: {  	v7 =	vand.u32 $0x7F, v7;
	v63 =	vadd.s32 $0xFFFFFD80, v3;
	v4 =	vor.u32 v4, v5  }
0x33c: {  	v3 =	vadd.s32 $0xFFFFFD08, v3;
	vm0 =	vlt.u32 v63, $0x28;
	v4 =	vor.u32 v7, v4  }
0x33d: {  	vm1 =	vlt.u32 v3, $0x28;
	v5 =	vadd.s32 $0xFFFB0000, v4  }
0x33e: {  	v3 =	vadd.s32 $0xFFFA1000, v4;
	_ =	sdelay $0x3  }
0x33f: {  	[tilespmem:v5+s5+$0x0] =	vst.idx.msk vm0, v0  }
0x340: {  	[tilespmem:v3+s5+$0x0] =	vst.idx.msk vm1, v2  }
0x341: {  	[hbm4b:s23+s1] =	stream.strided.scatter [tilespmem:s5], [sflag:$0x2], $0x5000, s4, s1, $0x38;
	[tilespmem:$0xF200] =	vst v63  }
0x342: {  	_ =	swait.ge [sflag:s9], $0x5000  }
0x343: {  	[sflag:s9] =	ssyncset.done $0x0  }
0x344: {  	s11 =	simm.s32 $0x0;
	[sflag:s9] =	ssyncadd.s32 $0xFFFFB000  }
0x345: {  	v3 =	vld [tilespmem:s11+$0x0]  }
0x346: {  	s12 =	simm.s32 $0x10;
	s13 =	simm.s32 $0x0  }
.LBB2_48:
0x347: {  	p0 =	sne.s32 s12, $0x1F0;
	_ =	sdelay $0x1  }
0x348: {  	v4 =	vmov s11  }
0x349: {  	v5 =	vshll.u32 v3, $0x9;
	v6 =	vshll.u32 v3, $0x7;
	v7 =	vadd.s32 $0xFFFFFCE0, v3  }
0x34a: {  	v4 =	vshll.u32 v4, $0x3;
	v5 =	vand.u32 $0xFFFFF000, v5;
	v6 =	vand.u32 $0x380, v6  }
0x34b: {  	v8 =	vor.u32 s11, v1;
	s11 =	smov.u32 s12;
	v4 =	vand.u32 $0xC00, v4;
	v5 =	vor.u32 v6, v5  }
0x34c: {  	v3 =	vadd.s32 $0xFFFFFD58, v3;
	v6 =	vand.u32 $0x7F, v8;
	v4 =	vor.u32 v4, v5  }
0x34d: {  	vm0 =	vlt.u32 v3, $0x28;
	v3 =	vor.u32 v6, v4  }
0x34e: {  	vm1 =	vlt.u32 v7, $0x28;
	v4 =	vadd.s32 $0xFFFAB000, v3;
	v3 =	vadd.s32 $0xFFF9C000, v3;
	_ =	sdelay $0x3  }
.Ltmp23:
0x34f: {  	(pc) =	sbr.rel @p0 .LBB2_48-.Ltmp23, $4  }
0x350: {  	[tilespmem:v4+s6+$0x0] =	vst.idx.msk vm0, v0  }
0x351: {  	s13 =	sadd.s32 $0x10, s13;
	[tilespmem:v3+s6+$0x0] =	vst.idx.msk vm1, v2  }
0x352: {  	v3 =	vld [tilespmem:s13+$0x0]  }
0x353: {  	s12 =	sadd.s32 $0x10, s12  }
0x354: {  	_ =	sdelay $0x2  }
0x355: {  	v4 =	vmov s11;
	v5 =	vshll.u32 v3, $0x9;
	v6 =	vshll.u32 v3, $0x7  }
0x356: {  	v4 =	vshll.u32 v4, $0x3;
	v5 =	vand.u32 $0xFFFFF000, v5;
	v6 =	vand.u32 $0x380, v6  }
0x357: {  	v7 =	vor.u32 s11, v1;
	v4 =	vand.u32 $0xC00, v4;
	v5 =	vor.u32 v6, v5  }
0x358: {  	v7 =	vand.u32 $0x7F, v7;
	v63 =	vadd.s32 $0xFFFFFD58, v3;
	v4 =	vor.u32 v4, v5  }
0x359: {  	v3 =	vadd.s32 $0xFFFFFCE0, v3;
	vm0 =	vlt.u32 v63, $0x28;
	v4 =	vor.u32 v7, v4  }
0x35a: {  	vm1 =	vlt.u32 v3, $0x28;
	v5 =	vadd.s32 $0xFFFAB000, v4  }
0x35b: {  	v3 =	vadd.s32 $0xFFF9C000, v4;
	_ =	sdelay $0x3  }
0x35c: {  	[tilespmem:v5+s6+$0x0] =	vst.idx.msk vm0, v0  }
0x35d: {  	[tilespmem:v3+s6+$0x0] =	vst.idx.msk vm1, v2  }
0x35e: {  	[hbm4b:s24+s1] =	stream.strided.scatter [tilespmem:s6], [sflag:$0x3], $0x5000, s4, s1, $0x38;
	[tilespmem:$0xF200] =	vst v63  }
0x35f: {  	_ =	swait.ge [sflag:s7], $0x5000  }
0x360: {  	[sflag:s7] =	ssyncset.done $0x0  }
0x361: {  	s11 =	simm.s32 $0x0;
	[sflag:s7] =	ssyncadd.s32 $0xFFFFB000  }
0x362: {  	v3 =	vld [tilespmem:s11+$0x0]  }
0x363: {  	s12 =	simm.s32 $0x10;
	s13 =	simm.s32 $0x0  }
.LBB2_50:
0x364: {  	p0 =	sne.s32 s12, $0x1F0;
	_ =	sdelay $0x1  }
0x365: {  	v4 =	vmov s11  }
0x366: {  	v5 =	vshll.u32 v3, $0x9;
	v6 =	vshll.u32 v3, $0x7;
	v7 =	vadd.s32 $0xFFFFFCB8, v3  }
0x367: {  	v4 =	vshll.u32 v4, $0x3;
	v5 =	vand.u32 $0xFFFFF000, v5;
	v6 =	vand.u32 $0x380, v6  }
0x368: {  	v8 =	vor.u32 s11, v1;
	s11 =	smov.u32 s12;
	v4 =	vand.u32 $0xC00, v4;
	v5 =	vor.u32 v6, v5  }
0x369: {  	v3 =	vadd.s32 $0xFFFFFD30, v3;
	v6 =	vand.u32 $0x7F, v8;
	v4 =	vor.u32 v4, v5  }
0x36a: {  	vm0 =	vlt.u32 v3, $0x28;
	v3 =	vor.u32 v6, v4  }
0x36b: {  	vm1 =	vlt.u32 v7, $0x28;
	v4 =	vadd.s32 $0xFFFA6000, v3;
	v3 =	vadd.s32 $0xFFF97000, v3;
	_ =	sdelay $0x3  }
.Ltmp24:
0x36c: {  	(pc) =	sbr.rel @p0 .LBB2_50-.Ltmp24, $4  }
0x36d: {  	[tilespmem:v4+s0+$0x0] =	vst.idx.msk vm0, v0  }
0x36e: {  	s13 =	sadd.s32 $0x10, s13;
	[tilespmem:v3+s0+$0x0] =	vst.idx.msk vm1, v2  }
0x36f: {  	v3 =	vld [tilespmem:s13+$0x0]  }
0x370: {  	s12 =	sadd.s32 $0x10, s12  }
0x371: {  	_ =	sdelay $0x2  }
0x372: {  	v4 =	vmov s11;
	v5 =	vshll.u32 v3, $0x9;
	v6 =	vshll.u32 v3, $0x7  }
0x373: {  	v4 =	vshll.u32 v4, $0x3;
	v5 =	vand.u32 $0xFFFFF000, v5;
	v6 =	vand.u32 $0x380, v6  }
0x374: {  	v7 =	vor.u32 s11, v1;
	v4 =	vand.u32 $0xC00, v4;
	v5 =	vor.u32 v6, v5  }
0x375: {  	v7 =	vand.u32 $0x7F, v7;
	v63 =	vadd.s32 $0xFFFFFD30, v3;
	v4 =	vor.u32 v4, v5  }
0x376: {  	v3 =	vadd.s32 $0xFFFFFCB8, v3;
	vm0 =	vlt.u32 v63, $0x28;
	v4 =	vor.u32 v7, v4  }
0x377: {  	vm1 =	vlt.u32 v3, $0x28;
	v5 =	vadd.s32 $0xFFFA6000, v4  }
0x378: {  	v3 =	vadd.s32 $0xFFF97000, v4;
	_ =	sdelay $0x3  }
0x379: {  	[tilespmem:v5+s0+$0x0] =	vst.idx.msk vm0, v0  }
0x37a: {  	[tilespmem:v3+s0+$0x0] =	vst.idx.msk vm1, v2  }
0x37b: {  	[hbm4b:s26+s1] =	stream.strided.scatter [tilespmem:s0], [sflag:$0x1], $0x5000, s4, s1, $0x38;
	[tilespmem:$0xF200] =	vst v63  }
0x37c: {  	_ =	swait.ge [sflag:s8], $0x5000  }
0x37d: {  	[sflag:s8] =	ssyncset.done $0x0  }
0x37e: {  	s11 =	simm.s32 $0x0;
	[sflag:s8] =	ssyncadd.s32 $0xFFFFB000  }
0x37f: {  	v3 =	vld [tilespmem:s11+$0x0]  }
0x380: {  	s12 =	simm.s32 $0x10;
	s13 =	simm.s32 $0x0  }
.LBB2_52:
0x381: {  	p0 =	sne.s32 s12, $0x1F0;
	_ =	sdelay $0x1  }
0x382: {  	v4 =	vmov s11  }
0x383: {  	v5 =	vshll.u32 v3, $0x9;
	v6 =	vshll.u32 v3, $0x7;
	v7 =	vadd.s32 $0xFFFFFC90, v3  }
0x384: {  	v4 =	vshll.u32 v4, $0x3;
	v5 =	vand.u32 $0xFFFFF000, v5;
	v6 =	vand.u32 $0x380, v6  }
0x385: {  	v8 =	vor.u32 s11, v1;
	s11 =	smov.u32 s12;
	v4 =	vand.u32 $0xC00, v4;
	v5 =	vor.u32 v6, v5  }
0x386: {  	v3 =	vadd.s32 $0xFFFFFD08, v3;
	v6 =	vand.u32 $0x7F, v8;
	v4 =	vor.u32 v4, v5  }
0x387: {  	vm0 =	vlt.u32 v3, $0x28;
	v3 =	vor.u32 v6, v4  }
0x388: {  	vm1 =	vlt.u32 v7, $0x28;
	v4 =	vadd.s32 $0xFFFA1000, v3;
	v3 =	vadd.s32 $0xFFF92000, v3;
	_ =	sdelay $0x3  }
.Ltmp25:
0x389: {  	(pc) =	sbr.rel @p0 .LBB2_52-.Ltmp25, $4  }
0x38a: {  	[tilespmem:v4+s5+$0x0] =	vst.idx.msk vm0, v0  }
0x38b: {  	s13 =	sadd.s32 $0x10, s13;
	[tilespmem:v3+s5+$0x0] =	vst.idx.msk vm1, v2  }
0x38c: {  	v3 =	vld [tilespmem:s13+$0x0]  }
0x38d: {  	s12 =	sadd.s32 $0x10, s12  }
0x38e: {  	_ =	sdelay $0x2  }
0x38f: {  	v4 =	vmov s11;
	v5 =	vshll.u32 v3, $0x9;
	v6 =	vshll.u32 v3, $0x7  }
0x390: {  	v4 =	vshll.u32 v4, $0x3;
	v5 =	vand.u32 $0xFFFFF000, v5;
	v6 =	vand.u32 $0x380, v6  }
0x391: {  	v7 =	vor.u32 s11, v1;
	v4 =	vand.u32 $0xC00, v4;
	v5 =	vor.u32 v6, v5  }
0x392: {  	v7 =	vand.u32 $0x7F, v7;
	v63 =	vadd.s32 $0xFFFFFD08, v3;
	v4 =	vor.u32 v4, v5  }
0x393: {  	v3 =	vadd.s32 $0xFFFFFC90, v3;
	vm0 =	vlt.u32 v63, $0x28;
	v4 =	vor.u32 v7, v4  }
0x394: {  	vm1 =	vlt.u32 v3, $0x28;
	v5 =	vadd.s32 $0xFFFA1000, v4  }
0x395: {  	v3 =	vadd.s32 $0xFFF92000, v4;
	_ =	sdelay $0x3  }
0x396: {  	[tilespmem:v5+s5+$0x0] =	vst.idx.msk vm0, v0  }
0x397: {  	[tilespmem:v3+s5+$0x0] =	vst.idx.msk vm1, v2  }
0x398: {  	[hbm4b:s28+s1] =	stream.strided.scatter [tilespmem:s5], [sflag:$0x2], $0x5000, s4, s1, $0x38;
	[tilespmem:$0xF200] =	vst v63  }
0x399: {  	_ =	swait.ge [sflag:s9], $0x5000  }
0x39a: {  	[sflag:s9] =	ssyncset.done $0x0  }
0x39b: {  	s11 =	simm.s32 $0x0;
	[sflag:s9] =	ssyncadd.s32 $0xFFFFB000  }
0x39c: {  	v3 =	vld [tilespmem:s11+$0x0]  }
0x39d: {  	s12 =	simm.s32 $0x10;
	s13 =	simm.s32 $0x0  }
.LBB2_54:
0x39e: {  	p0 =	sne.s32 s12, $0x1F0;
	_ =	sdelay $0x1  }
0x39f: {  	v4 =	vmov s11  }
0x3a0: {  	v5 =	vshll.u32 v3, $0x9;
	v6 =	vshll.u32 v3, $0x7;
	v7 =	vadd.s32 $0xFFFFFC68, v3  }
0x3a1: {  	v4 =	vshll.u32 v4, $0x3;
	v5 =	vand.u32 $0xFFFFF000, v5;
	v6 =	vand.u32 $0x380, v6  }
0x3a2: {  	v8 =	vor.u32 s11, v1;
	s11 =	smov.u32 s12;
	v4 =	vand.u32 $0xC00, v4;
	v5 =	vor.u32 v6, v5  }
0x3a3: {  	v3 =	vadd.s32 $0xFFFFFCE0, v3;
	v6 =	vand.u32 $0x7F, v8;
	v4 =	vor.u32 v4, v5  }
0x3a4: {  	vm0 =	vlt.u32 v3, $0x28;
	v3 =	vor.u32 v6, v4  }
0x3a5: {  	vm1 =	vlt.u32 v7, $0x28;
	v4 =	vadd.s32 $0xFFF9C000, v3;
	v3 =	vadd.s32 $0xFFF8D000, v3;
	_ =	sdelay $0x3  }
.Ltmp26:
0x3a6: {  	(pc) =	sbr.rel @p0 .LBB2_54-.Ltmp26, $4  }
0x3a7: {  	[tilespmem:v4+s6+$0x0] =	vst.idx.msk vm0, v0  }
0x3a8: {  	s13 =	sadd.s32 $0x10, s13;
	[tilespmem:v3+s6+$0x0] =	vst.idx.msk vm1, v2  }
0x3a9: {  	v3 =	vld [tilespmem:s13+$0x0]  }
0x3aa: {  	s12 =	sadd.s32 $0x10, s12  }
0x3ab: {  	_ =	sdelay $0x2  }
0x3ac: {  	v4 =	vmov s11;
	v5 =	vshll.u32 v3, $0x9;
	v6 =	vshll.u32 v3, $0x7  }
0x3ad: {  	v4 =	vshll.u32 v4, $0x3;
	v5 =	vand.u32 $0xFFFFF000, v5;
	v6 =	vand.u32 $0x380, v6  }
0x3ae: {  	v7 =	vor.u32 s11, v1;
	v4 =	vand.u32 $0xC00, v4;
	v5 =	vor.u32 v6, v5  }
0x3af: {  	v7 =	vand.u32 $0x7F, v7;
	v63 =	vadd.s32 $0xFFFFFCE0, v3;
	v4 =	vor.u32 v4, v5  }
0x3b0: {  	v3 =	vadd.s32 $0xFFFFFC68, v3;
	vm0 =	vlt.u32 v63, $0x28;
	v4 =	vor.u32 v7, v4  }
0x3b1: {  	vm1 =	vlt.u32 v3, $0x28;
	v5 =	vadd.s32 $0xFFF9C000, v4  }
0x3b2: {  	v3 =	vadd.s32 $0xFFF8D000, v4;
	_ =	sdelay $0x3  }
0x3b3: {  	[tilespmem:v5+s6+$0x0] =	vst.idx.msk vm0, v0  }
0x3b4: {  	[tilespmem:v3+s6+$0x0] =	vst.idx.msk vm1, v2  }
0x3b5: {  	[hbm4b:s29+s1] =	stream.strided.scatter [tilespmem:s6], [sflag:$0x3], $0x5000, s4, s1, $0x38;
	[tilespmem:$0xF200] =	vst v63  }
0x3b6: {  	_ =	swait.ge [sflag:s7], $0x5000  }
0x3b7: {  	[sflag:s7] =	ssyncset.done $0x0  }
0x3b8: {  	s11 =	simm.s32 $0x0;
	[sflag:s7] =	ssyncadd.s32 $0xFFFFB000  }
0x3b9: {  	v3 =	vld [tilespmem:s11+$0x0]  }
0x3ba: {  	s12 =	simm.s32 $0x10;
	s13 =	simm.s32 $0x0  }
.LBB2_56:
0x3bb: {  	p0 =	sne.s32 s12, $0x1F0;
	_ =	sdelay $0x1  }
0x3bc: {  	v4 =	vmov s11  }
0x3bd: {  	v5 =	vshll.u32 v3, $0x9;
	v6 =	vshll.u32 v3, $0x7;
	v7 =	vadd.s32 $0xFFFFFC40, v3  }
0x3be: {  	v4 =	vshll.u32 v4, $0x3;
	v5 =	vand.u32 $0xFFFFF000, v5;
	v6 =	vand.u32 $0x380, v6  }
0x3bf: {  	v8 =	vor.u32 s11, v1;
	s11 =	smov.u32 s12;
	v4 =	vand.u32 $0xC00, v4;
	v5 =	vor.u32 v6, v5  }
0x3c0: {  	v3 =	vadd.s32 $0xFFFFFCB8, v3;
	v6 =	vand.u32 $0x7F, v8;
	v4 =	vor.u32 v4, v5  }
0x3c1: {  	vm0 =	vlt.u32 v3, $0x28;
	v3 =	vor.u32 v6, v4  }
0x3c2: {  	vm1 =	vlt.u32 v7, $0x28;
	v4 =	vadd.s32 $0xFFF97000, v3;
	v3 =	vadd.s32 $0xFFF88000, v3;
	_ =	sdelay $0x3  }
.Ltmp27:
0x3c3: {  	(pc) =	sbr.rel @p0 .LBB2_56-.Ltmp27, $4  }
0x3c4: {  	[tilespmem:v4+s0+$0x0] =	vst.idx.msk vm0, v0  }
0x3c5: {  	s13 =	sadd.s32 $0x10, s13;
	[tilespmem:v3+s0+$0x0] =	vst.idx.msk vm1, v2  }
0x3c6: {  	v3 =	vld [tilespmem:s13+$0x0]  }
0x3c7: {  	s12 =	sadd.s32 $0x10, s12  }
0x3c8: {  	_ =	sdelay $0x2  }
0x3c9: {  	v4 =	vmov s11;
	v5 =	vshll.u32 v3, $0x9;
	v6 =	vshll.u32 v3, $0x7  }
0x3ca: {  	v4 =	vshll.u32 v4, $0x3;
	v5 =	vand.u32 $0xFFFFF000, v5;
	v6 =	vand.u32 $0x380, v6  }
0x3cb: {  	v7 =	vor.u32 s11, v1;
	v4 =	vand.u32 $0xC00, v4;
	v5 =	vor.u32 v6, v5  }
0x3cc: {  	v7 =	vand.u32 $0x7F, v7;
	v62 =	vadd.s32 $0xFFFFFCB8, v3;
	v4 =	vor.u32 v4, v5  }
0x3cd: {  	v3 =	vadd.s32 $0xFFFFFC40, v3;
	vm0 =	vlt.u32 v62, $0x28;
	v4 =	vor.u32 v7, v4  }
0x3ce: {  	vm1 =	vlt.u32 v3, $0x28;
	v63 =	vadd.s32 $0xFFF97000, v4  }
0x3cf: {  	v3 =	vadd.s32 $0xFFF88000, v4;
	_ =	sdelay $0x3  }
0x3d0: {  	[tilespmem:v63+s0+$0x0] =	vst.idx.msk vm0, v0  }
0x3d1: {  	[tilespmem:v3+s0+$0x0] =	vst.idx.msk vm1, v2  }
0x3d2: {  	[hbm4b:s30+s1] =	stream.strided.scatter [tilespmem:s0], [sflag:$0x1], $0x5000, s4, s1, $0x38;
	[tilespmem:$0xF200] =	vst v63  }
0x3d3: {  	_ =	swait.ge [sflag:s7], $0x5000  }
0x3d4: {  	[sflag:s7] =	ssyncset.done $0x0  }
0x3d5: {  	s10 =	sadd.s32 $0x1, s10;
	[sflag:s7] =	ssyncadd.s32 $0xFFFFB000  }
0x3d6: {  	p0 =	sne.s32 s10, s25;
	_ =	swait.ge [sflag:s8], $0x5000  }
.Ltmp28:
0x3d7: {  	[sflag:s8] =	ssyncset.done $0x0;
	(pc) =	sbr.rel @p0 .LBB2_1-.Ltmp28, $4  }
0x3d8: {  	[sflag:s8] =	ssyncadd.s32 $0xFFFFB000  }
0x3d9: {  	_ =	swait.ge [sflag:s9], $0x5000  }
0x3da: {  	[sflag:s9] =	ssyncset.done $0x0  }
0x3db: {  	[sflag:s9] =	ssyncadd.s32 $0xFFFFB000  }
0x3dc: {  	_ =	sfence.sel $0x180000  }
0x3dd: {  	[bflag:$0x0] =	sbarrier.arrive $0xFFFF  }
0x3de: {  	_ =	strace $0x90000047  }
0x3df: {  	s0 =	stileid.u32;
	[bflag:$0x2] =	sbarrier.arrive $0xFFFF  }
0x3e0: {  	p0 =	sne.s32 s0, $0x0;
	s0 =	rddreg [dreg:$0x2]  }
0x3e1: {  	s0 =	sadd.s32 @!p0 $0x100000, s0  }
0x3e2: {  	[sflag:s0] =	ssyncadd.tile.s32 @!p0 $0x1;
	_ =	shalt  }
.Lfunc_end2:
_tile_overlayer_lowered:
.L_overlay_start_2:
0x3e3: {  	(tag) =	ssettag $0x2  }
0x3e4: {  	s0 =	rddreg [dreg:$0x0];
	s2 =	stileid.u32  }
0x3e5: {  	s1 =	rddreg [dreg:$0x1];
	p0 =	sne.s32 s2, $0x0  }
0x3e6: {  	s3 =	rddreg [dreg:$0x2];
	[bflag:$0x3] =	sbarrier.arrive $0xFFFF;
	s2 =	simm.s32 @!p0 $0x1C05  }
0x3e7: {  	[timem:s3], [sflag:s2] =	dma.local @!p0 [hbm:s0], s1  }
0x3e8: {  	s0 =	simm.s32 @!p0 $0x5  }
0x3e9: {  	_ =	swait.ge @!p0 [sflag:s0], s1  }
0x3ea: {  	s1 =	ssub.s32 @!p0 $0x0, s1;
	[sflag:s0] =	ssyncset.done @!p0 $0x0  }
0x3eb: {  	[sflag:s0] =	ssyncadd.s32 @!p0 s1  }
0x3ec: {  	[bflag:$0x3] =	sbarrier.arrive $0xFFFF  }
0x3ed: {  	_ =	shalt  }

</sc_bundles>
